<compile_context>
chip_gen: v7x
topology: tpu7x:2x2x1
jax: 0.10.2.dev20260603
libtpu: 0.0.44.dev20260713+nightly
codegen_flags: <defaults>
</compile_context>

<pallas_src>
import functools
import math

import jax
import jax.numpy as jnp
from jax import lax
from jax.experimental import pallas as pl
from jax.experimental.pallas import tpu as pltpu
from jax.experimental.pallas import tpu_sc as plsc

B, T, D = 256, 512, 88
H = 16
NW = 32
RPW = (B * T) // NW
CH = 128
NCHUNK = RPW // CH
SCROWS = 1536
CW = CH * 128
MROW = 96
SWORDS = 257 * MROW
MWORDS = 256 * MROW

_PRIOR_CONST = (272.0 * (math.lgamma(2.5) - 15.0 * math.lgamma(0.1))
                - float(256 * D) * (math.lgamma(0.1) + math.lgamma(0.9)))


def _prep_body(pw_ref, px_ref, py_ref, w_ref, x_ref, len_ref,
               lpw_ref, lpx_ref, a_ref, m_ref, eidx_ref, widx_ref, xidx_ref,
               prior_ref):
    pw = pw_ref[...]
    px = px_ref[...]
    py = py_ref[...].reshape(256, D)
    lpw = jnp.log(pw)
    lpx = jnp.log(px)
    lpy = jnp.log(py)
    l1m = jnp.log1p(-py)
    lpw_ref[...] = lpw
    lpx_ref[...] = lpx
    m_ref[:, 0:D] = lpy - l1m
    m_ref[:, D:MROW] = jnp.zeros((256, MROW - D), jnp.float32)
    a_ref[...] = jnp.sum(l1m, axis=1, keepdims=True)

    w = w_ref[...]
    x = x_ref[...]
    ln = len_ref[...]
    tio = lax.broadcasted_iota(jnp.int32, (T, B), 0)
    mask = tio < ln
    c = w * 16 + x
    zrow = jnp.zeros((1, B), jnp.int32)
    wprev = jnp.concatenate([zrow, w[: T - 1]], axis=0)
    xprev = jnp.concatenate([zrow, x[: T - 1]], axis=0)
    eidx_ref[...] = jnp.where(mask, c, 256).T
    widx_ref[...] = (wprev * 16 + w).T
    xidx_ref[...] = (w * 256 + xprev * 16 + x).T

    ii = lax.broadcasted_iota(jnp.int32, (H, H), 0)
    jj = lax.broadcasted_iota(jnp.int32, (H, H), 1)
    od = ii != jj
    lp0 = -0.9 * jnp.sum(jnp.where(od, lpw, 0.0))
    lp0 = lp0 - 0.9 * jnp.sum(jnp.where(od[None, :, :], lpx, 0.0))
    lp0 = lp0 + jnp.sum(-0.9 * lpy - 0.1 * l1m)
    prior_ref[...] = jnp.reshape(lp0 + _PRIOR_CONST, (1, 1))


def _sc_body(seq, eidxh, widxh, xidxh, lwh, lxh, ah, mh, parts,
             eidx_v, esc_v, widx_v, xidx_v, lw_v, lx_v, a_v, m_v, s_v, ybuf0, ybuf1,
             outv, sem0, sem1):
    wid = lax.axis_index("s") * 2 + lax.axis_index("c")
    base = wid * RPW
    sbase = wid * SCROWS
    pltpu.async_copy(seq.at[pl.ds(sbase * 128, CW)], ybuf0, sem0)
    pltpu.sync_copy(eidxh.at[pl.ds(base, RPW)], eidx_v)
    pltpu.sync_copy(eidxh.at[pl.ds(sbase, SCROWS)], esc_v)
    pltpu.sync_copy(widxh.at[pl.ds(base, RPW)], widx_v)
    pltpu.sync_copy(xidxh.at[pl.ds(base, RPW)], xidx_v)
    pltpu.sync_copy(lwh, lw_v)
    pltpu.sync_copy(lxh, lx_v)
    pltpu.sync_copy(ah, a_v)
    pltpu.sync_copy(mh, m_v)

    def zb(i, carry):
        s_v[pl.ds(i * 16, 16)] = jnp.zeros((16,), jnp.float32)
        return carry

    lax.fori_loop(0, SWORDS // 16, zb, 0)

    acc = jnp.zeros((16,), jnp.float32)

    def gloop(i, acc):
        gi = i * 16
        e16 = eidx_v[pl.ds(gi, 16)]
        w16 = widx_v[pl.ds(gi, 16)]
        x16 = xidx_v[pl.ds(gi, 16)]
        m16 = e16 < 256
        eg = jnp.where(m16, e16, 0)
        ga = plsc.load_gather(a_v, [eg])
        gw = plsc.load_gather(lw_v, [w16])
        gx = plsc.load_gather(lx_v, [x16])
        return acc + jnp.where(m16, ga + gw + gx,
                               jnp.zeros((16,), jnp.float32))

    acc = lax.fori_loop(0, RPW // 16, gloop, acc)

    def process(yb, gbase, acc):
        def grp(i, acc):
            gi = gbase + i * 16
            e16 = esc_v[pl.ds(gi, 16)]
            offs = [e16[r] * MROW for r in range(16)]
            for r in range(0, 16, 2):
                rb0 = (i * 16 + r) * 128
                rb1 = rb0 + 128
                vals0 = [yb[pl.ds(rb0 + j * 16, 16)] for j in range(6)]
                vals1 = [yb[pl.ds(rb1 + j * 16, 16)] for j in range(6)]
                for j in range(6):
                    plsc.addupdate(s_v.at[pl.ds(offs[r] + j * 16, 16)],
                                   vals0[j])
                for j in range(6):
                    plsc.addupdate(s_v.at[pl.ds(offs[r + 1] + j * 16, 16)],
                                   vals1[j])
            return acc

        return lax.fori_loop(0, CH // 16, grp, acc)

    def wait_chunk(buf, sem):
        pltpu.make_async_copy(seq.at[pl.ds(0, CW)], buf, sem).wait()

    def superchunk(k, acc):
        w0 = sbase * 128 + 2 * k * CW
        pltpu.async_copy(seq.at[pl.ds(w0 + CW, CW)], ybuf1, sem1)
        wait_chunk(ybuf0, sem0)
        acc = process(ybuf0, 2 * k * CH, acc)

        @pl.when(k < SCROWS // (2 * CH) - 1)
        def _next():
            pltpu.async_copy(seq.at[pl.ds(w0 + 2 * CW, CW)], ybuf0, sem0)

        wait_chunk(ybuf1, sem1)
        return process(ybuf1, (2 * k + 1) * CH, acc)

    acc = lax.fori_loop(0, SCROWS // (2 * CH), superchunk, acc)

    def dot(i, acc):
        o = i * 16
        return acc + s_v[pl.ds(o, 16)] * m_v[pl.ds(o, 16)]

    acc = lax.fori_loop(0, MWORDS // 16, dot, acc)
    outv[...] = acc
    pltpu.sync_copy(outv, parts.at[wid])


def _pad_body(x_ref, o_ref):
    x = x_ref[...].reshape(8 * T, D).reshape(T, 8, D)
    o_ref[...] = jnp.concatenate(
        [x, jnp.zeros((T, 8, 128 - D), jnp.float32)], axis=2)


def _emit_mm_body(y_ref, c_ref, o_ref):
    i = pl.program_id(0)
    y = y_ref[...].reshape(4096, 128)[:, 0:D].astype(jnp.bfloat16)
    c = c_ref[...]
    cols = lax.broadcasted_iota(jnp.int32, (4096, 272), 1)
    oh = jnp.where(cols == c[:, None], 1.0, 0.0).astype(jnp.bfloat16)
    res = jax.lax.dot_general(oh, y, (((0,), (0,)), ((), ())),
                              preferred_element_type=jnp.float32)

    @pl.when(i == 0)
    def _init():
        o_ref[...] = jnp.zeros((272, D), jnp.float32)

    o_ref[...] += res


def _combine_body(parts_ref, s_ref, m_ref, prior_ref, hid_ref, o_ref):
    lp = (jnp.sum(parts_ref[...])
          + jnp.sum(s_ref[0:256, :] * m_ref[:, 0:D])
          + prior_ref[0, 0] + hid_ref[0, 0] - 256.0)
    o_ref[...] = jnp.reshape(lp, (1, 1))


def kernel(sequences, probs_w, probs_x, probs_y, lengths, w_traj, x_traj,
           hidden_dim):
    w_traj = w_traj.astype(jnp.int32)
    x_traj = x_traj.astype(jnp.int32)
    lengths2 = lengths.astype(jnp.int32).reshape(1, B)

    f32 = jnp.float32
    i32 = jnp.int32
    prep = pl.pallas_call(
        _prep_body,
        out_shape=[
            jax.ShapeDtypeStruct((H, H), f32),
            jax.ShapeDtypeStruct((H, H, H), f32),
            jax.ShapeDtypeStruct((256, 1), f32),
            jax.ShapeDtypeStruct((256, MROW), f32),
            jax.ShapeDtypeStruct((B, T), i32),
            jax.ShapeDtypeStruct((B, T), i32),
            jax.ShapeDtypeStruct((B, T), i32),
            jax.ShapeDtypeStruct((1, 1), f32),
        ],
    )
    lpw, lpx, a2, m2, eidx, widx, xidx, prior = prep(
        probs_w, probs_x, probs_y, w_traj, x_traj, lengths2)

    sc = functools.partial(
        pl.kernel,
        out_type=jax.ShapeDtypeStruct((NW, 16), f32),
        mesh=plsc.VectorSubcoreMesh(core_axis_name="c", subcore_axis_name="s"),
        compiler_params=pltpu.CompilerParams(needs_layout_passes=False),
        scratch_types=[
            pltpu.VMEM((RPW,), i32),
            pltpu.VMEM((SCROWS,), i32),
            pltpu.VMEM((RPW,), i32),
            pltpu.VMEM((RPW,), i32),
            pltpu.VMEM((256,), f32),
            pltpu.VMEM((4096,), f32),
            pltpu.VMEM((256,), f32),
            pltpu.VMEM((MWORDS,), f32),
            pltpu.VMEM((SWORDS,), f32),
            pltpu.VMEM((CW,), f32),
            pltpu.VMEM((CW,), f32),
            pltpu.VMEM((16,), f32),
            pltpu.SemaphoreType.DMA,
            pltpu.SemaphoreType.DMA,
        ],
    )(_sc_body)

    seq_pad = pl.pallas_call(
        _pad_body,
        grid=(B // 8,),
        in_specs=[pl.BlockSpec((8, T, D), lambda i: (i, 0, 0))],
        out_specs=pl.BlockSpec((T, 8, 128), lambda i: (i, 0, 0)),
        out_shape=jax.ShapeDtypeStruct((B * T // 8, 8, 128), jnp.float32),
    )(sequences)

    parts = sc(
        seq_pad.reshape(B * T * 128),
        eidx.reshape(B * T),
        widx.reshape(B * T),
        xidx.reshape(B * T),
        lpw.reshape(256),
        lpx.reshape(4096),
        a2.reshape(256),
        m2.reshape(MWORDS),
    )

    s_tc = pl.pallas_call(
        _emit_mm_body,
        grid=(20,),
        in_specs=[
            pl.BlockSpec((512, 8, 128), lambda i: (12 + i, 0, 0)),
            pl.BlockSpec((4096,), lambda i: (12 + i,)),
        ],
        out_specs=pl.BlockSpec((272, D), lambda i: (0, 0)),
        out_shape=jax.ShapeDtypeStruct((272, D), f32),
    )(seq_pad, eidx.reshape(B * T))

    hid = jnp.asarray(hidden_dim, f32).reshape(1, 1)
    out = pl.pallas_call(
        _combine_body,
        out_shape=jax.ShapeDtypeStruct((1, 1), f32),
    )(parts, s_tc, m2, prior, hid)
    return out.reshape(())

# --- scband reference (transcript-rebuilt; emitter-appended) ---
"""Pipeline reference for scband-model4-53953379172893 (READ-ONLY COPY).

The authoritative reference and input builder live on the scoring server;
editing this copy changes nothing except your own understanding.
"""

import jax, jax.numpy as jnp
import numpy as np
from jax.scipy.special import gammaln

B, T, D, HIDDEN_DIM_ARG = 256, 512, 88, 256
H = int(HIDDEN_DIM_ARG ** 0.5)


def setup_inputs(seed: int = 0) -> dict:
    key = jax.random.key(seed)
    ks = jax.random.split(key, 6)
    # observed Bernoulli data (0/1 tones)
    sequences = jax.random.randint(ks[0], (B, T, D), 0, 2).astype(jnp.float32)
    lengths = jax.random.randint(ks[1], (B,), 1, T + 1)
    # latent global params, sampled once from their priors (these play the role of learned params)
    alpha = 0.9 * jnp.eye(H) + 0.1
    probs_w = jnp.clip(jax.random.dirichlet(ks[2], alpha), 1e-8, 1.0)  # [H, H]
    probs_x = jnp.clip(jax.random.dirichlet(ks[3], jnp.broadcast_to(alpha, (H, H, H))), 1e-8, 1.0)  # [H, H, H]
    probs_y = jnp.clip(jax.random.beta(ks[4], 0.1, 0.9, (H, H, D)), 1e-6, 1.0 - 1e-6)  # [H, H, D]
    # ancestral-sample the two markov chains w_t, x_t (pyro.sample Categorical sites)
    log_pw = jnp.log(probs_w)
    log_px = jnp.log(probs_x)

    def step(carry, kt):
        w_prev, x_prev = carry
        kw, kx = jax.random.split(kt)
        w = jax.random.categorical(kw, log_pw[w_prev])
        x = jax.random.categorical(kx, log_px[w, x_prev])
        return (w, x), (w, x)

    keys = jax.random.split(ks[5], T)
    init = (jnp.zeros((B,), jnp.int32), jnp.zeros((B,), jnp.int32))
    _, (w_traj, x_traj) = jax.lax.scan(step, init, keys)  # each [T, B]
    return {
        "sequences": sequences,
        "probs_w": probs_w,
        "probs_x": probs_x,
        "probs_y": probs_y,
        "lengths": lengths,
        "w_traj": w_traj,
        "x_traj": x_traj,
        "hidden_dim": HIDDEN_DIM_ARG,
    }


def _dirichlet_logpdf(p, a):
    return jnp.sum((a - 1.0) * jnp.log(p), -1) + gammaln(jnp.sum(a, -1)) - jnp.sum(gammaln(a), -1)


def reference(sequences, probs_w, probs_x, probs_y, lengths, w_traj, x_traj, hidden_dim):
    # log joint density of the pyro factorial-HMM model, evaluated at the sampled sites
    Hh = probs_w.shape[0]
    alpha = 0.9 * jnp.eye(Hh) + 0.1
    # priors (poutine.mask(include_prior=True))
    lp = jnp.sum(_dirichlet_logpdf(probs_w, alpha))
    lp = lp + jnp.sum(_dirichlet_logpdf(probs_x, jnp.broadcast_to(alpha, probs_x.shape)))
    a, b = 0.1, 0.9
    lp = lp + jnp.sum((a - 1.0) * jnp.log(probs_y) + (b - 1.0) * jnp.log1p(-probs_y)
                      + gammaln(a + b) - gammaln(a) - gammaln(b))
    Tn, Bn = w_traj.shape
    w_prev = jnp.concatenate([jnp.zeros((1, Bn), w_traj.dtype), w_traj[:-1]], 0)
    x_prev = jnp.concatenate([jnp.zeros((1, Bn), x_traj.dtype), x_traj[:-1]], 0)
    mask = jnp.arange(Tn)[:, None] < lengths[None, :]  # [T, B], poutine.mask(t < lengths)
    # w_t ~ Categorical(probs_w[w_{t-1}])
    lp_w = jnp.log(probs_w)[w_prev, w_traj]
    # x_t ~ Categorical(probs_x[w_t, x_{t-1}])
    lp_x = jnp.log(probs_x)[w_traj, x_prev, x_traj]
    lp = lp + jnp.sum(jnp.where(mask, lp_w, 0.0)) + jnp.sum(jnp.where(mask, lp_x, 0.0))
    # y_t ~ Bernoulli(probs_y[w_t, x_t, tones]), obs = sequences[:, t]
    p_y = probs_y[w_traj, x_traj]  # [T, B, D] gather
    y = jnp.transpose(sequences, (1, 0, 2))  # [T, B, D]
    ll_y = y * jnp.log(p_y) + (1.0 - y) * jnp.log1p(-p_y)
    lp = lp + jnp.sum(jnp.where(mask[:, :, None], ll_y, 0.0))
    lp = lp + (jnp.asarray(hidden_dim, lp.dtype) - float(Hh * Hh))
    return lp

if __name__ == "__main__":
    import jax
    _d = setup_inputs()
    print(jax.jit(kernel)(*tuple(_d.values())))

</pallas_src>

<mosaic_0001>
#map = affine_map<(d0, d1) -> (0)>
#map1 = affine_map<(d0, d1) -> (0, 0)>
module attributes {stable_mosaic.version = 14 : i64} {
  func.func @_sc_body(%arg0: i32, %arg1: i32, %arg2: memref<16777216xf32, #tpu.memory_space<hbm>>, %arg3: memref<131072xi32, #tpu.memory_space<hbm>>, %arg4: memref<131072xi32, #tpu.memory_space<hbm>>, %arg5: memref<131072xi32, #tpu.memory_space<hbm>>, %arg6: memref<256xf32, #tpu.memory_space<hbm>>, %arg7: memref<4096xf32, #tpu.memory_space<hbm>>, %arg8: memref<256xf32, #tpu.memory_space<hbm>>, %arg9: memref<24576xf32, #tpu.memory_space<hbm>>, %arg10: memref<32x16xf32, #tpu.memory_space<hbm>>, %arg11: memref<4096xi32, #tpu.memory_space<vmem>>, %arg12: memref<1536xi32, #tpu.memory_space<vmem>>, %arg13: memref<4096xi32, #tpu.memory_space<vmem>>, %arg14: memref<4096xi32, #tpu.memory_space<vmem>>, %arg15: memref<256xf32, #tpu.memory_space<vmem>>, %arg16: memref<4096xf32, #tpu.memory_space<vmem>>, %arg17: memref<256xf32, #tpu.memory_space<vmem>>, %arg18: memref<24576xf32, #tpu.memory_space<vmem>>, %arg19: memref<24672xf32, #tpu.memory_space<vmem>>, %arg20: memref<16384xf32, #tpu.memory_space<vmem>>, %arg21: memref<16384xf32, #tpu.memory_space<vmem>>, %arg22: memref<16xf32, #tpu.memory_space<vmem>>, %arg23: memref<!tpu.dma_semaphore, #tpu.memory_space<semaphore_mem>>, %arg24: memref<!tpu.dma_semaphore, #tpu.memory_space<semaphore_mem>>) attributes {dimension_semantics = [#tpu.dimension_semantics<core_parallel>, #tpu.dimension_semantics<subcore_parallel>], iteration_bounds = array<i64: 2, 16>, scalar_prefetch = 0 : i64, scratch_operands = 14 : i64, tpu.core_type = #tpu.core_type<sc_vector_subcore>, window_params = [{transform_indices = #map}, {transform_indices = #map}, {transform_indices = #map}, {transform_indices = #map}, {transform_indices = #map}, {transform_indices = #map}, {transform_indices = #map}, {transform_indices = #map}, {transform_indices = #map1}]} {
    %mul3A = arith.constant 2 : i32
    %mul3A_0 = arith.muli %arg1, %mul3A : i32
    %add3A = arith.addi %mul3A_0, %arg0 : i32
    %mul3A_1 = arith.constant 4096 : i32
    %mul3A_2 = arith.muli %add3A, %mul3A_1 : i32
    %mul3A_3 = arith.constant 1536 : i32
    %mul3A_4 = arith.muli %add3A, %mul3A_3 : i32
    %mul3A_5 = arith.constant 128 : i32
    %mul3A_6 = arith.muli %mul3A_4, %mul3A_5 : i32
    %dma_start3A = tpu.memref_slice %arg2[%mul3A_6] : memref<16777216xf32, #tpu.memory_space<hbm>> -> memref<16384xf32, #tpu.memory_space<hbm>>
    %dma_start3A_7 = tpu.memref_slice %arg2[%mul3A_6] : memref<16777216xf32, #tpu.memory_space<hbm>> -> memref<16384xf32, #tpu.memory_space<hbm>>
    tpu.enqueue_dma source(%dma_start3A_7 : memref<16384xf32, #tpu.memory_space<hbm>>) target(%arg20 : memref<16384xf32, #tpu.memory_space<vmem>>) target_semaphore(%arg23 : memref<!tpu.dma_semaphore, #tpu.memory_space<semaphore_mem>>)
    "tpu.region"() ({
      %run_scoped3A = tpu.sem_alloc : memref<!tpu.dma_semaphore, #tpu.memory_space<semaphore_mem>>
      %dma_start3A_32 = tpu.memref_slice %arg3[%mul3A_2] : memref<131072xi32, #tpu.memory_space<hbm>> -> memref<4096xi32, #tpu.memory_space<hbm>>
      %dma_start3A_33 = tpu.memref_slice %arg3[%mul3A_2] : memref<131072xi32, #tpu.memory_space<hbm>> -> memref<4096xi32, #tpu.memory_space<hbm>>
      tpu.enqueue_dma source(%dma_start3A_33 : memref<4096xi32, #tpu.memory_space<hbm>>) target(%arg11 : memref<4096xi32, #tpu.memory_space<vmem>>) target_semaphore(%run_scoped3A : memref<!tpu.dma_semaphore, #tpu.memory_space<semaphore_mem>>)
      %dma_wait3A = tpu.memref_slice %arg3[%mul3A_2] : memref<131072xi32, #tpu.memory_space<hbm>> -> memref<4096xi32, #tpu.memory_space<hbm>>
      %dma_wait3A_34 = tpu.memref_slice %arg3[%mul3A_2] : memref<131072xi32, #tpu.memory_space<hbm>> -> memref<4096xi32, #tpu.memory_space<hbm>>
      tpu.wait_dma2 semaphore(%run_scoped3A : memref<!tpu.dma_semaphore, #tpu.memory_space<semaphore_mem>>) src(%dma_wait3A_34 : memref<4096xi32, #tpu.memory_space<hbm>>) dst(%arg11 : memref<4096xi32, #tpu.memory_space<vmem>>)
      tpu.yield
    }) : () -> ()
    "tpu.region"() ({
      %run_scoped3A = tpu.sem_alloc : memref<!tpu.dma_semaphore, #tpu.memory_space<semaphore_mem>>
      %dma_start3A_32 = tpu.memref_slice %arg3[%mul3A_4] : memref<131072xi32, #tpu.memory_space<hbm>> -> memref<1536xi32, #tpu.memory_space<hbm>>
      %dma_start3A_33 = tpu.memref_slice %arg3[%mul3A_4] : memref<131072xi32, #tpu.memory_space<hbm>> -> memref<1536xi32, #tpu.memory_space<hbm>>
      tpu.enqueue_dma source(%dma_start3A_33 : memref<1536xi32, #tpu.memory_space<hbm>>) target(%arg12 : memref<1536xi32, #tpu.memory_space<vmem>>) target_semaphore(%run_scoped3A : memref<!tpu.dma_semaphore, #tpu.memory_space<semaphore_mem>>)
      %dma_wait3A = tpu.memref_slice %arg3[%mul3A_4] : memref<131072xi32, #tpu.memory_space<hbm>> -> memref<1536xi32, #tpu.memory_space<hbm>>
      %dma_wait3A_34 = tpu.memref_slice %arg3[%mul3A_4] : memref<131072xi32, #tpu.memory_space<hbm>> -> memref<1536xi32, #tpu.memory_space<hbm>>
      tpu.wait_dma2 semaphore(%run_scoped3A : memref<!tpu.dma_semaphore, #tpu.memory_space<semaphore_mem>>) src(%dma_wait3A_34 : memref<1536xi32, #tpu.memory_space<hbm>>) dst(%arg12 : memref<1536xi32, #tpu.memory_space<vmem>>)
      tpu.yield
    }) : () -> ()
    "tpu.region"() ({
      %run_scoped3A = tpu.sem_alloc : memref<!tpu.dma_semaphore, #tpu.memory_space<semaphore_mem>>
      %dma_start3A_32 = tpu.memref_slice %arg4[%mul3A_2] : memref<131072xi32, #tpu.memory_space<hbm>> -> memref<4096xi32, #tpu.memory_space<hbm>>
      %dma_start3A_33 = tpu.memref_slice %arg4[%mul3A_2] : memref<131072xi32, #tpu.memory_space<hbm>> -> memref<4096xi32, #tpu.memory_space<hbm>>
      tpu.enqueue_dma source(%dma_start3A_33 : memref<4096xi32, #tpu.memory_space<hbm>>) target(%arg13 : memref<4096xi32, #tpu.memory_space<vmem>>) target_semaphore(%run_scoped3A : memref<!tpu.dma_semaphore, #tpu.memory_space<semaphore_mem>>)
      %dma_wait3A = tpu.memref_slice %arg4[%mul3A_2] : memref<131072xi32, #tpu.memory_space<hbm>> -> memref<4096xi32, #tpu.memory_space<hbm>>
      %dma_wait3A_34 = tpu.memref_slice %arg4[%mul3A_2] : memref<131072xi32, #tpu.memory_space<hbm>> -> memref<4096xi32, #tpu.memory_space<hbm>>
      tpu.wait_dma2 semaphore(%run_scoped3A : memref<!tpu.dma_semaphore, #tpu.memory_space<semaphore_mem>>) src(%dma_wait3A_34 : memref<4096xi32, #tpu.memory_space<hbm>>) dst(%arg13 : memref<4096xi32, #tpu.memory_space<vmem>>)
      tpu.yield
    }) : () -> ()
    "tpu.region"() ({
      %run_scoped3A = tpu.sem_alloc : memref<!tpu.dma_semaphore, #tpu.memory_space<semaphore_mem>>
      %dma_start3A_32 = tpu.memref_slice %arg5[%mul3A_2] : memref<131072xi32, #tpu.memory_space<hbm>> -> memref<4096xi32, #tpu.memory_space<hbm>>
      %dma_start3A_33 = tpu.memref_slice %arg5[%mul3A_2] : memref<131072xi32, #tpu.memory_space<hbm>> -> memref<4096xi32, #tpu.memory_space<hbm>>
      tpu.enqueue_dma source(%dma_start3A_33 : memref<4096xi32, #tpu.memory_space<hbm>>) target(%arg14 : memref<4096xi32, #tpu.memory_space<vmem>>) target_semaphore(%run_scoped3A : memref<!tpu.dma_semaphore, #tpu.memory_space<semaphore_mem>>)
      %dma_wait3A = tpu.memref_slice %arg5[%mul3A_2] : memref<131072xi32, #tpu.memory_space<hbm>> -> memref<4096xi32, #tpu.memory_space<hbm>>
      %dma_wait3A_34 = tpu.memref_slice %arg5[%mul3A_2] : memref<131072xi32, #tpu.memory_space<hbm>> -> memref<4096xi32, #tpu.memory_space<hbm>>
      tpu.wait_dma2 semaphore(%run_scoped3A : memref<!tpu.dma_semaphore, #tpu.memory_space<semaphore_mem>>) src(%dma_wait3A_34 : memref<4096xi32, #tpu.memory_space<hbm>>) dst(%arg14 : memref<4096xi32, #tpu.memory_space<vmem>>)
      tpu.yield
    }) : () -> ()
    "tpu.region"() ({
      %run_scoped3A = tpu.sem_alloc : memref<!tpu.dma_semaphore, #tpu.memory_space<semaphore_mem>>
      tpu.enqueue_dma source(%arg6 : memref<256xf32, #tpu.memory_space<hbm>>) target(%arg15 : memref<256xf32, #tpu.memory_space<vmem>>) target_semaphore(%run_scoped3A : memref<!tpu.dma_semaphore, #tpu.memory_space<semaphore_mem>>)
      tpu.wait_dma2 semaphore(%run_scoped3A : memref<!tpu.dma_semaphore, #tpu.memory_space<semaphore_mem>>) src(%arg6 : memref<256xf32, #tpu.memory_space<hbm>>) dst(%arg15 : memref<256xf32, #tpu.memory_space<vmem>>)
      tpu.yield
    }) : () -> ()
    "tpu.region"() ({
      %run_scoped3A = tpu.sem_alloc : memref<!tpu.dma_semaphore, #tpu.memory_space<semaphore_mem>>
      tpu.enqueue_dma source(%arg7 : memref<4096xf32, #tpu.memory_space<hbm>>) target(%arg16 : memref<4096xf32, #tpu.memory_space<vmem>>) target_semaphore(%run_scoped3A : memref<!tpu.dma_semaphore, #tpu.memory_space<semaphore_mem>>)
      tpu.wait_dma2 semaphore(%run_scoped3A : memref<!tpu.dma_semaphore, #tpu.memory_space<semaphore_mem>>) src(%arg7 : memref<4096xf32, #tpu.memory_space<hbm>>) dst(%arg16 : memref<4096xf32, #tpu.memory_space<vmem>>)
      tpu.yield
    }) : () -> ()
    "tpu.region"() ({
      %run_scoped3A = tpu.sem_alloc : memref<!tpu.dma_semaphore, #tpu.memory_space<semaphore_mem>>
      tpu.enqueue_dma source(%arg8 : memref<256xf32, #tpu.memory_space<hbm>>) target(%arg17 : memref<256xf32, #tpu.memory_space<vmem>>) target_semaphore(%run_scoped3A : memref<!tpu.dma_semaphore, #tpu.memory_space<semaphore_mem>>)
      tpu.wait_dma2 semaphore(%run_scoped3A : memref<!tpu.dma_semaphore, #tpu.memory_space<semaphore_mem>>) src(%arg8 : memref<256xf32, #tpu.memory_space<hbm>>) dst(%arg17 : memref<256xf32, #tpu.memory_space<vmem>>)
      tpu.yield
    }) : () -> ()
    "tpu.region"() ({
      %run_scoped3A = tpu.sem_alloc : memref<!tpu.dma_semaphore, #tpu.memory_space<semaphore_mem>>
      tpu.enqueue_dma source(%arg9 : memref<24576xf32, #tpu.memory_space<hbm>>) target(%arg18 : memref<24576xf32, #tpu.memory_space<vmem>>) target_semaphore(%run_scoped3A : memref<!tpu.dma_semaphore, #tpu.memory_space<semaphore_mem>>)
      tpu.wait_dma2 semaphore(%run_scoped3A : memref<!tpu.dma_semaphore, #tpu.memory_space<semaphore_mem>>) src(%arg9 : memref<24576xf32, #tpu.memory_space<hbm>>) dst(%arg18 : memref<24576xf32, #tpu.memory_space<vmem>>)
      tpu.yield
    }) : () -> ()
    %scan3A = arith.constant 0 : i32
    %scan3A_8 = arith.constant 0 : i32
    %scan3A_9 = arith.constant 1542 : i32
    %scan3A_10 = arith.addi %scan3A_8, %scan3A_9 : i32
    %scan3A_11 = arith.constant 1 : i32
    scf.for %scan3A_32 = %scan3A_8 to %scan3A_10 step %scan3A_11  : i32 {
      %broadcast_in_dim3A_33 = arith.constant 0.000000e+00 : f32
      %broadcast_in_dim3A_34 = vector.broadcast %broadcast_in_dim3A_33 : f32 to vector<16xf32>
      %mul3A_35 = arith.constant 16 : i32
      %mul3A_36 = arith.muli %scan3A_32, %mul3A_35 : i32
      %swap3A_37 = arith.index_cast %mul3A_36 : i32 to index
      %swap3A_38 = tpu.vector_load %arg19[%swap3A_37] {strides = array<i32>} : memref<24672xf32, #tpu.memory_space<vmem>>, vector<16xf32>,
      tpu.vector_store %arg19[%swap3A_37], %broadcast_in_dim3A_34 {strides = array<i32>} : memref<24672xf32, #tpu.memory_space<vmem>>, vector<16xf32>,
    }
    %scan3A_12 = arith.constant 1542 : i32
    %broadcast_in_dim3A = arith.constant 0.000000e+00 : f32
    %broadcast_in_dim3A_13 = vector.broadcast %broadcast_in_dim3A : f32 to vector<16xf32>
    %scan3A_14 = arith.constant 0 : i32
    %scan3A_15 = arith.constant 256 : i32
    %scan3A_16 = arith.addi %scan3A_14, %scan3A_15 : i32
    %scan3A_17 = arith.constant 1 : i32
    %scan3A_18 = scf.for %scan3A_32 = %scan3A_14 to %scan3A_16 step %scan3A_17 iter_args(%scan3A_33 = %broadcast_in_dim3A_13) -> (vector<16xf32>)  : i32 {
      %mul3A_34 = arith.constant 16 : i32
      %mul3A_35 = arith.muli %scan3A_32, %mul3A_34 : i32
      %get3A = arith.index_cast %mul3A_35 : i32 to index
      %get3A_36 = tpu.vector_load %arg11[%get3A] {strides = array<i32>} : memref<4096xi32, #tpu.memory_space<vmem>>, vector<16xi32>,
      %get3A_37 = arith.index_cast %mul3A_35 : i32 to index
      %get3A_38 = tpu.vector_load %arg13[%get3A_37] {strides = array<i32>} : memref<4096xi32, #tpu.memory_space<vmem>>, vector<16xi32>,
      %get3A_39 = arith.index_cast %mul3A_35 : i32 to index
      %get3A_40 = tpu.vector_load %arg14[%get3A_39] {strides = array<i32>} : memref<4096xi32, #tpu.memory_space<vmem>>, vector<16xi32>,
      %lt3A = arith.constant 256 : i32
      %lt3A_41 = vector.broadcast %lt3A : i32 to vector<16xi32>
      %lt3A_42 = arith.cmpi slt, %get3A_36, %lt3A_41 : vector<16xi32>
      %jit3A = arith.constant 0 : i32
      %broadcast_in_dim3A_43 = vector.broadcast %jit3A : i32 to vector<16xi32>
      %select_n3A = arith.select %lt3A_42, %get3A_36, %broadcast_in_dim3A_43 : vector<16xi1>, vector<16xi32>
      %gather3A = tpu.vector_load_idx %arg17[%select_n3A] : memref<256xf32, #tpu.memory_space<vmem>>[vector<16xi32>], vector<16xf32>,
      %gather3A_44 = tpu.vector_load_idx %arg15[%get3A_38] : memref<256xf32, #tpu.memory_space<vmem>>[vector<16xi32>], vector<16xf32>,
      %gather3A_45 = tpu.vector_load_idx %arg16[%get3A_40] : memref<4096xf32, #tpu.memory_space<vmem>>[vector<16xi32>], vector<16xf32>,
      %add3A_46 = arith.addf %gather3A, %gather3A_44 : vector<16xf32>
      %add3A_47 = arith.addf %add3A_46, %gather3A_45 : vector<16xf32>
      %broadcast_in_dim3A_48 = arith.constant 0.000000e+00 : f32
      %broadcast_in_dim3A_49 = vector.broadcast %broadcast_in_dim3A_48 : f32 to vector<16xf32>
      %select_n3A_50 = arith.select %lt3A_42, %add3A_47, %broadcast_in_dim3A_49 : vector<16xi1>, vector<16xf32>
      %add3A_51 = arith.addf %scan3A_33, %select_n3A_50 : vector<16xf32>
      scf.yield %add3A_51 : vector<16xf32>
    }
    %scan3A_19 = arith.constant 256 : i32
    %scan3A_20 = arith.constant 0 : i32
    %scan3A_21 = arith.constant 6 : i32
    %scan3A_22 = arith.addi %scan3A_20, %scan3A_21 : i32
    %scan3A_23 = arith.constant 1 : i32
    scf.for %scan3A_32 = %scan3A_20 to %scan3A_22 step %scan3A_23  : i32 {
      %mul3A_33 = arith.constant 128 : i32
      %mul3A_34 = arith.muli %mul3A_4, %mul3A_33 : i32
      %mul3A_35 = arith.constant 2 : i32
      %mul3A_36 = arith.muli %mul3A_35, %scan3A_32 : i32
      %mul3A_37 = arith.constant 16384 : i32
      %mul3A_38 = arith.muli %mul3A_36, %mul3A_37 : i32
      %add3A_39 = arith.addi %mul3A_34, %mul3A_38 : i32
      %add3A_40 = arith.constant 16384 : i32
      %add3A_41 = arith.addi %add3A_39, %add3A_40 : i32
      %dma_start3A_42 = tpu.memref_slice %arg2[%add3A_41] : memref<16777216xf32, #tpu.memory_space<hbm>> -> memref<16384xf32, #tpu.memory_space<hbm>>
      %dma_start3A_43 = tpu.memref_slice %arg2[%add3A_41] : memref<16777216xf32, #tpu.memory_space<hbm>> -> memref<16384xf32, #tpu.memory_space<hbm>>
      tpu.enqueue_dma source(%dma_start3A_43 : memref<16384xf32, #tpu.memory_space<hbm>>) target(%arg21 : memref<16384xf32, #tpu.memory_space<vmem>>) target_semaphore(%arg24 : memref<!tpu.dma_semaphore, #tpu.memory_space<semaphore_mem>>)
      %dma_wait3A = arith.constant 0 : i32
      %dma_wait3A_44 = tpu.memref_slice %arg2[%dma_wait3A] : memref<16777216xf32, #tpu.memory_space<hbm>> -> memref<16384xf32, #tpu.memory_space<hbm>>
      %dma_wait3A_45 = arith.constant 0 : i32
      %dma_wait3A_46 = tpu.memref_slice %arg2[%dma_wait3A_45] : memref<16777216xf32, #tpu.memory_space<hbm>> -> memref<16384xf32, #tpu.memory_space<hbm>>
      tpu.wait_dma2 semaphore(%arg23 : memref<!tpu.dma_semaphore, #tpu.memory_space<semaphore_mem>>) src(%dma_wait3A_46 : memref<16384xf32, #tpu.memory_space<hbm>>) dst(%arg20 : memref<16384xf32, #tpu.memory_space<vmem>>)
      %mul3A_47 = arith.constant 2 : i32
      %mul3A_48 = arith.muli %mul3A_47, %scan3A_32 : i32
      %mul3A_49 = arith.constant 128 : i32
      %mul3A_50 = arith.muli %mul3A_48, %mul3A_49 : i32
      %scan3A_51 = arith.constant 0 : i32
      %scan3A_52 = arith.constant 8 : i32
      %scan3A_53 = arith.addi %scan3A_51, %scan3A_52 : i32
      %scan3A_54 = arith.constant 1 : i32
      scf.for %scan3A_73 = %scan3A_51 to %scan3A_53 step %scan3A_54  : i32 {
        %mul3A_74 = arith.constant 16 : i32
        %mul3A_75 = arith.muli %scan3A_73, %mul3A_74 : i32
        %add3A_76 = arith.addi %mul3A_50, %mul3A_75 : i32
        %get3A = arith.index_cast %add3A_76 : i32 to index
        %get3A_77 = tpu.vector_load %arg12[%get3A] {strides = array<i32>} : memref<1536xi32, #tpu.memory_space<vmem>>, vector<16xi32>,
        %slice3A = vector.extract_strided_slice %get3A_77 {offsets = [0], sizes = [1], strides = [1]} : vector<16xi32> to vector<1xi32>
        %squeeze3A = vector.extract %slice3A[0] : i32 from vector<1xi32>
        %mul3A_78 = arith.constant 96 : i32
        %mul3A_79 = arith.muli %squeeze3A, %mul3A_78 : i32
        %slice3A_80 = vector.extract_strided_slice %get3A_77 {offsets = [1], sizes = [1], strides = [1]} : vector<16xi32> to vector<1xi32>
        %squeeze3A_81 = vector.extract %slice3A_80[0] : i32 from vector<1xi32>
        %mul3A_82 = arith.constant 96 : i32
        %mul3A_83 = arith.muli %squeeze3A_81, %mul3A_82 : i32
        %slice3A_84 = vector.extract_strided_slice %get3A_77 {offsets = [2], sizes = [1], strides = [1]} : vector<16xi32> to vector<1xi32>
        %squeeze3A_85 = vector.extract %slice3A_84[0] : i32 from vector<1xi32>
        %mul3A_86 = arith.constant 96 : i32
        %mul3A_87 = arith.muli %squeeze3A_85, %mul3A_86 : i32
        %slice3A_88 = vector.extract_strided_slice %get3A_77 {offsets = [3], sizes = [1], strides = [1]} : vector<16xi32> to vector<1xi32>
        %squeeze3A_89 = vector.extract %slice3A_88[0] : i32 from vector<1xi32>
        %mul3A_90 = arith.constant 96 : i32
        %mul3A_91 = arith.muli %squeeze3A_89, %mul3A_90 : i32
        %slice3A_92 = vector.extract_strided_slice %get3A_77 {offsets = [4], sizes = [1], strides = [1]} : vector<16xi32> to vector<1xi32>
        %squeeze3A_93 = vector.extract %slice3A_92[0] : i32 from vector<1xi32>
        %mul3A_94 = arith.constant 96 : i32
        %mul3A_95 = arith.muli %squeeze3A_93, %mul3A_94 : i32
        %slice3A_96 = vector.extract_strided_slice %get3A_77 {offsets = [5], sizes = [1], strides = [1]} : vector<16xi32> to vector<1xi32>
        %squeeze3A_97 = vector.extract %slice3A_96[0] : i32 from vector<1xi32>
        %mul3A_98 = arith.constant 96 : i32
        %mul3A_99 = arith.muli %squeeze3A_97, %mul3A_98 : i32
        %slice3A_100 = vector.extract_strided_slice %get3A_77 {offsets = [6], sizes = [1], strides = [1]} : vector<16xi32> to vector<1xi32>
        %squeeze3A_101 = vector.extract %slice3A_100[0] : i32 from vector<1xi32>
        %mul3A_102 = arith.constant 96 : i32
        %mul3A_103 = arith.muli %squeeze3A_101, %mul3A_102 : i32
        %slice3A_104 = vector.extract_strided_slice %get3A_77 {offsets = [7], sizes = [1], strides = [1]} : vector<16xi32> to vector<1xi32>
        %squeeze3A_105 = vector.extract %slice3A_104[0] : i32 from vector<1xi32>
        %mul3A_106 = arith.constant 96 : i32
        %mul3A_107 = arith.muli %squeeze3A_105, %mul3A_106 : i32
        %slice3A_108 = vector.extract_strided_slice %get3A_77 {offsets = [8], sizes = [1], strides = [1]} : vector<16xi32> to vector<1xi32>
        %squeeze3A_109 = vector.extract %slice3A_108[0] : i32 from vector<1xi32>
        %mul3A_110 = arith.constant 96 : i32
        %mul3A_111 = arith.muli %squeeze3A_109, %mul3A_110 : i32
        %slice3A_112 = vector.extract_strided_slice %get3A_77 {offsets = [9], sizes = [1], strides = [1]} : vector<16xi32> to vector<1xi32>
        %squeeze3A_113 = vector.extract %slice3A_112[0] : i32 from vector<1xi32>
        %mul3A_114 = arith.constant 96 : i32
        %mul3A_115 = arith.muli %squeeze3A_113, %mul3A_114 : i32
        %slice3A_116 = vector.extract_strided_slice %get3A_77 {offsets = [10], sizes = [1], strides = [1]} : vector<16xi32> to vector<1xi32>
        %squeeze3A_117 = vector.extract %slice3A_116[0] : i32 from vector<1xi32>
        %mul3A_118 = arith.constant 96 : i32
        %mul3A_119 = arith.muli %squeeze3A_117, %mul3A_118 : i32
        %slice3A_120 = vector.extract_strided_slice %get3A_77 {offsets = [11], sizes = [1], strides = [1]} : vector<16xi32> to vector<1xi32>
        %squeeze3A_121 = vector.extract %slice3A_120[0] : i32 from vector<1xi32>
        %mul3A_122 = arith.constant 96 : i32
        %mul3A_123 = arith.muli %squeeze3A_121, %mul3A_122 : i32
        %slice3A_124 = vector.extract_strided_slice %get3A_77 {offsets = [12], sizes = [1], strides = [1]} : vector<16xi32> to vector<1xi32>
        %squeeze3A_125 = vector.extract %slice3A_124[0] : i32 from vector<1xi32>
        %mul3A_126 = arith.constant 96 : i32
        %mul3A_127 = arith.muli %squeeze3A_125, %mul3A_126 : i32
        %slice3A_128 = vector.extract_strided_slice %get3A_77 {offsets = [13], sizes = [1], strides = [1]} : vector<16xi32> to vector<1xi32>
        %squeeze3A_129 = vector.extract %slice3A_128[0] : i32 from vector<1xi32>
        %mul3A_130 = arith.constant 96 : i32
        %mul3A_131 = arith.muli %squeeze3A_129, %mul3A_130 : i32
        %slice3A_132 = vector.extract_strided_slice %get3A_77 {offsets = [14], sizes = [1], strides = [1]} : vector<16xi32> to vector<1xi32>
        %squeeze3A_133 = vector.extract %slice3A_132[0] : i32 from vector<1xi32>
        %mul3A_134 = arith.constant 96 : i32
        %mul3A_135 = arith.muli %squeeze3A_133, %mul3A_134 : i32
        %slice3A_136 = vector.extract_strided_slice %get3A_77 {offsets = [15], sizes = [1], strides = [1]} : vector<16xi32> to vector<1xi32>
        %squeeze3A_137 = vector.extract %slice3A_136[0] : i32 from vector<1xi32>
        %mul3A_138 = arith.constant 96 : i32
        %mul3A_139 = arith.muli %squeeze3A_137, %mul3A_138 : i32
        %mul3A_140 = arith.constant 16 : i32
        %mul3A_141 = arith.muli %scan3A_73, %mul3A_140 : i32
        %add3A_142 = arith.constant 0 : i32
        %add3A_143 = arith.addi %mul3A_141, %add3A_142 : i32
        %mul3A_144 = arith.constant 128 : i32
        %mul3A_145 = arith.muli %add3A_143, %mul3A_144 : i32
        %add3A_146 = arith.constant 128 : i32
        %add3A_147 = arith.addi %mul3A_145, %add3A_146 : i32
        %add3A_148 = arith.constant 0 : i32
        %add3A_149 = arith.addi %mul3A_145, %add3A_148 : i32
        %get3A_150 = arith.index_cast %add3A_149 : i32 to index
        %get3A_151 = tpu.vector_load %arg20[%get3A_150] {strides = array<i32>} : memref<16384xf32, #tpu.memory_space<vmem>>, vector<16xf32>,
        %add3A_152 = arith.constant 16 : i32
        %add3A_153 = arith.addi %mul3A_145, %add3A_152 : i32
        %get3A_154 = arith.index_cast %add3A_153 : i32 to index
        %get3A_155 = tpu.vector_load %arg20[%get3A_154] {strides = array<i32>} : memref<16384xf32, #tpu.memory_space<vmem>>, vector<16xf32>,
        %add3A_156 = arith.constant 32 : i32
        %add3A_157 = arith.addi %mul3A_145, %add3A_156 : i32
        %get3A_158 = arith.index_cast %add3A_157 : i32 to index
        %get3A_159 = tpu.vector_load %arg20[%get3A_158] {strides = array<i32>} : memref<16384xf32, #tpu.memory_space<vmem>>, vector<16xf32>,
        %add3A_160 = arith.constant 48 : i32
        %add3A_161 = arith.addi %mul3A_145, %add3A_160 : i32
        %get3A_162 = arith.index_cast %add3A_161 : i32 to index
        %get3A_163 = tpu.vector_load %arg20[%get3A_162] {strides = array<i32>} : memref<16384xf32, #tpu.memory_space<vmem>>, vector<16xf32>,
        %add3A_164 = arith.constant 64 : i32
        %add3A_165 = arith.addi %mul3A_145, %add3A_164 : i32
        %get3A_166 = arith.index_cast %add3A_165 : i32 to index
        %get3A_167 = tpu.vector_load %arg20[%get3A_166] {strides = array<i32>} : memref<16384xf32, #tpu.memory_space<vmem>>, vector<16xf32>,
        %add3A_168 = arith.constant 80 : i32
        %add3A_169 = arith.addi %mul3A_145, %add3A_168 : i32
        %get3A_170 = arith.index_cast %add3A_169 : i32 to index
        %get3A_171 = tpu.vector_load %arg20[%get3A_170] {strides = array<i32>} : memref<16384xf32, #tpu.memory_space<vmem>>, vector<16xf32>,
        %add3A_172 = arith.constant 0 : i32
        %add3A_173 = arith.addi %add3A_147, %add3A_172 : i32
        %get3A_174 = arith.index_cast %add3A_173 : i32 to index
        %get3A_175 = tpu.vector_load %arg20[%get3A_174] {strides = array<i32>} : memref<16384xf32, #tpu.memory_space<vmem>>, vector<16xf32>,
        %add3A_176 = arith.constant 16 : i32
        %add3A_177 = arith.addi %add3A_147, %add3A_176 : i32
        %get3A_178 = arith.index_cast %add3A_177 : i32 to index
        %get3A_179 = tpu.vector_load %arg20[%get3A_178] {strides = array<i32>} : memref<16384xf32, #tpu.memory_space<vmem>>, vector<16xf32>,
        %add3A_180 = arith.constant 32 : i32
        %add3A_181 = arith.addi %add3A_147, %add3A_180 : i32
        %get3A_182 = arith.index_cast %add3A_181 : i32 to index
        %get3A_183 = tpu.vector_load %arg20[%get3A_182] {strides = array<i32>} : memref<16384xf32, #tpu.memory_space<vmem>>, vector<16xf32>,
        %add3A_184 = arith.constant 48 : i32
        %add3A_185 = arith.addi %add3A_147, %add3A_184 : i32
        %get3A_186 = arith.index_cast %add3A_185 : i32 to index
        %get3A_187 = tpu.vector_load %arg20[%get3A_186] {strides = array<i32>} : memref<16384xf32, #tpu.memory_space<vmem>>, vector<16xf32>,
        %add3A_188 = arith.constant 64 : i32
        %add3A_189 = arith.addi %add3A_147, %add3A_188 : i32
        %get3A_190 = arith.index_cast %add3A_189 : i32 to index
        %get3A_191 = tpu.vector_load %arg20[%get3A_190] {strides = array<i32>} : memref<16384xf32, #tpu.memory_space<vmem>>, vector<16xf32>,
        %add3A_192 = arith.constant 80 : i32
        %add3A_193 = arith.addi %add3A_147, %add3A_192 : i32
        %get3A_194 = arith.index_cast %add3A_193 : i32 to index
        %get3A_195 = tpu.vector_load %arg20[%get3A_194] {strides = array<i32>} : memref<16384xf32, #tpu.memory_space<vmem>>, vector<16xf32>,
        %add3A_196 = arith.constant 0 : i32
        %add3A_197 = arith.addi %mul3A_79, %add3A_196 : i32
        %swap3A_198 = arith.index_cast %add3A_197 : i32 to index
        %swap3A_199 = tpu.vector_load %arg19[%swap3A_198] {strides = array<i32>} : memref<24672xf32, #tpu.memory_space<vmem>>, vector<16xf32>,
        tpu.vector_store %arg19[%swap3A_198], %get3A_151 {add = true, strides = array<i32>} : memref<24672xf32, #tpu.memory_space<vmem>>, vector<16xf32>,
        %add3A_200 = arith.constant 16 : i32
        %add3A_201 = arith.addi %mul3A_79, %add3A_200 : i32
        %swap3A_202 = arith.index_cast %add3A_201 : i32 to index
        %swap3A_203 = tpu.vector_load %arg19[%swap3A_202] {strides = array<i32>} : memref<24672xf32, #tpu.memory_space<vmem>>, vector<16xf32>,
        tpu.vector_store %arg19[%swap3A_202], %get3A_155 {add = true, strides = array<i32>} : memref<24672xf32, #tpu.memory_space<vmem>>, vector<16xf32>,
        %add3A_204 = arith.constant 32 : i32
        %add3A_205 = arith.addi %mul3A_79, %add3A_204 : i32
        %swap3A_206 = arith.index_cast %add3A_205 : i32 to index
        %swap3A_207 = tpu.vector_load %arg19[%swap3A_206] {strides = array<i32>} : memref<24672xf32, #tpu.memory_space<vmem>>, vector<16xf32>,
        tpu.vector_store %arg19[%swap3A_206], %get3A_159 {add = true, strides = array<i32>} : memref<24672xf32, #tpu.memory_space<vmem>>, vector<16xf32>,
        %add3A_208 = arith.constant 48 : i32
        %add3A_209 = arith.addi %mul3A_79, %add3A_208 : i32
        %swap3A_210 = arith.index_cast %add3A_209 : i32 to index
        %swap3A_211 = tpu.vector_load %arg19[%swap3A_210] {strides = array<i32>} : memref<24672xf32, #tpu.memory_space<vmem>>, vector<16xf32>,
        tpu.vector_store %arg19[%swap3A_210], %get3A_163 {add = true, strides = array<i32>} : memref<24672xf32, #tpu.memory_space<vmem>>, vector<16xf32>,
        %add3A_212 = arith.constant 64 : i32
        %add3A_213 = arith.addi %mul3A_79, %add3A_212 : i32
        %swap3A_214 = arith.index_cast %add3A_213 : i32 to index
        %swap3A_215 = tpu.vector_load %arg19[%swap3A_214] {strides = array<i32>} : memref<24672xf32, #tpu.memory_space<vmem>>, vector<16xf32>,
        tpu.vector_store %arg19[%swap3A_214], %get3A_167 {add = true, strides = array<i32>} : memref<24672xf32, #tpu.memory_space<vmem>>, vector<16xf32>,
        %add3A_216 = arith.constant 80 : i32
        %add3A_217 = arith.addi %mul3A_79, %add3A_216 : i32
        %swap3A_218 = arith.index_cast %add3A_217 : i32 to index
        %swap3A_219 = tpu.vector_load %arg19[%swap3A_218] {strides = array<i32>} : memref<24672xf32, #tpu.memory_space<vmem>>, vector<16xf32>,
        tpu.vector_store %arg19[%swap3A_218], %get3A_171 {add = true, strides = array<i32>} : memref<24672xf32, #tpu.memory_space<vmem>>, vector<16xf32>,
        %add3A_220 = arith.constant 0 : i32
        %add3A_221 = arith.addi %mul3A_83, %add3A_220 : i32
        %swap3A_222 = arith.index_cast %add3A_221 : i32 to index
        %swap3A_223 = tpu.vector_load %arg19[%swap3A_222] {strides = array<i32>} : memref<24672xf32, #tpu.memory_space<vmem>>, vector<16xf32>,
        tpu.vector_store %arg19[%swap3A_222], %get3A_175 {add = true, strides = array<i32>} : memref<24672xf32, #tpu.memory_space<vmem>>, vector<16xf32>,
        %add3A_224 = arith.constant 16 : i32
        %add3A_225 = arith.addi %mul3A_83, %add3A_224 : i32
        %swap3A_226 = arith.index_cast %add3A_225 : i32 to index
        %swap3A_227 = tpu.vector_load %arg19[%swap3A_226] {strides = array<i32>} : memref<24672xf32, #tpu.memory_space<vmem>>, vector<16xf32>,
        tpu.vector_store %arg19[%swap3A_226], %get3A_179 {add = true, strides = array<i32>} : memref<24672xf32, #tpu.memory_space<vmem>>, vector<16xf32>,
        %add3A_228 = arith.constant 32 : i32
        %add3A_229 = arith.addi %mul3A_83, %add3A_228 : i32
        %swap3A_230 = arith.index_cast %add3A_229 : i32 to index
        %swap3A_231 = tpu.vector_load %arg19[%swap3A_230] {strides = array<i32>} : memref<24672xf32, #tpu.memory_space<vmem>>, vector<16xf32>,
        tpu.vector_store %arg19[%swap3A_230], %get3A_183 {add = true, strides = array<i32>} : memref<24672xf32, #tpu.memory_space<vmem>>, vector<16xf32>,
        %add3A_232 = arith.constant 48 : i32
        %add3A_233 = arith.addi %mul3A_83, %add3A_232 : i32
        %swap3A_234 = arith.index_cast %add3A_233 : i32 to index
        %swap3A_235 = tpu.vector_load %arg19[%swap3A_234] {strides = array<i32>} : memref<24672xf32, #tpu.memory_space<vmem>>, vector<16xf32>,
        tpu.vector_store %arg19[%swap3A_234], %get3A_187 {add = true, strides = array<i32>} : memref<24672xf32, #tpu.memory_space<vmem>>, vector<16xf32>,
        %add3A_236 = arith.constant 64 : i32
        %add3A_237 = arith.addi %mul3A_83, %add3A_236 : i32
        %swap3A_238 = arith.index_cast %add3A_237 : i32 to index
        %swap3A_239 = tpu.vector_load %arg19[%swap3A_238] {strides = array<i32>} : memref<24672xf32, #tpu.memory_space<vmem>>, vector<16xf32>,
        tpu.vector_store %arg19[%swap3A_238], %get3A_191 {add = true, strides = array<i32>} : memref<24672xf32, #tpu.memory_space<vmem>>, vector<16xf32>,
        %add3A_240 = arith.constant 80 : i32
        %add3A_241 = arith.addi %mul3A_83, %add3A_240 : i32
        %swap3A_242 = arith.index_cast %add3A_241 : i32 to index
        %swap3A_243 = tpu.vector_load %arg19[%swap3A_242] {strides = array<i32>} : memref<24672xf32, #tpu.memory_space<vmem>>, vector<16xf32>,
        tpu.vector_store %arg19[%swap3A_242], %get3A_195 {add = true, strides = array<i32>} : memref<24672xf32, #tpu.memory_space<vmem>>, vector<16xf32>,
        %mul3A_244 = arith.constant 16 : i32
        %mul3A_245 = arith.muli %scan3A_73, %mul3A_244 : i32
        %add3A_246 = arith.constant 2 : i32
        %add3A_247 = arith.addi %mul3A_245, %add3A_246 : i32
        %mul3A_248 = arith.constant 128 : i32
        %mul3A_249 = arith.muli %add3A_247, %mul3A_248 : i32
        %add3A_250 = arith.constant 128 : i32
        %add3A_251 = arith.addi %mul3A_249, %add3A_250 : i32
        %add3A_252 = arith.constant 0 : i32
        %add3A_253 = arith.addi %mul3A_249, %add3A_252 : i32
        %get3A_254 = arith.index_cast %add3A_253 : i32 to index
        %get3A_255 = tpu.vector_load %arg20[%get3A_254] {strides = array<i32>} : memref<16384xf32, #tpu.memory_space<vmem>>, vector<16xf32>,
        %add3A_256 = arith.constant 16 : i32
        %add3A_257 = arith.addi %mul3A_249, %add3A_256 : i32
        %get3A_258 = arith.index_cast %add3A_257 : i32 to index
        %get3A_259 = tpu.vector_load %arg20[%get3A_258] {strides = array<i32>} : memref<16384xf32, #tpu.memory_space<vmem>>, vector<16xf32>,
        %add3A_260 = arith.constant 32 : i32
        %add3A_261 = arith.addi %mul3A_249, %add3A_260 : i32
        %get3A_262 = arith.index_cast %add3A_261 : i32 to index
        %get3A_263 = tpu.vector_load %arg20[%get3A_262] {strides = array<i32>} : memref<16384xf32, #tpu.memory_space<vmem>>, vector<16xf32>,
        %add3A_264 = arith.constant 48 : i32
        %add3A_265 = arith.addi %mul3A_249, %add3A_264 : i32
        %get3A_266 = arith.index_cast %add3A_265 : i32 to index
        %get3A_267 = tpu.vector_load %arg20[%get3A_266] {strides = array<i32>} : memref<16384xf32, #tpu.memory_space<vmem>>, vector<16xf32>,
        %add3A_268 = arith.constant 64 : i32
        %add3A_269 = arith.addi %mul3A_249, %add3A_268 : i32
        %get3A_270 = arith.index_cast %add3A_269 : i32 to index
        %get3A_271 = tpu.vector_load %arg20[%get3A_270] {strides = array<i32>} : memref<16384xf32, #tpu.memory_space<vmem>>, vector<16xf32>,
        %add3A_272 = arith.constant 80 : i32
        %add3A_273 = arith.addi %mul3A_249, %add3A_272 : i32
        %get3A_274 = arith.index_cast %add3A_273 : i32 to index
        %get3A_275 = tpu.vector_load %arg20[%get3A_274] {strides = array<i32>} : memref<16384xf32, #tpu.memory_space<vmem>>, vector<16xf32>,
        %add3A_276 = arith.constant 0 : i32
        %add3A_277 = arith.addi %add3A_251, %add3A_276 : i32
        %get3A_278 = arith.index_cast %add3A_277 : i32 to index
        %get3A_279 = tpu.vector_load %arg20[%get3A_278] {strides = array<i32>} : memref<16384xf32, #tpu.memory_space<vmem>>, vector<16xf32>,
        %add3A_280 = arith.constant 16 : i32
        %add3A_281 = arith.addi %add3A_251, %add3A_280 : i32
        %get3A_282 = arith.index_cast %add3A_281 : i32 to index
        %get3A_283 = tpu.vector_load %arg20[%get3A_282] {strides = array<i32>} : memref<16384xf32, #tpu.memory_space<vmem>>, vector<16xf32>,
        %add3A_284 = arith.constant 32 : i32
        %add3A_285 = arith.addi %add3A_251, %add3A_284 : i32
        %get3A_286 = arith.index_cast %add3A_285 : i32 to index
        %get3A_287 = tpu.vector_load %arg20[%get3A_286] {strides = array<i32>} : memref<16384xf32, #tpu.memory_space<vmem>>, vector<16xf32>,
        %add3A_288 = arith.constant 48 : i32
        %add3A_289 = arith.addi %add3A_251, %add3A_288 : i32
        %get3A_290 = arith.index_cast %add3A_289 : i32 to index
        %get3A_291 = tpu.vector_load %arg20[%get3A_290] {strides = array<i32>} : memref<16384xf32, #tpu.memory_space<vmem>>, vector<16xf32>,
        %add3A_292 = arith.constant 64 : i32
        %add3A_293 = arith.addi %add3A_251, %add3A_292 : i32
        %get3A_294 = arith.index_cast %add3A_293 : i32 to index
        %get3A_295 = tpu.vector_load %arg20[%get3A_294] {strides = array<i32>} : memref<16384xf32, #tpu.memory_space<vmem>>, vector<16xf32>,
        %add3A_296 = arith.constant 80 : i32
        %add3A_297 = arith.addi %add3A_251, %add3A_296 : i32
        %get3A_298 = arith.index_cast %add3A_297 : i32 to index
        %get3A_299 = tpu.vector_load %arg20[%get3A_298] {strides = array<i32>} : memref<16384xf32, #tpu.memory_space<vmem>>, vector<16xf32>,
        %add3A_300 = arith.constant 0 : i32
        %add3A_301 = arith.addi %mul3A_87, %add3A_300 : i32
        %swap3A_302 = arith.index_cast %add3A_301 : i32 to index
        %swap3A_303 = tpu.vector_load %arg19[%swap3A_302] {strides = array<i32>} : memref<24672xf32, #tpu.memory_space<vmem>>, vector<16xf32>,
        tpu.vector_store %arg19[%swap3A_302], %get3A_255 {add = true, strides = array<i32>} : memref<24672xf32, #tpu.memory_space<vmem>>, vector<16xf32>,
        %add3A_304 = arith.constant 16 : i32
        %add3A_305 = arith.addi %mul3A_87, %add3A_304 : i32
        %swap3A_306 = arith.index_cast %add3A_305 : i32 to index
        %swap3A_307 = tpu.vector_load %arg19[%swap3A_306] {strides = array<i32>} : memref<24672xf32, #tpu.memory_space<vmem>>, vector<16xf32>,
        tpu.vector_store %arg19[%swap3A_306], %get3A_259 {add = true, strides = array<i32>} : memref<24672xf32, #tpu.memory_space<vmem>>, vector<16xf32>,
        %add3A_308 = arith.constant 32 : i32
        %add3A_309 = arith.addi %mul3A_87, %add3A_308 : i32
        %swap3A_310 = arith.index_cast %add3A_309 : i32 to index
        %swap3A_311 = tpu.vector_load %arg19[%swap3A_310] {strides = array<i32>} : memref<24672xf32, #tpu.memory_space<vmem>>, vector<16xf32>,
        tpu.vector_store %arg19[%swap3A_310], %get3A_263 {add = true, strides = array<i32>} : memref<24672xf32, #tpu.memory_space<vmem>>, vector<16xf32>,
        %add3A_312 = arith.constant 48 : i32
        %add3A_313 = arith.addi %mul3A_87, %add3A_312 : i32
        %swap3A_314 = arith.index_cast %add3A_313 : i32 to index
        %swap3A_315 = tpu.vector_load %arg19[%swap3A_314] {strides = array<i32>} : memref<24672xf32, #tpu.memory_space<vmem>>, vector<16xf32>,
        tpu.vector_store %arg19[%swap3A_314], %get3A_267 {add = true, strides = array<i32>} : memref<24672xf32, #tpu.memory_space<vmem>>, vector<16xf32>,
        %add3A_316 = arith.constant 64 : i32
        %add3A_317 = arith.addi %mul3A_87, %add3A_316 : i32
        %swap3A_318 = arith.index_cast %add3A_317 : i32 to index
        %swap3A_319 = tpu.vector_load %arg19[%swap3A_318] {strides = array<i32>} : memref<24672xf32, #tpu.memory_space<vmem>>, vector<16xf32>,
        tpu.vector_store %arg19[%swap3A_318], %get3A_271 {add = true, strides = array<i32>} : memref<24672xf32, #tpu.memory_space<vmem>>, vector<16xf32>,
        %add3A_320 = arith.constant 80 : i32
        %add3A_321 = arith.addi %mul3A_87, %add3A_320 : i32
        %swap3A_322 = arith.index_cast %add3A_321 : i32 to index
        %swap3A_323 = tpu.vector_load %arg19[%swap3A_322] {strides = array<i32>} : memref<24672xf32, #tpu.memory_space<vmem>>, vector<16xf32>,
        tpu.vector_store %arg19[%swap3A_322], %get3A_275 {add = true, strides = array<i32>} : memref<24672xf32, #tpu.memory_space<vmem>>, vector<16xf32>,
        %add3A_324 = arith.constant 0 : i32
        %add3A_325 = arith.addi %mul3A_91, %add3A_324 : i32
        %swap3A_326 = arith.index_cast %add3A_325 : i32 to index
        %swap3A_327 = tpu.vector_load %arg19[%swap3A_326] {strides = array<i32>} : memref<24672xf32, #tpu.memory_space<vmem>>, vector<16xf32>,
        tpu.vector_store %arg19[%swap3A_326], %get3A_279 {add = true, strides = array<i32>} : memref<24672xf32, #tpu.memory_space<vmem>>, vector<16xf32>,
        %add3A_328 = arith.constant 16 : i32
        %add3A_329 = arith.addi %mul3A_91, %add3A_328 : i32
        %swap3A_330 = arith.index_cast %add3A_329 : i32 to index
        %swap3A_331 = tpu.vector_load %arg19[%swap3A_330] {strides = array<i32>} : memref<24672xf32, #tpu.memory_space<vmem>>, vector<16xf32>,
        tpu.vector_store %arg19[%swap3A_330], %get3A_283 {add = true, strides = array<i32>} : memref<24672xf32, #tpu.memory_space<vmem>>, vector<16xf32>,
        %add3A_332 = arith.constant 32 : i32
        %add3A_333 = arith.addi %mul3A_91, %add3A_332 : i32
        %swap3A_334 = arith.index_cast %add3A_333 : i32 to index
        %swap3A_335 = tpu.vector_load %arg19[%swap3A_334] {strides = array<i32>} : memref<24672xf32, #tpu.memory_space<vmem>>, vector<16xf32>,
        tpu.vector_store %arg19[%swap3A_334], %get3A_287 {add = true, strides = array<i32>} : memref<24672xf32, #tpu.memory_space<vmem>>, vector<16xf32>,
        %add3A_336 = arith.constant 48 : i32
        %add3A_337 = arith.addi %mul3A_91, %add3A_336 : i32
        %swap3A_338 = arith.index_cast %add3A_337 : i32 to index
        %swap3A_339 = tpu.vector_load %arg19[%swap3A_338] {strides = array<i32>} : memref<24672xf32, #tpu.memory_space<vmem>>, vector<16xf32>,
        tpu.vector_store %arg19[%swap3A_338], %get3A_291 {add = true, strides = array<i32>} : memref<24672xf32, #tpu.memory_space<vmem>>, vector<16xf32>,
        %add3A_340 = arith.constant 64 : i32
        %add3A_341 = arith.addi %mul3A_91, %add3A_340 : i32
        %swap3A_342 = arith.index_cast %add3A_341 : i32 to index
        %swap3A_343 = tpu.vector_load %arg19[%swap3A_342] {strides = array<i32>} : memref<24672xf32, #tpu.memory_space<vmem>>, vector<16xf32>,
        tpu.vector_store %arg19[%swap3A_342], %get3A_295 {add = true, strides = array<i32>} : memref<24672xf32, #tpu.memory_space<vmem>>, vector<16xf32>,
        %add3A_344 = arith.constant 80 : i32
        %add3A_345 = arith.addi %mul3A_91, %add3A_344 : i32
        %swap3A_346 = arith.index_cast %add3A_345 : i32 to index
        %swap3A_347 = tpu.vector_load %arg19[%swap3A_346] {strides = array<i32>} : memref<24672xf32, #tpu.memory_space<vmem>>, vector<16xf32>,
        tpu.vector_store %arg19[%swap3A_346], %get3A_299 {add = true, strides = array<i32>} : memref<24672xf32, #tpu.memory_space<vmem>>, vector<16xf32>,
        %mul3A_348 = arith.constant 16 : i32
        %mul3A_349 = arith.muli %scan3A_73, %mul3A_348 : i32
        %add3A_350 = arith.constant 4 : i32
        %add3A_351 = arith.addi %mul3A_349, %add3A_350 : i32
        %mul3A_352 = arith.constant 128 : i32
        %mul3A_353 = arith.muli %add3A_351, %mul3A_352 : i32
        %add3A_354 = arith.constant 128 : i32
        %add3A_355 = arith.addi %mul3A_353, %add3A_354 : i32
        %add3A_356 = arith.constant 0 : i32
        %add3A_357 = arith.addi %mul3A_353, %add3A_356 : i32
        %get3A_358 = arith.index_cast %add3A_357 : i32 to index
        %get3A_359 = tpu.vector_load %arg20[%get3A_358] {strides = array<i32>} : memref<16384xf32, #tpu.memory_space<vmem>>, vector<16xf32>,
        %add3A_360 = arith.constant 16 : i32
        %add3A_361 = arith.addi %mul3A_353, %add3A_360 : i32
        %get3A_362 = arith.index_cast %add3A_361 : i32 to index
        %get3A_363 = tpu.vector_load %arg20[%get3A_362] {strides = array<i32>} : memref<16384xf32, #tpu.memory_space<vmem>>, vector<16xf32>,
        %add3A_364 = arith.constant 32 : i32
        %add3A_365 = arith.addi %mul3A_353, %add3A_364 : i32
        %get3A_366 = arith.index_cast %add3A_365 : i32 to index
        %get3A_367 = tpu.vector_load %arg20[%get3A_366] {strides = array<i32>} : memref<16384xf32, #tpu.memory_space<vmem>>, vector<16xf32>,
        %add3A_368 = arith.constant 48 : i32
        %add3A_369 = arith.addi %mul3A_353, %add3A_368 : i32
        %get3A_370 = arith.index_cast %add3A_369 : i32 to index
        %get3A_371 = tpu.vector_load %arg20[%get3A_370] {strides = array<i32>} : memref<16384xf32, #tpu.memory_space<vmem>>, vector<16xf32>,
        %add3A_372 = arith.constant 64 : i32
        %add3A_373 = arith.addi %mul3A_353, %add3A_372 : i32
        %get3A_374 = arith.index_cast %add3A_373 : i32 to index
        %get3A_375 = tpu.vector_load %arg20[%get3A_374] {strides = array<i32>} : memref<16384xf32, #tpu.memory_space<vmem>>, vector<16xf32>,
        %add3A_376 = arith.constant 80 : i32
        %add3A_377 = arith.addi %mul3A_353, %add3A_376 : i32
        %get3A_378 = arith.index_cast %add3A_377 : i32 to index
        %get3A_379 = tpu.vector_load %arg20[%get3A_378] {strides = array<i32>} : memref<16384xf32, #tpu.memory_space<vmem>>, vector<16xf32>,
        %add3A_380 = arith.constant 0 : i32
        %add3A_381 = arith.addi %add3A_355, %add3A_380 : i32
        %get3A_382 = arith.index_cast %add3A_381 : i32 to index
        %get3A_383 = tpu.vector_load %arg20[%get3A_382] {strides = array<i32>} : memref<16384xf32, #tpu.memory_space<vmem>>, vector<16xf32>,
        %add3A_384 = arith.constant 16 : i32
        %add3A_385 = arith.addi %add3A_355, %add3A_384 : i32
        %get3A_386 = arith.index_cast %add3A_385 : i32 to index
        %get3A_387 = tpu.vector_load %arg20[%get3A_386] {strides = array<i32>} : memref<16384xf32, #tpu.memory_space<vmem>>, vector<16xf32>,
        %add3A_388 = arith.constant 32 : i32
        %add3A_389 = arith.addi %add3A_355, %add3A_388 : i32
        %get3A_390 = arith.index_cast %add3A_389 : i32 to index
        %get3A_391 = tpu.vector_load %arg20[%get3A_390] {strides = array<i32>} : memref<16384xf32, #tpu.memory_space<vmem>>, vector<16xf32>,
        %add3A_392 = arith.constant 48 : i32
        %add3A_393 = arith.addi %add3A_355, %add3A_392 : i32
        %get3A_394 = arith.index_cast %add3A_393 : i32 to index
        %get3A_395 = tpu.vector_load %arg20[%get3A_394] {strides = array<i32>} : memref<16384xf32, #tpu.memory_space<vmem>>, vector<16xf32>,
        %add3A_396 = arith.constant 64 : i32
        %add3A_397 = arith.addi %add3A_355, %add3A_396 : i32
        %get3A_398 = arith.index_cast %add3A_397 : i32 to index
        %get3A_399 = tpu.vector_load %arg20[%get3A_398] {strides = array<i32>} : memref<16384xf32, #tpu.memory_space<vmem>>, vector<16xf32>,
        %add3A_400 = arith.constant 80 : i32
        %add3A_401 = arith.addi %add3A_355, %add3A_400 : i32
        %get3A_402 = arith.index_cast %add3A_401 : i32 to index
        %get3A_403 = tpu.vector_load %arg20[%get3A_402] {strides = array<i32>} : memref<16384xf32, #tpu.memory_space<vmem>>, vector<16xf32>,
        %add3A_404 = arith.constant 0 : i32
        %add3A_405 = arith.addi %mul3A_95, %add3A_404 : i32
        %swap3A_406 = arith.index_cast %add3A_405 : i32 to index
        %swap3A_407 = tpu.vector_load %arg19[%swap3A_406] {strides = array<i32>} : memref<24672xf32, #tpu.memory_space<vmem>>, vector<16xf32>,
        tpu.vector_store %arg19[%swap3A_406], %get3A_359 {add = true, strides = array<i32>} : memref<24672xf32, #tpu.memory_space<vmem>>, vector<16xf32>,
        %add3A_408 = arith.constant 16 : i32
        %add3A_409 = arith.addi %mul3A_95, %add3A_408 : i32
        %swap3A_410 = arith.index_cast %add3A_409 : i32 to index
        %swap3A_411 = tpu.vector_load %arg19[%swap3A_410] {strides = array<i32>} : memref<24672xf32, #tpu.memory_space<vmem>>, vector<16xf32>,
        tpu.vector_store %arg19[%swap3A_410], %get3A_363 {add = true, strides = array<i32>} : memref<24672xf32, #tpu.memory_space<vmem>>, vector<16xf32>,
        %add3A_412 = arith.constant 32 : i32
        %add3A_413 = arith.addi %mul3A_95, %add3A_412 : i32
        %swap3A_414 = arith.index_cast %add3A_413 : i32 to index
        %swap3A_415 = tpu.vector_load %arg19[%swap3A_414] {strides = array<i32>} : memref<24672xf32, #tpu.memory_space<vmem>>, vector<16xf32>,
        tpu.vector_store %arg19[%swap3A_414], %get3A_367 {add = true, strides = array<i32>} : memref<24672xf32, #tpu.memory_space<vmem>>, vector<16xf32>,
        %add3A_416 = arith.constant 48 : i32
        %add3A_417 = arith.addi %mul3A_95, %add3A_416 : i32
        %swap3A_418 = arith.index_cast %add3A_417 : i32 to index
        %swap3A_419 = tpu.vector_load %arg19[%swap3A_418] {strides = array<i32>} : memref<24672xf32, #tpu.memory_space<vmem>>, vector<16xf32>,
        tpu.vector_store %arg19[%swap3A_418], %get3A_371 {add = true, strides = array<i32>} : memref<24672xf32, #tpu.memory_space<vmem>>, vector<16xf32>,
        %add3A_420 = arith.constant 64 : i32
        %add3A_421 = arith.addi %mul3A_95, %add3A_420 : i32
        %swap3A_422 = arith.index_cast %add3A_421 : i32 to index
        %swap3A_423 = tpu.vector_load %arg19[%swap3A_422] {strides = array<i32>} : memref<24672xf32, #tpu.memory_space<vmem>>, vector<16xf32>,
        tpu.vector_store %arg19[%swap3A_422], %get3A_375 {add = true, strides = array<i32>} : memref<24672xf32, #tpu.memory_space<vmem>>, vector<16xf32>,
        %add3A_424 = arith.constant 80 : i32
        %add3A_425 = arith.addi %mul3A_95, %add3A_424 : i32
        %swap3A_426 = arith.index_cast %add3A_425 : i32 to index
        %swap3A_427 = tpu.vector_load %arg19[%swap3A_426] {strides = array<i32>} : memref<24672xf32, #tpu.memory_space<vmem>>, vector<16xf32>,
        tpu.vector_store %arg19[%swap3A_426], %get3A_379 {add = true, strides = array<i32>} : memref<24672xf32, #tpu.memory_space<vmem>>, vector<16xf32>,
        %add3A_428 = arith.constant 0 : i32
        %add3A_429 = arith.addi %mul3A_99, %add3A_428 : i32
        %swap3A_430 = arith.index_cast %add3A_429 : i32 to index
        %swap3A_431 = tpu.vector_load %arg19[%swap3A_430] {strides = array<i32>} : memref<24672xf32, #tpu.memory_space<vmem>>, vector<16xf32>,
        tpu.vector_store %arg19[%swap3A_430], %get3A_383 {add = true, strides = array<i32>} : memref<24672xf32, #tpu.memory_space<vmem>>, vector<16xf32>,
        %add3A_432 = arith.constant 16 : i32
        %add3A_433 = arith.addi %mul3A_99, %add3A_432 : i32
        %swap3A_434 = arith.index_cast %add3A_433 : i32 to index
        %swap3A_435 = tpu.vector_load %arg19[%swap3A_434] {strides = array<i32>} : memref<24672xf32, #tpu.memory_space<vmem>>, vector<16xf32>,
        tpu.vector_store %arg19[%swap3A_434], %get3A_387 {add = true, strides = array<i32>} : memref<24672xf32, #tpu.memory_space<vmem>>, vector<16xf32>,
        %add3A_436 = arith.constant 32 : i32
        %add3A_437 = arith.addi %mul3A_99, %add3A_436 : i32
        %swap3A_438 = arith.index_cast %add3A_437 : i32 to index
        %swap3A_439 = tpu.vector_load %arg19[%swap3A_438] {strides = array<i32>} : memref<24672xf32, #tpu.memory_space<vmem>>, vector<16xf32>,
        tpu.vector_store %arg19[%swap3A_438], %get3A_391 {add = true, strides = array<i32>} : memref<24672xf32, #tpu.memory_space<vmem>>, vector<16xf32>,
        %add3A_440 = arith.constant 48 : i32
        %add3A_441 = arith.addi %mul3A_99, %add3A_440 : i32
        %swap3A_442 = arith.index_cast %add3A_441 : i32 to index
        %swap3A_443 = tpu.vector_load %arg19[%swap3A_442] {strides = array<i32>} : memref<24672xf32, #tpu.memory_space<vmem>>, vector<16xf32>,
        tpu.vector_store %arg19[%swap3A_442], %get3A_395 {add = true, strides = array<i32>} : memref<24672xf32, #tpu.memory_space<vmem>>, vector<16xf32>,
        %add3A_444 = arith.constant 64 : i32
        %add3A_445 = arith.addi %mul3A_99, %add3A_444 : i32
        %swap3A_446 = arith.index_cast %add3A_445 : i32 to index
        %swap3A_447 = tpu.vector_load %arg19[%swap3A_446] {strides = array<i32>} : memref<24672xf32, #tpu.memory_space<vmem>>, vector<16xf32>,
        tpu.vector_store %arg19[%swap3A_446], %get3A_399 {add = true, strides = array<i32>} : memref<24672xf32, #tpu.memory_space<vmem>>, vector<16xf32>,
        %add3A_448 = arith.constant 80 : i32
        %add3A_449 = arith.addi %mul3A_99, %add3A_448 : i32
        %swap3A_450 = arith.index_cast %add3A_449 : i32 to index
        %swap3A_451 = tpu.vector_load %arg19[%swap3A_450] {strides = array<i32>} : memref<24672xf32, #tpu.memory_space<vmem>>, vector<16xf32>,
        tpu.vector_store %arg19[%swap3A_450], %get3A_403 {add = true, strides = array<i32>} : memref<24672xf32, #tpu.memory_space<vmem>>, vector<16xf32>,
        %mul3A_452 = arith.constant 16 : i32
        %mul3A_453 = arith.muli %scan3A_73, %mul3A_452 : i32
        %add3A_454 = arith.constant 6 : i32
        %add3A_455 = arith.addi %mul3A_453, %add3A_454 : i32
        %mul3A_456 = arith.constant 128 : i32
        %mul3A_457 = arith.muli %add3A_455, %mul3A_456 : i32
        %add3A_458 = arith.constant 128 : i32
        %add3A_459 = arith.addi %mul3A_457, %add3A_458 : i32
        %add3A_460 = arith.constant 0 : i32
        %add3A_461 = arith.addi %mul3A_457, %add3A_460 : i32
        %get3A_462 = arith.index_cast %add3A_461 : i32 to index
        %get3A_463 = tpu.vector_load %arg20[%get3A_462] {strides = array<i32>} : memref<16384xf32, #tpu.memory_space<vmem>>, vector<16xf32>,
        %add3A_464 = arith.constant 16 : i32
        %add3A_465 = arith.addi %mul3A_457, %add3A_464 : i32
        %get3A_466 = arith.index_cast %add3A_465 : i32 to index
        %get3A_467 = tpu.vector_load %arg20[%get3A_466] {strides = array<i32>} : memref<16384xf32, #tpu.memory_space<vmem>>, vector<16xf32>,
        %add3A_468 = arith.constant 32 : i32
        %add3A_469 = arith.addi %mul3A_457, %add3A_468 : i32
        %get3A_470 = arith.index_cast %add3A_469 : i32 to index
        %get3A_471 = tpu.vector_load %arg20[%get3A_470] {strides = array<i32>} : memref<16384xf32, #tpu.memory_space<vmem>>, vector<16xf32>,
        %add3A_472 = arith.constant 48 : i32
        %add3A_473 = arith.addi %mul3A_457, %add3A_472 : i32
        %get3A_474 = arith.index_cast %add3A_473 : i32 to index
        %get3A_475 = tpu.vector_load %arg20[%get3A_474] {strides = array<i32>} : memref<16384xf32, #tpu.memory_space<vmem>>, vector<16xf32>,
        %add3A_476 = arith.constant 64 : i32
        %add3A_477 = arith.addi %mul3A_457, %add3A_476 : i32
        %get3A_478 = arith.index_cast %add3A_477 : i32 to index
        %get3A_479 = tpu.vector_load %arg20[%get3A_478] {strides = array<i32>} : memref<16384xf32, #tpu.memory_space<vmem>>, vector<16xf32>,
        %add3A_480 = arith.constant 80 : i32
        %add3A_481 = arith.addi %mul3A_457, %add3A_480 : i32
        %get3A_482 = arith.index_cast %add3A_481 : i32 to index
        %get3A_483 = tpu.vector_load %arg20[%get3A_482] {strides = array<i32>} : memref<16384xf32, #tpu.memory_space<vmem>>, vector<16xf32>,
        %add3A_484 = arith.constant 0 : i32
        %add3A_485 = arith.addi %add3A_459, %add3A_484 : i32
        %get3A_486 = arith.index_cast %add3A_485 : i32 to index
        %get3A_487 = tpu.vector_load %arg20[%get3A_486] {strides = array<i32>} : memref<16384xf32, #tpu.memory_space<vmem>>, vector<16xf32>,
        %add3A_488 = arith.constant 16 : i32
        %add3A_489 = arith.addi %add3A_459, %add3A_488 : i32
        %get3A_490 = arith.index_cast %add3A_489 : i32 to index
        %get3A_491 = tpu.vector_load %arg20[%get3A_490] {strides = array<i32>} : memref<16384xf32, #tpu.memory_space<vmem>>, vector<16xf32>,
        %add3A_492 = arith.constant 32 : i32
        %add3A_493 = arith.addi %add3A_459, %add3A_492 : i32
        %get3A_494 = arith.index_cast %add3A_493 : i32 to index
        %get3A_495 = tpu.vector_load %arg20[%get3A_494] {strides = array<i32>} : memref<16384xf32, #tpu.memory_space<vmem>>, vector<16xf32>,
        %add3A_496 = arith.constant 48 : i32
        %add3A_497 = arith.addi %add3A_459, %add3A_496 : i32
        %get3A_498 = arith.index_cast %add3A_497 : i32 to index
        %get3A_499 = tpu.vector_load %arg20[%get3A_498] {strides = array<i32>} : memref<16384xf32, #tpu.memory_space<vmem>>, vector<16xf32>,
        %add3A_500 = arith.constant 64 : i32
        %add3A_501 = arith.addi %add3A_459, %add3A_500 : i32
        %get3A_502 = arith.index_cast %add3A_501 : i32 to index
        %get3A_503 = tpu.vector_load %arg20[%get3A_502] {strides = array<i32>} : memref<16384xf32, #tpu.memory_space<vmem>>, vector<16xf32>,
        %add3A_504 = arith.constant 80 : i32
        %add3A_505 = arith.addi %add3A_459, %add3A_504 : i32
        %get3A_506 = arith.index_cast %add3A_505 : i32 to index
        %get3A_507 = tpu.vector_load %arg20[%get3A_506] {strides = array<i32>} : memref<16384xf32, #tpu.memory_space<vmem>>, vector<16xf32>,
        %add3A_508 = arith.constant 0 : i32
        %add3A_509 = arith.addi %mul3A_103, %add3A_508 : i32
        %swap3A_510 = arith.index_cast %add3A_509 : i32 to index
        %swap3A_511 = tpu.vector_load %arg19[%swap3A_510] {strides = array<i32>} : memref<24672xf32, #tpu.memory_space<vmem>>, vector<16xf32>,
        tpu.vector_store %arg19[%swap3A_510], %get3A_463 {add = true, strides = array<i32>} : memref<24672xf32, #tpu.memory_space<vmem>>, vector<16xf32>,
        %add3A_512 = arith.constant 16 : i32
        %add3A_513 = arith.addi %mul3A_103, %add3A_512 : i32
        %swap3A_514 = arith.index_cast %add3A_513 : i32 to index
        %swap3A_515 = tpu.vector_load %arg19[%swap3A_514] {strides = array<i32>} : memref<24672xf32, #tpu.memory_space<vmem>>, vector<16xf32>,
        tpu.vector_store %arg19[%swap3A_514], %get3A_467 {add = true, strides = array<i32>} : memref<24672xf32, #tpu.memory_space<vmem>>, vector<16xf32>,
        %add3A_516 = arith.constant 32 : i32
        %add3A_517 = arith.addi %mul3A_103, %add3A_516 : i32
        %swap3A_518 = arith.index_cast %add3A_517 : i32 to index
        %swap3A_519 = tpu.vector_load %arg19[%swap3A_518] {strides = array<i32>} : memref<24672xf32, #tpu.memory_space<vmem>>, vector<16xf32>,
        tpu.vector_store %arg19[%swap3A_518], %get3A_471 {add = true, strides = array<i32>} : memref<24672xf32, #tpu.memory_space<vmem>>, vector<16xf32>,
        %add3A_520 = arith.constant 48 : i32
        %add3A_521 = arith.addi %mul3A_103, %add3A_520 : i32
        %swap3A_522 = arith.index_cast %add3A_521 : i32 to index
        %swap3A_523 = tpu.vector_load %arg19[%swap3A_522] {strides = array<i32>} : memref<24672xf32, #tpu.memory_space<vmem>>, vector<16xf32>,
        tpu.vector_store %arg19[%swap3A_522], %get3A_475 {add = true, strides = array<i32>} : memref<24672xf32, #tpu.memory_space<vmem>>, vector<16xf32>,
        %add3A_524 = arith.constant 64 : i32
        %add3A_525 = arith.addi %mul3A_103, %add3A_524 : i32
        %swap3A_526 = arith.index_cast %add3A_525 : i32 to index
        %swap3A_527 = tpu.vector_load %arg19[%swap3A_526] {strides = array<i32>} : memref<24672xf32, #tpu.memory_space<vmem>>, vector<16xf32>,
        tpu.vector_store %arg19[%swap3A_526], %get3A_479 {add = true, strides = array<i32>} : memref<24672xf32, #tpu.memory_space<vmem>>, vector<16xf32>,
        %add3A_528 = arith.constant 80 : i32
        %add3A_529 = arith.addi %mul3A_103, %add3A_528 : i32
        %swap3A_530 = arith.index_cast %add3A_529 : i32 to index
        %swap3A_531 = tpu.vector_load %arg19[%swap3A_530] {strides = array<i32>} : memref<24672xf32, #tpu.memory_space<vmem>>, vector<16xf32>,
        tpu.vector_store %arg19[%swap3A_530], %get3A_483 {add = true, strides = array<i32>} : memref<24672xf32, #tpu.memory_space<vmem>>, vector<16xf32>,
        %add3A_532 = arith.constant 0 : i32
        %add3A_533 = arith.addi %mul3A_107, %add3A_532 : i32
        %swap3A_534 = arith.index_cast %add3A_533 : i32 to index
        %swap3A_535 = tpu.vector_load %arg19[%swap3A_534] {strides = array<i32>} : memref<24672xf32, #tpu.memory_space<vmem>>, vector<16xf32>,
        tpu.vector_store %arg19[%swap3A_534], %get3A_487 {add = true, strides = array<i32>} : memref<24672xf32, #tpu.memory_space<vmem>>, vector<16xf32>,
        %add3A_536 = arith.constant 16 : i32
        %add3A_537 = arith.addi %mul3A_107, %add3A_536 : i32
        %swap3A_538 = arith.index_cast %add3A_537 : i32 to index
        %swap3A_539 = tpu.vector_load %arg19[%swap3A_538] {strides = array<i32>} : memref<24672xf32, #tpu.memory_space<vmem>>, vector<16xf32>,
        tpu.vector_store %arg19[%swap3A_538], %get3A_491 {add = true, strides = array<i32>} : memref<24672xf32, #tpu.memory_space<vmem>>, vector<16xf32>,
        %add3A_540 = arith.constant 32 : i32
        %add3A_541 = arith.addi %mul3A_107, %add3A_540 : i32
        %swap3A_542 = arith.index_cast %add3A_541 : i32 to index
        %swap3A_543 = tpu.vector_load %arg19[%swap3A_542] {strides = array<i32>} : memref<24672xf32, #tpu.memory_space<vmem>>, vector<16xf32>,
        tpu.vector_store %arg19[%swap3A_542], %get3A_495 {add = true, strides = array<i32>} : memref<24672xf32, #tpu.memory_space<vmem>>, vector<16xf32>,
        %add3A_544 = arith.constant 48 : i32
        %add3A_545 = arith.addi %mul3A_107, %add3A_544 : i32
        %swap3A_546 = arith.index_cast %add3A_545 : i32 to index
        %swap3A_547 = tpu.vector_load %arg19[%swap3A_546] {strides = array<i32>} : memref<24672xf32, #tpu.memory_space<vmem>>, vector<16xf32>,
        tpu.vector_store %arg19[%swap3A_546], %get3A_499 {add = true, strides = array<i32>} : memref<24672xf32, #tpu.memory_space<vmem>>, vector<16xf32>,
        %add3A_548 = arith.constant 64 : i32
        %add3A_549 = arith.addi %mul3A_107, %add3A_548 : i32
        %swap3A_550 = arith.index_cast %add3A_549 : i32 to index
        %swap3A_551 = tpu.vector_load %arg19[%swap3A_550] {strides = array<i32>} : memref<24672xf32, #tpu.memory_space<vmem>>, vector<16xf32>,
        tpu.vector_store %arg19[%swap3A_550], %get3A_503 {add = true, strides = array<i32>} : memref<24672xf32, #tpu.memory_space<vmem>>, vector<16xf32>,
        %add3A_552 = arith.constant 80 : i32
        %add3A_553 = arith.addi %mul3A_107, %add3A_552 : i32
        %swap3A_554 = arith.index_cast %add3A_553 : i32 to index
        %swap3A_555 = tpu.vector_load %arg19[%swap3A_554] {strides = array<i32>} : memref<24672xf32, #tpu.memory_space<vmem>>, vector<16xf32>,
        tpu.vector_store %arg19[%swap3A_554], %get3A_507 {add = true, strides = array<i32>} : memref<24672xf32, #tpu.memory_space<vmem>>, vector<16xf32>,
        %mul3A_556 = arith.constant 16 : i32
        %mul3A_557 = arith.muli %scan3A_73, %mul3A_556 : i32
        %add3A_558 = arith.constant 8 : i32
        %add3A_559 = arith.addi %mul3A_557, %add3A_558 : i32
        %mul3A_560 = arith.constant 128 : i32
        %mul3A_561 = arith.muli %add3A_559, %mul3A_560 : i32
        %add3A_562 = arith.constant 128 : i32
        %add3A_563 = arith.addi %mul3A_561, %add3A_562 : i32
        %add3A_564 = arith.constant 0 : i32
        %add3A_565 = arith.addi %mul3A_561, %add3A_564 : i32
        %get3A_566 = arith.index_cast %add3A_565 : i32 to index
        %get3A_567 = tpu.vector_load %arg20[%get3A_566] {strides = array<i32>} : memref<16384xf32, #tpu.memory_space<vmem>>, vector<16xf32>,
        %add3A_568 = arith.constant 16 : i32
        %add3A_569 = arith.addi %mul3A_561, %add3A_568 : i32
        %get3A_570 = arith.index_cast %add3A_569 : i32 to index
        %get3A_571 = tpu.vector_load %arg20[%get3A_570] {strides = array<i32>} : memref<16384xf32, #tpu.memory_space<vmem>>, vector<16xf32>,
        %add3A_572 = arith.constant 32 : i32
        %add3A_573 = arith.addi %mul3A_561, %add3A_572 : i32
        %get3A_574 = arith.index_cast %add3A_573 : i32 to index
        %get3A_575 = tpu.vector_load %arg20[%get3A_574] {strides = array<i32>} : memref<16384xf32, #tpu.memory_space<vmem>>, vector<16xf32>,
        %add3A_576 = arith.constant 48 : i32
        %add3A_577 = arith.addi %mul3A_561, %add3A_576 : i32
        %get3A_578 = arith.index_cast %add3A_577 : i32 to index
        %get3A_579 = tpu.vector_load %arg20[%get3A_578] {strides = array<i32>} : memref<16384xf32, #tpu.memory_space<vmem>>, vector<16xf32>,
        %add3A_580 = arith.constant 64 : i32
        %add3A_581 = arith.addi %mul3A_561, %add3A_580 : i32
        %get3A_582 = arith.index_cast %add3A_581 : i32 to index
        %get3A_583 = tpu.vector_load %arg20[%get3A_582] {strides = array<i32>} : memref<16384xf32, #tpu.memory_space<vmem>>, vector<16xf32>,
        %add3A_584 = arith.constant 80 : i32
        %add3A_585 = arith.addi %mul3A_561, %add3A_584 : i32
        %get3A_586 = arith.index_cast %add3A_585 : i32 to index
        %get3A_587 = tpu.vector_load %arg20[%get3A_586] {strides = array<i32>} : memref<16384xf32, #tpu.memory_space<vmem>>, vector<16xf32>,
        %add3A_588 = arith.constant 0 : i32
        %add3A_589 = arith.addi %add3A_563, %add3A_588 : i32
        %get3A_590 = arith.index_cast %add3A_589 : i32 to index
        %get3A_591 = tpu.vector_load %arg20[%get3A_590] {strides = array<i32>} : memref<16384xf32, #tpu.memory_space<vmem>>, vector<16xf32>,
        %add3A_592 = arith.constant 16 : i32
        %add3A_593 = arith.addi %add3A_563, %add3A_592 : i32
        %get3A_594 = arith.index_cast %add3A_593 : i32 to index
        %get3A_595 = tpu.vector_load %arg20[%get3A_594] {strides = array<i32>} : memref<16384xf32, #tpu.memory_space<vmem>>, vector<16xf32>,
        %add3A_596 = arith.constant 32 : i32
        %add3A_597 = arith.addi %add3A_563, %add3A_596 : i32
        %get3A_598 = arith.index_cast %add3A_597 : i32 to index
        %get3A_599 = tpu.vector_load %arg20[%get3A_598] {strides = array<i32>} : memref<16384xf32, #tpu.memory_space<vmem>>, vector<16xf32>,
        %add3A_600 = arith.constant 48 : i32
        %add3A_601 = arith.addi %add3A_563, %add3A_600 : i32
        %get3A_602 = arith.index_cast %add3A_601 : i32 to index
        %get3A_603 = tpu.vector_load %arg20[%get3A_602] {strides = array<i32>} : memref<16384xf32, #tpu.memory_space<vmem>>, vector<16xf32>,
        %add3A_604 = arith.constant 64 : i32
        %add3A_605 = arith.addi %add3A_563, %add3A_604 : i32
        %get3A_606 = arith.index_cast %add3A_605 : i32 to index
        %get3A_607 = tpu.vector_load %arg20[%get3A_606] {strides = array<i32>} : memref<16384xf32, #tpu.memory_space<vmem>>, vector<16xf32>,
        %add3A_608 = arith.constant 80 : i32
        %add3A_609 = arith.addi %add3A_563, %add3A_608 : i32
        %get3A_610 = arith.index_cast %add3A_609 : i32 to index
        %get3A_611 = tpu.vector_load %arg20[%get3A_610] {strides = array<i32>} : memref<16384xf32, #tpu.memory_space<vmem>>, vector<16xf32>,
        %add3A_612 = arith.constant 0 : i32
        %add3A_613 = arith.addi %mul3A_111, %add3A_612 : i32
        %swap3A_614 = arith.index_cast %add3A_613 : i32 to index
        %swap3A_615 = tpu.vector_load %arg19[%swap3A_614] {strides = array<i32>} : memref<24672xf32, #tpu.memory_space<vmem>>, vector<16xf32>,
        tpu.vector_store %arg19[%swap3A_614], %get3A_567 {add = true, strides = array<i32>} : memref<24672xf32, #tpu.memory_space<vmem>>, vector<16xf32>,
        %add3A_616 = arith.constant 16 : i32
        %add3A_617 = arith.addi %mul3A_111, %add3A_616 : i32
        %swap3A_618 = arith.index_cast %add3A_617 : i32 to index
        %swap3A_619 = tpu.vector_load %arg19[%swap3A_618] {strides = array<i32>} : memref<24672xf32, #tpu.memory_space<vmem>>, vector<16xf32>,
        tpu.vector_store %arg19[%swap3A_618], %get3A_571 {add = true, strides = array<i32>} : memref<24672xf32, #tpu.memory_space<vmem>>, vector<16xf32>,
        %add3A_620 = arith.constant 32 : i32
        %add3A_621 = arith.addi %mul3A_111, %add3A_620 : i32
        %swap3A_622 = arith.index_cast %add3A_621 : i32 to index
        %swap3A_623 = tpu.vector_load %arg19[%swap3A_622] {strides = array<i32>} : memref<24672xf32, #tpu.memory_space<vmem>>, vector<16xf32>,
        tpu.vector_store %arg19[%swap3A_622], %get3A_575 {add = true, strides = array<i32>} : memref<24672xf32, #tpu.memory_space<vmem>>, vector<16xf32>,
        %add3A_624 = arith.constant 48 : i32
        %add3A_625 = arith.addi %mul3A_111, %add3A_624 : i32
        %swap3A_626 = arith.index_cast %add3A_625 : i32 to index
        %swap3A_627 = tpu.vector_load %arg19[%swap3A_626] {strides = array<i32>} : memref<24672xf32, #tpu.memory_space<vmem>>, vector<16xf32>,
        tpu.vector_store %arg19[%swap3A_626], %get3A_579 {add = true, strides = array<i32>} : memref<24672xf32, #tpu.memory_space<vmem>>, vector<16xf32>,
        %add3A_628 = arith.constant 64 : i32
        %add3A_629 = arith.addi %mul3A_111, %add3A_628 : i32
        %swap3A_630 = arith.index_cast %add3A_629 : i32 to index
        %swap3A_631 = tpu.vector_load %arg19[%swap3A_630] {strides = array<i32>} : memref<24672xf32, #tpu.memory_space<vmem>>, vector<16xf32>,
        tpu.vector_store %arg19[%swap3A_630], %get3A_583 {add = true, strides = array<i32>} : memref<24672xf32, #tpu.memory_space<vmem>>, vector<16xf32>,
        %add3A_632 = arith.constant 80 : i32
        %add3A_633 = arith.addi %mul3A_111, %add3A_632 : i32
        %swap3A_634 = arith.index_cast %add3A_633 : i32 to index
        %swap3A_635 = tpu.vector_load %arg19[%swap3A_634] {strides = array<i32>} : memref<24672xf32, #tpu.memory_space<vmem>>, vector<16xf32>,
        tpu.vector_store %arg19[%swap3A_634], %get3A_587 {add = true, strides = array<i32>} : memref<24672xf32, #tpu.memory_space<vmem>>, vector<16xf32>,
        %add3A_636 = arith.constant 0 : i32
        %add3A_637 = arith.addi %mul3A_115, %add3A_636 : i32
        %swap3A_638 = arith.index_cast %add3A_637 : i32 to index
        %swap3A_639 = tpu.vector_load %arg19[%swap3A_638] {strides = array<i32>} : memref<24672xf32, #tpu.memory_space<vmem>>, vector<16xf32>,
        tpu.vector_store %arg19[%swap3A_638], %get3A_591 {add = true, strides = array<i32>} : memref<24672xf32, #tpu.memory_space<vmem>>, vector<16xf32>,
        %add3A_640 = arith.constant 16 : i32
        %add3A_641 = arith.addi %mul3A_115, %add3A_640 : i32
        %swap3A_642 = arith.index_cast %add3A_641 : i32 to index
        %swap3A_643 = tpu.vector_load %arg19[%swap3A_642] {strides = array<i32>} : memref<24672xf32, #tpu.memory_space<vmem>>, vector<16xf32>,
        tpu.vector_store %arg19[%swap3A_642], %get3A_595 {add = true, strides = array<i32>} : memref<24672xf32, #tpu.memory_space<vmem>>, vector<16xf32>,
        %add3A_644 = arith.constant 32 : i32
        %add3A_645 = arith.addi %mul3A_115, %add3A_644 : i32
        %swap3A_646 = arith.index_cast %add3A_645 : i32 to index
        %swap3A_647 = tpu.vector_load %arg19[%swap3A_646] {strides = array<i32>} : memref<24672xf32, #tpu.memory_space<vmem>>, vector<16xf32>,
        tpu.vector_store %arg19[%swap3A_646], %get3A_599 {add = true, strides = array<i32>} : memref<24672xf32, #tpu.memory_space<vmem>>, vector<16xf32>,
        %add3A_648 = arith.constant 48 : i32
        %add3A_649 = arith.addi %mul3A_115, %add3A_648 : i32
        %swap3A_650 = arith.index_cast %add3A_649 : i32 to index
        %swap3A_651 = tpu.vector_load %arg19[%swap3A_650] {strides = array<i32>} : memref<24672xf32, #tpu.memory_space<vmem>>, vector<16xf32>,
        tpu.vector_store %arg19[%swap3A_650], %get3A_603 {add = true, strides = array<i32>} : memref<24672xf32, #tpu.memory_space<vmem>>, vector<16xf32>,
        %add3A_652 = arith.constant 64 : i32
        %add3A_653 = arith.addi %mul3A_115, %add3A_652 : i32
        %swap3A_654 = arith.index_cast %add3A_653 : i32 to index
        %swap3A_655 = tpu.vector_load %arg19[%swap3A_654] {strides = array<i32>} : memref<24672xf32, #tpu.memory_space<vmem>>, vector<16xf32>,
        tpu.vector_store %arg19[%swap3A_654], %get3A_607 {add = true, strides = array<i32>} : memref<24672xf32, #tpu.memory_space<vmem>>, vector<16xf32>,
        %add3A_656 = arith.constant 80 : i32
        %add3A_657 = arith.addi %mul3A_115, %add3A_656 : i32
        %swap3A_658 = arith.index_cast %add3A_657 : i32 to index
        %swap3A_659 = tpu.vector_load %arg19[%swap3A_658] {strides = array<i32>} : memref<24672xf32, #tpu.memory_space<vmem>>, vector<16xf32>,
        tpu.vector_store %arg19[%swap3A_658], %get3A_611 {add = true, strides = array<i32>} : memref<24672xf32, #tpu.memory_space<vmem>>, vector<16xf32>,
        %mul3A_660 = arith.constant 16 : i32
        %mul3A_661 = arith.muli %scan3A_73, %mul3A_660 : i32
        %add3A_662 = arith.constant 10 : i32
        %add3A_663 = arith.addi %mul3A_661, %add3A_662 : i32
        %mul3A_664 = arith.constant 128 : i32
        %mul3A_665 = arith.muli %add3A_663, %mul3A_664 : i32
        %add3A_666 = arith.constant 128 : i32
        %add3A_667 = arith.addi %mul3A_665, %add3A_666 : i32
        %add3A_668 = arith.constant 0 : i32
        %add3A_669 = arith.addi %mul3A_665, %add3A_668 : i32
        %get3A_670 = arith.index_cast %add3A_669 : i32 to index
        %get3A_671 = tpu.vector_load %arg20[%get3A_670] {strides = array<i32>} : memref<16384xf32, #tpu.memory_space<vmem>>, vector<16xf32>,
        %add3A_672 = arith.constant 16 : i32
        %add3A_673 = arith.addi %mul3A_665, %add3A_672 : i32
        %get3A_674 = arith.index_cast %add3A_673 : i32 to index
        %get3A_675 = tpu.vector_load %arg20[%get3A_674] {strides = array<i32>} : memref<16384xf32, #tpu.memory_space<vmem>>, vector<16xf32>,
        %add3A_676 = arith.constant 32 : i32
        %add3A_677 = arith.addi %mul3A_665, %add3A_676 : i32
        %get3A_678 = arith.index_cast %add3A_677 : i32 to index
        %get3A_679 = tpu.vector_load %arg20[%get3A_678] {strides = array<i32>} : memref<16384xf32, #tpu.memory_space<vmem>>, vector<16xf32>,
        %add3A_680 = arith.constant 48 : i32
        %add3A_681 = arith.addi %mul3A_665, %add3A_680 : i32
        %get3A_682 = arith.index_cast %add3A_681 : i32 to index
        %get3A_683 = tpu.vector_load %arg20[%get3A_682] {strides = array<i32>} : memref<16384xf32, #tpu.memory_space<vmem>>, vector<16xf32>,
        %add3A_684 = arith.constant 64 : i32
        %add3A_685 = arith.addi %mul3A_665, %add3A_684 : i32
        %get3A_686 = arith.index_cast %add3A_685 : i32 to index
        %get3A_687 = tpu.vector_load %arg20[%get3A_686] {strides = array<i32>} : memref<16384xf32, #tpu.memory_space<vmem>>, vector<16xf32>,
        %add3A_688 = arith.constant 80 : i32
        %add3A_689 = arith.addi %mul3A_665, %add3A_688 : i32
        %get3A_690 = arith.index_cast %add3A_689 : i32 to index
        %get3A_691 = tpu.vector_load %arg20[%get3A_690] {strides = array<i32>} : memref<16384xf32, #tpu.memory_space<vmem>>, vector<16xf32>,
        %add3A_692 = arith.constant 0 : i32
        %add3A_693 = arith.addi %add3A_667, %add3A_692 : i32
        %get3A_694 = arith.index_cast %add3A_693 : i32 to index
        %get3A_695 = tpu.vector_load %arg20[%get3A_694] {strides = array<i32>} : memref<16384xf32, #tpu.memory_space<vmem>>, vector<16xf32>,
        %add3A_696 = arith.constant 16 : i32
        %add3A_697 = arith.addi %add3A_667, %add3A_696 : i32
        %get3A_698 = arith.index_cast %add3A_697 : i32 to index
        %get3A_699 = tpu.vector_load %arg20[%get3A_698] {strides = array<i32>} : memref<16384xf32, #tpu.memory_space<vmem>>, vector<16xf32>,
        %add3A_700 = arith.constant 32 : i32
        %add3A_701 = arith.addi %add3A_667, %add3A_700 : i32
        %get3A_702 = arith.index_cast %add3A_701 : i32 to index
        %get3A_703 = tpu.vector_load %arg20[%get3A_702] {strides = array<i32>} : memref<16384xf32, #tpu.memory_space<vmem>>, vector<16xf32>,
        %add3A_704 = arith.constant 48 : i32
        %add3A_705 = arith.addi %add3A_667, %add3A_704 : i32
        %get3A_706 = arith.index_cast %add3A_705 : i32 to index
        %get3A_707 = tpu.vector_load %arg20[%get3A_706] {strides = array<i32>} : memref<16384xf32, #tpu.memory_space<vmem>>, vector<16xf32>,
        %add3A_708 = arith.constant 64 : i32
        %add3A_709 = arith.addi %add3A_667, %add3A_708 : i32
        %get3A_710 = arith.index_cast %add3A_709 : i32 to index
        %get3A_711 = tpu.vector_load %arg20[%get3A_710] {strides = array<i32>} : memref<16384xf32, #tpu.memory_space<vmem>>, vector<16xf32>,
        %add3A_712 = arith.constant 80 : i32
        %add3A_713 = arith.addi %add3A_667, %add3A_712 : i32
        %get3A_714 = arith.index_cast %add3A_713 : i32 to index
        %get3A_715 = tpu.vector_load %arg20[%get3A_714] {strides = array<i32>} : memref<16384xf32, #tpu.memory_space<vmem>>, vector<16xf32>,
        %add3A_716 = arith.constant 0 : i32
        %add3A_717 = arith.addi %mul3A_119, %add3A_716 : i32
        %swap3A_718 = arith.index_cast %add3A_717 : i32 to index
        %swap3A_719 = tpu.vector_load %arg19[%swap3A_718] {strides = array<i32>} : memref<24672xf32, #tpu.memory_space<vmem>>, vector<16xf32>,
        tpu.vector_store %arg19[%swap3A_718], %get3A_671 {add = true, strides = array<i32>} : memref<24672xf32, #tpu.memory_space<vmem>>, vector<16xf32>,
        %add3A_720 = arith.constant 16 : i32
        %add3A_721 = arith.addi %mul3A_119, %add3A_720 : i32
        %swap3A_722 = arith.index_cast %add3A_721 : i32 to index
        %swap3A_723 = tpu.vector_load %arg19[%swap3A_722] {strides = array<i32>} : memref<24672xf32, #tpu.memory_space<vmem>>, vector<16xf32>,
        tpu.vector_store %arg19[%swap3A_722], %get3A_675 {add = true, strides = array<i32>} : memref<24672xf32, #tpu.memory_space<vmem>>, vector<16xf32>,
        %add3A_724 = arith.constant 32 : i32
        %add3A_725 = arith.addi %mul3A_119, %add3A_724 : i32
        %swap3A_726 = arith.index_cast %add3A_725 : i32 to index
        %swap3A_727 = tpu.vector_load %arg19[%swap3A_726] {strides = array<i32>} : memref<24672xf32, #tpu.memory_space<vmem>>, vector<16xf32>,
        tpu.vector_store %arg19[%swap3A_726], %get3A_679 {add = true, strides = array<i32>} : memref<24672xf32, #tpu.memory_space<vmem>>, vector<16xf32>,
        %add3A_728 = arith.constant 48 : i32
        %add3A_729 = arith.addi %mul3A_119, %add3A_728 : i32
        %swap3A_730 = arith.index_cast %add3A_729 : i32 to index
        %swap3A_731 = tpu.vector_load %arg19[%swap3A_730] {strides = array<i32>} : memref<24672xf32, #tpu.memory_space<vmem>>, vector<16xf32>,
        tpu.vector_store %arg19[%swap3A_730], %get3A_683 {add = true, strides = array<i32>} : memref<24672xf32, #tpu.memory_space<vmem>>, vector<16xf32>,
        %add3A_732 = arith.constant 64 : i32
        %add3A_733 = arith.addi %mul3A_119, %add3A_732 : i32
        %swap3A_734 = arith.index_cast %add3A_733 : i32 to index
        %swap3A_735 = tpu.vector_load %arg19[%swap3A_734] {strides = array<i32>} : memref<24672xf32, #tpu.memory_space<vmem>>, vector<16xf32>,
        tpu.vector_store %arg19[%swap3A_734], %get3A_687 {add = true, strides = array<i32>} : memref<24672xf32, #tpu.memory_space<vmem>>, vector<16xf32>,
        %add3A_736 = arith.constant 80 : i32
        %add3A_737 = arith.addi %mul3A_119, %add3A_736 : i32
        %swap3A_738 = arith.index_cast %add3A_737 : i32 to index
        %swap3A_739 = tpu.vector_load %arg19[%swap3A_738] {strides = array<i32>} : memref<24672xf32, #tpu.memory_space<vmem>>, vector<16xf32>,
        tpu.vector_store %arg19[%swap3A_738], %get3A_691 {add = true, strides = array<i32>} : memref<24672xf32, #tpu.memory_space<vmem>>, vector<16xf32>,
        %add3A_740 = arith.constant 0 : i32
        %add3A_741 = arith.addi %mul3A_123, %add3A_740 : i32
        %swap3A_742 = arith.index_cast %add3A_741 : i32 to index
        %swap3A_743 = tpu.vector_load %arg19[%swap3A_742] {strides = array<i32>} : memref<24672xf32, #tpu.memory_space<vmem>>, vector<16xf32>,
        tpu.vector_store %arg19[%swap3A_742], %get3A_695 {add = true, strides = array<i32>} : memref<24672xf32, #tpu.memory_space<vmem>>, vector<16xf32>,
        %add3A_744 = arith.constant 16 : i32
        %add3A_745 = arith.addi %mul3A_123, %add3A_744 : i32
        %swap3A_746 = arith.index_cast %add3A_745 : i32 to index
        %swap3A_747 = tpu.vector_load %arg19[%swap3A_746] {strides = array<i32>} : memref<24672xf32, #tpu.memory_space<vmem>>, vector<16xf32>,
        tpu.vector_store %arg19[%swap3A_746], %get3A_699 {add = true, strides = array<i32>} : memref<24672xf32, #tpu.memory_space<vmem>>, vector<16xf32>,
        %add3A_748 = arith.constant 32 : i32
        %add3A_749 = arith.addi %mul3A_123, %add3A_748 : i32
        %swap3A_750 = arith.index_cast %add3A_749 : i32 to index
        %swap3A_751 = tpu.vector_load %arg19[%swap3A_750] {strides = array<i32>} : memref<24672xf32, #tpu.memory_space<vmem>>, vector<16xf32>,
        tpu.vector_store %arg19[%swap3A_750], %get3A_703 {add = true, strides = array<i32>} : memref<24672xf32, #tpu.memory_space<vmem>>, vector<16xf32>,
        %add3A_752 = arith.constant 48 : i32
        %add3A_753 = arith.addi %mul3A_123, %add3A_752 : i32
        %swap3A_754 = arith.index_cast %add3A_753 : i32 to index
        %swap3A_755 = tpu.vector_load %arg19[%swap3A_754] {strides = array<i32>} : memref<24672xf32, #tpu.memory_space<vmem>>, vector<16xf32>,
        tpu.vector_store %arg19[%swap3A_754], %get3A_707 {add = true, strides = array<i32>} : memref<24672xf32, #tpu.memory_space<vmem>>, vector<16xf32>,
        %add3A_756 = arith.constant 64 : i32
        %add3A_757 = arith.addi %mul3A_123, %add3A_756 : i32
        %swap3A_758 = arith.index_cast %add3A_757 : i32 to index
        %swap3A_759 = tpu.vector_load %arg19[%swap3A_758] {strides = array<i32>} : memref<24672xf32, #tpu.memory_space<vmem>>, vector<16xf32>,
        tpu.vector_store %arg19[%swap3A_758], %get3A_711 {add = true, strides = array<i32>} : memref<24672xf32, #tpu.memory_space<vmem>>, vector<16xf32>,
        %add3A_760 = arith.constant 80 : i32
        %add3A_761 = arith.addi %mul3A_123, %add3A_760 : i32
        %swap3A_762 = arith.index_cast %add3A_761 : i32 to index
        %swap3A_763 = tpu.vector_load %arg19[%swap3A_762] {strides = array<i32>} : memref<24672xf32, #tpu.memory_space<vmem>>, vector<16xf32>,
        tpu.vector_store %arg19[%swap3A_762], %get3A_715 {add = true, strides = array<i32>} : memref<24672xf32, #tpu.memory_space<vmem>>, vector<16xf32>,
        %mul3A_764 = arith.constant 16 : i32
        %mul3A_765 = arith.muli %scan3A_73, %mul3A_764 : i32
        %add3A_766 = arith.constant 12 : i32
        %add3A_767 = arith.addi %mul3A_765, %add3A_766 : i32
        %mul3A_768 = arith.constant 128 : i32
        %mul3A_769 = arith.muli %add3A_767, %mul3A_768 : i32
        %add3A_770 = arith.constant 128 : i32
        %add3A_771 = arith.addi %mul3A_769, %add3A_770 : i32
        %add3A_772 = arith.constant 0 : i32
        %add3A_773 = arith.addi %mul3A_769, %add3A_772 : i32
        %get3A_774 = arith.index_cast %add3A_773 : i32 to index
        %get3A_775 = tpu.vector_load %arg20[%get3A_774] {strides = array<i32>} : memref<16384xf32, #tpu.memory_space<vmem>>, vector<16xf32>,
        %add3A_776 = arith.constant 16 : i32
        %add3A_777 = arith.addi %mul3A_769, %add3A_776 : i32
        %get3A_778 = arith.index_cast %add3A_777 : i32 to index
        %get3A_779 = tpu.vector_load %arg20[%get3A_778] {strides = array<i32>} : memref<16384xf32, #tpu.memory_space<vmem>>, vector<16xf32>,
        %add3A_780 = arith.constant 32 : i32
        %add3A_781 = arith.addi %mul3A_769, %add3A_780 : i32
        %get3A_782 = arith.index_cast %add3A_781 : i32 to index
        %get3A_783 = tpu.vector_load %arg20[%get3A_782] {strides = array<i32>} : memref<16384xf32, #tpu.memory_space<vmem>>, vector<16xf32>,
        %add3A_784 = arith.constant 48 : i32
        %add3A_785 = arith.addi %mul3A_769, %add3A_784 : i32
        %get3A_786 = arith.index_cast %add3A_785 : i32 to index
        %get3A_787 = tpu.vector_load %arg20[%get3A_786] {strides = array<i32>} : memref<16384xf32, #tpu.memory_space<vmem>>, vector<16xf32>,
        %add3A_788 = arith.constant 64 : i32
        %add3A_789 = arith.addi %mul3A_769, %add3A_788 : i32
        %get3A_790 = arith.index_cast %add3A_789 : i32 to index
        %get3A_791 = tpu.vector_load %arg20[%get3A_790] {strides = array<i32>} : memref<16384xf32, #tpu.memory_space<vmem>>, vector<16xf32>,
        %add3A_792 = arith.constant 80 : i32
        %add3A_793 = arith.addi %mul3A_769, %add3A_792 : i32
        %get3A_794 = arith.index_cast %add3A_793 : i32 to index
        %get3A_795 = tpu.vector_load %arg20[%get3A_794] {strides = array<i32>} : memref<16384xf32, #tpu.memory_space<vmem>>, vector<16xf32>,
        %add3A_796 = arith.constant 0 : i32
        %add3A_797 = arith.addi %add3A_771, %add3A_796 : i32
        %get3A_798 = arith.index_cast %add3A_797 : i32 to index
        %get3A_799 = tpu.vector_load %arg20[%get3A_798] {strides = array<i32>} : memref<16384xf32, #tpu.memory_space<vmem>>, vector<16xf32>,
        %add3A_800 = arith.constant 16 : i32
        %add3A_801 = arith.addi %add3A_771, %add3A_800 : i32
        %get3A_802 = arith.index_cast %add3A_801 : i32 to index
        %get3A_803 = tpu.vector_load %arg20[%get3A_802] {strides = array<i32>} : memref<16384xf32, #tpu.memory_space<vmem>>, vector<16xf32>,
        %add3A_804 = arith.constant 32 : i32
        %add3A_805 = arith.addi %add3A_771, %add3A_804 : i32
        %get3A_806 = arith.index_cast %add3A_805 : i32 to index
        %get3A_807 = tpu.vector_load %arg20[%get3A_806] {strides = array<i32>} : memref<16384xf32, #tpu.memory_space<vmem>>, vector<16xf32>,
        %add3A_808 = arith.constant 48 : i32
        %add3A_809 = arith.addi %add3A_771, %add3A_808 : i32
        %get3A_810 = arith.index_cast %add3A_809 : i32 to index
        %get3A_811 = tpu.vector_load %arg20[%get3A_810] {strides = array<i32>} : memref<16384xf32, #tpu.memory_space<vmem>>, vector<16xf32>,
        %add3A_812 = arith.constant 64 : i32
        %add3A_813 = arith.addi %add3A_771, %add3A_812 : i32
        %get3A_814 = arith.index_cast %add3A_813 : i32 to index
        %get3A_815 = tpu.vector_load %arg20[%get3A_814] {strides = array<i32>} : memref<16384xf32, #tpu.memory_space<vmem>>, vector<16xf32>,
        %add3A_816 = arith.constant 80 : i32
        %add3A_817 = arith.addi %add3A_771, %add3A_816 : i32
        %get3A_818 = arith.index_cast %add3A_817 : i32 to index
        %get3A_819 = tpu.vector_load %arg20[%get3A_818] {strides = array<i32>} : memref<16384xf32, #tpu.memory_space<vmem>>, vector<16xf32>,
        %add3A_820 = arith.constant 0 : i32
        %add3A_821 = arith.addi %mul3A_127, %add3A_820 : i32
        %swap3A_822 = arith.index_cast %add3A_821 : i32 to index
        %swap3A_823 = tpu.vector_load %arg19[%swap3A_822] {strides = array<i32>} : memref<24672xf32, #tpu.memory_space<vmem>>, vector<16xf32>,
        tpu.vector_store %arg19[%swap3A_822], %get3A_775 {add = true, strides = array<i32>} : memref<24672xf32, #tpu.memory_space<vmem>>, vector<16xf32>,
        %add3A_824 = arith.constant 16 : i32
        %add3A_825 = arith.addi %mul3A_127, %add3A_824 : i32
        %swap3A_826 = arith.index_cast %add3A_825 : i32 to index
        %swap3A_827 = tpu.vector_load %arg19[%swap3A_826] {strides = array<i32>} : memref<24672xf32, #tpu.memory_space<vmem>>, vector<16xf32>,
        tpu.vector_store %arg19[%swap3A_826], %get3A_779 {add = true, strides = array<i32>} : memref<24672xf32, #tpu.memory_space<vmem>>, vector<16xf32>,
        %add3A_828 = arith.constant 32 : i32
        %add3A_829 = arith.addi %mul3A_127, %add3A_828 : i32
        %swap3A_830 = arith.index_cast %add3A_829 : i32 to index
        %swap3A_831 = tpu.vector_load %arg19[%swap3A_830] {strides = array<i32>} : memref<24672xf32, #tpu.memory_space<vmem>>, vector<16xf32>,
        tpu.vector_store %arg19[%swap3A_830], %get3A_783 {add = true, strides = array<i32>} : memref<24672xf32, #tpu.memory_space<vmem>>, vector<16xf32>,
        %add3A_832 = arith.constant 48 : i32
        %add3A_833 = arith.addi %mul3A_127, %add3A_832 : i32
        %swap3A_834 = arith.index_cast %add3A_833 : i32 to index
        %swap3A_835 = tpu.vector_load %arg19[%swap3A_834] {strides = array<i32>} : memref<24672xf32, #tpu.memory_space<vmem>>, vector<16xf32>,
        tpu.vector_store %arg19[%swap3A_834], %get3A_787 {add = true, strides = array<i32>} : memref<24672xf32, #tpu.memory_space<vmem>>, vector<16xf32>,
        %add3A_836 = arith.constant 64 : i32
        %add3A_837 = arith.addi %mul3A_127, %add3A_836 : i32
        %swap3A_838 = arith.index_cast %add3A_837 : i32 to index
        %swap3A_839 = tpu.vector_load %arg19[%swap3A_838] {strides = array<i32>} : memref<24672xf32, #tpu.memory_space<vmem>>, vector<16xf32>,
        tpu.vector_store %arg19[%swap3A_838], %get3A_791 {add = true, strides = array<i32>} : memref<24672xf32, #tpu.memory_space<vmem>>, vector<16xf32>,
        %add3A_840 = arith.constant 80 : i32
        %add3A_841 = arith.addi %mul3A_127, %add3A_840 : i32
        %swap3A_842 = arith.index_cast %add3A_841 : i32 to index
        %swap3A_843 = tpu.vector_load %arg19[%swap3A_842] {strides = array<i32>} : memref<24672xf32, #tpu.memory_space<vmem>>, vector<16xf32>,
        tpu.vector_store %arg19[%swap3A_842], %get3A_795 {add = true, strides = array<i32>} : memref<24672xf32, #tpu.memory_space<vmem>>, vector<16xf32>,
        %add3A_844 = arith.constant 0 : i32
        %add3A_845 = arith.addi %mul3A_131, %add3A_844 : i32
        %swap3A_846 = arith.index_cast %add3A_845 : i32 to index
        %swap3A_847 = tpu.vector_load %arg19[%swap3A_846] {strides = array<i32>} : memref<24672xf32, #tpu.memory_space<vmem>>, vector<16xf32>,
        tpu.vector_store %arg19[%swap3A_846], %get3A_799 {add = true, strides = array<i32>} : memref<24672xf32, #tpu.memory_space<vmem>>, vector<16xf32>,
        %add3A_848 = arith.constant 16 : i32
        %add3A_849 = arith.addi %mul3A_131, %add3A_848 : i32
        %swap3A_850 = arith.index_cast %add3A_849 : i32 to index
        %swap3A_851 = tpu.vector_load %arg19[%swap3A_850] {strides = array<i32>} : memref<24672xf32, #tpu.memory_space<vmem>>, vector<16xf32>,
        tpu.vector_store %arg19[%swap3A_850], %get3A_803 {add = true, strides = array<i32>} : memref<24672xf32, #tpu.memory_space<vmem>>, vector<16xf32>,
        %add3A_852 = arith.constant 32 : i32
        %add3A_853 = arith.addi %mul3A_131, %add3A_852 : i32
        %swap3A_854 = arith.index_cast %add3A_853 : i32 to index
        %swap3A_855 = tpu.vector_load %arg19[%swap3A_854] {strides = array<i32>} : memref<24672xf32, #tpu.memory_space<vmem>>, vector<16xf32>,
        tpu.vector_store %arg19[%swap3A_854], %get3A_807 {add = true, strides = array<i32>} : memref<24672xf32, #tpu.memory_space<vmem>>, vector<16xf32>,
        %add3A_856 = arith.constant 48 : i32
        %add3A_857 = arith.addi %mul3A_131, %add3A_856 : i32
        %swap3A_858 = arith.index_cast %add3A_857 : i32 to index
        %swap3A_859 = tpu.vector_load %arg19[%swap3A_858] {strides = array<i32>} : memref<24672xf32, #tpu.memory_space<vmem>>, vector<16xf32>,
        tpu.vector_store %arg19[%swap3A_858], %get3A_811 {add = true, strides = array<i32>} : memref<24672xf32, #tpu.memory_space<vmem>>, vector<16xf32>,
        %add3A_860 = arith.constant 64 : i32
        %add3A_861 = arith.addi %mul3A_131, %add3A_860 : i32
        %swap3A_862 = arith.index_cast %add3A_861 : i32 to index
        %swap3A_863 = tpu.vector_load %arg19[%swap3A_862] {strides = array<i32>} : memref<24672xf32, #tpu.memory_space<vmem>>, vector<16xf32>,
        tpu.vector_store %arg19[%swap3A_862], %get3A_815 {add = true, strides = array<i32>} : memref<24672xf32, #tpu.memory_space<vmem>>, vector<16xf32>,
        %add3A_864 = arith.constant 80 : i32
        %add3A_865 = arith.addi %mul3A_131, %add3A_864 : i32
        %swap3A_866 = arith.index_cast %add3A_865 : i32 to index
        %swap3A_867 = tpu.vector_load %arg19[%swap3A_866] {strides = array<i32>} : memref<24672xf32, #tpu.memory_space<vmem>>, vector<16xf32>,
        tpu.vector_store %arg19[%swap3A_866], %get3A_819 {add = true, strides = array<i32>} : memref<24672xf32, #tpu.memory_space<vmem>>, vector<16xf32>,
        %mul3A_868 = arith.constant 16 : i32
        %mul3A_869 = arith.muli %scan3A_73, %mul3A_868 : i32
        %add3A_870 = arith.constant 14 : i32
        %add3A_871 = arith.addi %mul3A_869, %add3A_870 : i32
        %mul3A_872 = arith.constant 128 : i32
        %mul3A_873 = arith.muli %add3A_871, %mul3A_872 : i32
        %add3A_874 = arith.constant 128 : i32
        %add3A_875 = arith.addi %mul3A_873, %add3A_874 : i32
        %add3A_876 = arith.constant 0 : i32
        %add3A_877 = arith.addi %mul3A_873, %add3A_876 : i32
        %get3A_878 = arith.index_cast %add3A_877 : i32 to index
        %get3A_879 = tpu.vector_load %arg20[%get3A_878] {strides = array<i32>} : memref<16384xf32, #tpu.memory_space<vmem>>, vector<16xf32>,
        %add3A_880 = arith.constant 16 : i32
        %add3A_881 = arith.addi %mul3A_873, %add3A_880 : i32
        %get3A_882 = arith.index_cast %add3A_881 : i32 to index
        %get3A_883 = tpu.vector_load %arg20[%get3A_882] {strides = array<i32>} : memref<16384xf32, #tpu.memory_space<vmem>>, vector<16xf32>,
        %add3A_884 = arith.constant 32 : i32
        %add3A_885 = arith.addi %mul3A_873, %add3A_884 : i32
        %get3A_886 = arith.index_cast %add3A_885 : i32 to index
        %get3A_887 = tpu.vector_load %arg20[%get3A_886] {strides = array<i32>} : memref<16384xf32, #tpu.memory_space<vmem>>, vector<16xf32>,
        %add3A_888 = arith.constant 48 : i32
        %add3A_889 = arith.addi %mul3A_873, %add3A_888 : i32
        %get3A_890 = arith.index_cast %add3A_889 : i32 to index
        %get3A_891 = tpu.vector_load %arg20[%get3A_890] {strides = array<i32>} : memref<16384xf32, #tpu.memory_space<vmem>>, vector<16xf32>,
        %add3A_892 = arith.constant 64 : i32
        %add3A_893 = arith.addi %mul3A_873, %add3A_892 : i32
        %get3A_894 = arith.index_cast %add3A_893 : i32 to index
        %get3A_895 = tpu.vector_load %arg20[%get3A_894] {strides = array<i32>} : memref<16384xf32, #tpu.memory_space<vmem>>, vector<16xf32>,
        %add3A_896 = arith.constant 80 : i32
        %add3A_897 = arith.addi %mul3A_873, %add3A_896 : i32
        %get3A_898 = arith.index_cast %add3A_897 : i32 to index
        %get3A_899 = tpu.vector_load %arg20[%get3A_898] {strides = array<i32>} : memref<16384xf32, #tpu.memory_space<vmem>>, vector<16xf32>,
        %add3A_900 = arith.constant 0 : i32
        %add3A_901 = arith.addi %add3A_875, %add3A_900 : i32
        %get3A_902 = arith.index_cast %add3A_901 : i32 to index
        %get3A_903 = tpu.vector_load %arg20[%get3A_902] {strides = array<i32>} : memref<16384xf32, #tpu.memory_space<vmem>>, vector<16xf32>,
        %add3A_904 = arith.constant 16 : i32
        %add3A_905 = arith.addi %add3A_875, %add3A_904 : i32
        %get3A_906 = arith.index_cast %add3A_905 : i32 to index
        %get3A_907 = tpu.vector_load %arg20[%get3A_906] {strides = array<i32>} : memref<16384xf32, #tpu.memory_space<vmem>>, vector<16xf32>,
        %add3A_908 = arith.constant 32 : i32
        %add3A_909 = arith.addi %add3A_875, %add3A_908 : i32
        %get3A_910 = arith.index_cast %add3A_909 : i32 to index
        %get3A_911 = tpu.vector_load %arg20[%get3A_910] {strides = array<i32>} : memref<16384xf32, #tpu.memory_space<vmem>>, vector<16xf32>,
        %add3A_912 = arith.constant 48 : i32
        %add3A_913 = arith.addi %add3A_875, %add3A_912 : i32
        %get3A_914 = arith.index_cast %add3A_913 : i32 to index
        %get3A_915 = tpu.vector_load %arg20[%get3A_914] {strides = array<i32>} : memref<16384xf32, #tpu.memory_space<vmem>>, vector<16xf32>,
        %add3A_916 = arith.constant 64 : i32
        %add3A_917 = arith.addi %add3A_875, %add3A_916 : i32
        %get3A_918 = arith.index_cast %add3A_917 : i32 to index
        %get3A_919 = tpu.vector_load %arg20[%get3A_918] {strides = array<i32>} : memref<16384xf32, #tpu.memory_space<vmem>>, vector<16xf32>,
        %add3A_920 = arith.constant 80 : i32
        %add3A_921 = arith.addi %add3A_875, %add3A_920 : i32
        %get3A_922 = arith.index_cast %add3A_921 : i32 to index
        %get3A_923 = tpu.vector_load %arg20[%get3A_922] {strides = array<i32>} : memref<16384xf32, #tpu.memory_space<vmem>>, vector<16xf32>,
        %add3A_924 = arith.constant 0 : i32
        %add3A_925 = arith.addi %mul3A_135, %add3A_924 : i32
        %swap3A_926 = arith.index_cast %add3A_925 : i32 to index
        %swap3A_927 = tpu.vector_load %arg19[%swap3A_926] {strides = array<i32>} : memref<24672xf32, #tpu.memory_space<vmem>>, vector<16xf32>,
        tpu.vector_store %arg19[%swap3A_926], %get3A_879 {add = true, strides = array<i32>} : memref<24672xf32, #tpu.memory_space<vmem>>, vector<16xf32>,
        %add3A_928 = arith.constant 16 : i32
        %add3A_929 = arith.addi %mul3A_135, %add3A_928 : i32
        %swap3A_930 = arith.index_cast %add3A_929 : i32 to index
        %swap3A_931 = tpu.vector_load %arg19[%swap3A_930] {strides = array<i32>} : memref<24672xf32, #tpu.memory_space<vmem>>, vector<16xf32>,
        tpu.vector_store %arg19[%swap3A_930], %get3A_883 {add = true, strides = array<i32>} : memref<24672xf32, #tpu.memory_space<vmem>>, vector<16xf32>,
        %add3A_932 = arith.constant 32 : i32
        %add3A_933 = arith.addi %mul3A_135, %add3A_932 : i32
        %swap3A_934 = arith.index_cast %add3A_933 : i32 to index
        %swap3A_935 = tpu.vector_load %arg19[%swap3A_934] {strides = array<i32>} : memref<24672xf32, #tpu.memory_space<vmem>>, vector<16xf32>,
        tpu.vector_store %arg19[%swap3A_934], %get3A_887 {add = true, strides = array<i32>} : memref<24672xf32, #tpu.memory_space<vmem>>, vector<16xf32>,
        %add3A_936 = arith.constant 48 : i32
        %add3A_937 = arith.addi %mul3A_135, %add3A_936 : i32
        %swap3A_938 = arith.index_cast %add3A_937 : i32 to index
        %swap3A_939 = tpu.vector_load %arg19[%swap3A_938] {strides = array<i32>} : memref<24672xf32, #tpu.memory_space<vmem>>, vector<16xf32>,
        tpu.vector_store %arg19[%swap3A_938], %get3A_891 {add = true, strides = array<i32>} : memref<24672xf32, #tpu.memory_space<vmem>>, vector<16xf32>,
        %add3A_940 = arith.constant 64 : i32
        %add3A_941 = arith.addi %mul3A_135, %add3A_940 : i32
        %swap3A_942 = arith.index_cast %add3A_941 : i32 to index
        %swap3A_943 = tpu.vector_load %arg19[%swap3A_942] {strides = array<i32>} : memref<24672xf32, #tpu.memory_space<vmem>>, vector<16xf32>,
        tpu.vector_store %arg19[%swap3A_942], %get3A_895 {add = true, strides = array<i32>} : memref<24672xf32, #tpu.memory_space<vmem>>, vector<16xf32>,
        %add3A_944 = arith.constant 80 : i32
        %add3A_945 = arith.addi %mul3A_135, %add3A_944 : i32
        %swap3A_946 = arith.index_cast %add3A_945 : i32 to index
        %swap3A_947 = tpu.vector_load %arg19[%swap3A_946] {strides = array<i32>} : memref<24672xf32, #tpu.memory_space<vmem>>, vector<16xf32>,
        tpu.vector_store %arg19[%swap3A_946], %get3A_899 {add = true, strides = array<i32>} : memref<24672xf32, #tpu.memory_space<vmem>>, vector<16xf32>,
        %add3A_948 = arith.constant 0 : i32
        %add3A_949 = arith.addi %mul3A_139, %add3A_948 : i32
        %swap3A_950 = arith.index_cast %add3A_949 : i32 to index
        %swap3A_951 = tpu.vector_load %arg19[%swap3A_950] {strides = array<i32>} : memref<24672xf32, #tpu.memory_space<vmem>>, vector<16xf32>,
        tpu.vector_store %arg19[%swap3A_950], %get3A_903 {add = true, strides = array<i32>} : memref<24672xf32, #tpu.memory_space<vmem>>, vector<16xf32>,
        %add3A_952 = arith.constant 16 : i32
        %add3A_953 = arith.addi %mul3A_139, %add3A_952 : i32
        %swap3A_954 = arith.index_cast %add3A_953 : i32 to index
        %swap3A_955 = tpu.vector_load %arg19[%swap3A_954] {strides = array<i32>} : memref<24672xf32, #tpu.memory_space<vmem>>, vector<16xf32>,
        tpu.vector_store %arg19[%swap3A_954], %get3A_907 {add = true, strides = array<i32>} : memref<24672xf32, #tpu.memory_space<vmem>>, vector<16xf32>,
        %add3A_956 = arith.constant 32 : i32
        %add3A_957 = arith.addi %mul3A_139, %add3A_956 : i32
        %swap3A_958 = arith.index_cast %add3A_957 : i32 to index
        %swap3A_959 = tpu.vector_load %arg19[%swap3A_958] {strides = array<i32>} : memref<24672xf32, #tpu.memory_space<vmem>>, vector<16xf32>,
        tpu.vector_store %arg19[%swap3A_958], %get3A_911 {add = true, strides = array<i32>} : memref<24672xf32, #tpu.memory_space<vmem>>, vector<16xf32>,
        %add3A_960 = arith.constant 48 : i32
        %add3A_961 = arith.addi %mul3A_139, %add3A_960 : i32
        %swap3A_962 = arith.index_cast %add3A_961 : i32 to index
        %swap3A_963 = tpu.vector_load %arg19[%swap3A_962] {strides = array<i32>} : memref<24672xf32, #tpu.memory_space<vmem>>, vector<16xf32>,
        tpu.vector_store %arg19[%swap3A_962], %get3A_915 {add = true, strides = array<i32>} : memref<24672xf32, #tpu.memory_space<vmem>>, vector<16xf32>,
        %add3A_964 = arith.constant 64 : i32
        %add3A_965 = arith.addi %mul3A_139, %add3A_964 : i32
        %swap3A_966 = arith.index_cast %add3A_965 : i32 to index
        %swap3A_967 = tpu.vector_load %arg19[%swap3A_966] {strides = array<i32>} : memref<24672xf32, #tpu.memory_space<vmem>>, vector<16xf32>,
        tpu.vector_store %arg19[%swap3A_966], %get3A_919 {add = true, strides = array<i32>} : memref<24672xf32, #tpu.memory_space<vmem>>, vector<16xf32>,
        %add3A_968 = arith.constant 80 : i32
        %add3A_969 = arith.addi %mul3A_139, %add3A_968 : i32
        %swap3A_970 = arith.index_cast %add3A_969 : i32 to index
        %swap3A_971 = tpu.vector_load %arg19[%swap3A_970] {strides = array<i32>} : memref<24672xf32, #tpu.memory_space<vmem>>, vector<16xf32>,
        tpu.vector_store %arg19[%swap3A_970], %get3A_923 {add = true, strides = array<i32>} : memref<24672xf32, #tpu.memory_space<vmem>>, vector<16xf32>,
      }
      %scan3A_55 = arith.constant 8 : i32
      %lt3A = arith.constant 5 : i32
      %lt3A_56 = arith.cmpi slt, %scan3A_32, %lt3A : i32
      %convert_element_type3A = arith.extui %lt3A_56 : i1 to i32
      %cond3A = arith.constant 0 : i32
      %cond3A_57 = arith.cmpi ne, %convert_element_type3A, %cond3A : i32
      scf.if %cond3A_57 {
        %add3A_73 = arith.constant 32768 : i32
        %add3A_74 = arith.addi %add3A_39, %add3A_73 : i32
        %dma_start3A_75 = tpu.memref_slice %arg2[%add3A_74] : memref<16777216xf32, #tpu.memory_space<hbm>> -> memref<16384xf32, #tpu.memory_space<hbm>>
        %dma_start3A_76 = tpu.memref_slice %arg2[%add3A_74] : memref<16777216xf32, #tpu.memory_space<hbm>> -> memref<16384xf32, #tpu.memory_space<hbm>>
        tpu.enqueue_dma source(%dma_start3A_76 : memref<16384xf32, #tpu.memory_space<hbm>>) target(%arg20 : memref<16384xf32, #tpu.memory_space<vmem>>) target_semaphore(%arg23 : memref<!tpu.dma_semaphore, #tpu.memory_space<semaphore_mem>>)
      } else {
      }
      %dma_wait3A_58 = arith.constant 0 : i32
      %dma_wait3A_59 = tpu.memref_slice %arg2[%dma_wait3A_58] : memref<16777216xf32, #tpu.memory_space<hbm>> -> memref<16384xf32, #tpu.memory_space<hbm>>
      %dma_wait3A_60 = arith.constant 0 : i32
      %dma_wait3A_61 = tpu.memref_slice %arg2[%dma_wait3A_60] : memref<16777216xf32, #tpu.memory_space<hbm>> -> memref<16384xf32, #tpu.memory_space<hbm>>
      tpu.wait_dma2 semaphore(%arg24 : memref<!tpu.dma_semaphore, #tpu.memory_space<semaphore_mem>>) src(%dma_wait3A_61 : memref<16384xf32, #tpu.memory_space<hbm>>) dst(%arg21 : memref<16384xf32, #tpu.memory_space<vmem>>)
      %mul3A_62 = arith.constant 2 : i32
      %mul3A_63 = arith.muli %mul3A_62, %scan3A_32 : i32
      %add3A_64 = arith.constant 1 : i32
      %add3A_65 = arith.addi %mul3A_63, %add3A_64 : i32
      %mul3A_66 = arith.constant 128 : i32
      %mul3A_67 = arith.muli %add3A_65, %mul3A_66 : i32
      %scan3A_68 = arith.constant 0 : i32
      %scan3A_69 = arith.constant 8 : i32
      %scan3A_70 = arith.addi %scan3A_68, %scan3A_69 : i32
      %scan3A_71 = arith.constant 1 : i32
      scf.for %scan3A_73 = %scan3A_68 to %scan3A_70 step %scan3A_71  : i32 {
        %mul3A_74 = arith.constant 16 : i32
        %mul3A_75 = arith.muli %scan3A_73, %mul3A_74 : i32
        %add3A_76 = arith.addi %mul3A_67, %mul3A_75 : i32
        %get3A = arith.index_cast %add3A_76 : i32 to index
        %get3A_77 = tpu.vector_load %arg12[%get3A] {strides = array<i32>} : memref<1536xi32, #tpu.memory_space<vmem>>, vector<16xi32>,
        %slice3A = vector.extract_strided_slice %get3A_77 {offsets = [0], sizes = [1], strides = [1]} : vector<16xi32> to vector<1xi32>
        %squeeze3A = vector.extract %slice3A[0] : i32 from vector<1xi32>
        %mul3A_78 = arith.constant 96 : i32
        %mul3A_79 = arith.muli %squeeze3A, %mul3A_78 : i32
        %slice3A_80 = vector.extract_strided_slice %get3A_77 {offsets = [1], sizes = [1], strides = [1]} : vector<16xi32> to vector<1xi32>
        %squeeze3A_81 = vector.extract %slice3A_80[0] : i32 from vector<1xi32>
        %mul3A_82 = arith.constant 96 : i32
        %mul3A_83 = arith.muli %squeeze3A_81, %mul3A_82 : i32
        %slice3A_84 = vector.extract_strided_slice %get3A_77 {offsets = [2], sizes = [1], strides = [1]} : vector<16xi32> to vector<1xi32>
        %squeeze3A_85 = vector.extract %slice3A_84[0] : i32 from vector<1xi32>
        %mul3A_86 = arith.constant 96 : i32
        %mul3A_87 = arith.muli %squeeze3A_85, %mul3A_86 : i32
        %slice3A_88 = vector.extract_strided_slice %get3A_77 {offsets = [3], sizes = [1], strides = [1]} : vector<16xi32> to vector<1xi32>
        %squeeze3A_89 = vector.extract %slice3A_88[0] : i32 from vector<1xi32>
        %mul3A_90 = arith.constant 96 : i32
        %mul3A_91 = arith.muli %squeeze3A_89, %mul3A_90 : i32
        %slice3A_92 = vector.extract_strided_slice %get3A_77 {offsets = [4], sizes = [1], strides = [1]} : vector<16xi32> to vector<1xi32>
        %squeeze3A_93 = vector.extract %slice3A_92[0] : i32 from vector<1xi32>
        %mul3A_94 = arith.constant 96 : i32
        %mul3A_95 = arith.muli %squeeze3A_93, %mul3A_94 : i32
        %slice3A_96 = vector.extract_strided_slice %get3A_77 {offsets = [5], sizes = [1], strides = [1]} : vector<16xi32> to vector<1xi32>
        %squeeze3A_97 = vector.extract %slice3A_96[0] : i32 from vector<1xi32>
        %mul3A_98 = arith.constant 96 : i32
        %mul3A_99 = arith.muli %squeeze3A_97, %mul3A_98 : i32
        %slice3A_100 = vector.extract_strided_slice %get3A_77 {offsets = [6], sizes = [1], strides = [1]} : vector<16xi32> to vector<1xi32>
        %squeeze3A_101 = vector.extract %slice3A_100[0] : i32 from vector<1xi32>
        %mul3A_102 = arith.constant 96 : i32
        %mul3A_103 = arith.muli %squeeze3A_101, %mul3A_102 : i32
        %slice3A_104 = vector.extract_strided_slice %get3A_77 {offsets = [7], sizes = [1], strides = [1]} : vector<16xi32> to vector<1xi32>
        %squeeze3A_105 = vector.extract %slice3A_104[0] : i32 from vector<1xi32>
        %mul3A_106 = arith.constant 96 : i32
        %mul3A_107 = arith.muli %squeeze3A_105, %mul3A_106 : i32
        %slice3A_108 = vector.extract_strided_slice %get3A_77 {offsets = [8], sizes = [1], strides = [1]} : vector<16xi32> to vector<1xi32>
        %squeeze3A_109 = vector.extract %slice3A_108[0] : i32 from vector<1xi32>
        %mul3A_110 = arith.constant 96 : i32
        %mul3A_111 = arith.muli %squeeze3A_109, %mul3A_110 : i32
        %slice3A_112 = vector.extract_strided_slice %get3A_77 {offsets = [9], sizes = [1], strides = [1]} : vector<16xi32> to vector<1xi32>
        %squeeze3A_113 = vector.extract %slice3A_112[0] : i32 from vector<1xi32>
        %mul3A_114 = arith.constant 96 : i32
        %mul3A_115 = arith.muli %squeeze3A_113, %mul3A_114 : i32
        %slice3A_116 = vector.extract_strided_slice %get3A_77 {offsets = [10], sizes = [1], strides = [1]} : vector<16xi32> to vector<1xi32>
        %squeeze3A_117 = vector.extract %slice3A_116[0] : i32 from vector<1xi32>
        %mul3A_118 = arith.constant 96 : i32
        %mul3A_119 = arith.muli %squeeze3A_117, %mul3A_118 : i32
        %slice3A_120 = vector.extract_strided_slice %get3A_77 {offsets = [11], sizes = [1], strides = [1]} : vector<16xi32> to vector<1xi32>
        %squeeze3A_121 = vector.extract %slice3A_120[0] : i32 from vector<1xi32>
        %mul3A_122 = arith.constant 96 : i32
        %mul3A_123 = arith.muli %squeeze3A_121, %mul3A_122 : i32
        %slice3A_124 = vector.extract_strided_slice %get3A_77 {offsets = [12], sizes = [1], strides = [1]} : vector<16xi32> to vector<1xi32>
        %squeeze3A_125 = vector.extract %slice3A_124[0] : i32 from vector<1xi32>
        %mul3A_126 = arith.constant 96 : i32
        %mul3A_127 = arith.muli %squeeze3A_125, %mul3A_126 : i32
        %slice3A_128 = vector.extract_strided_slice %get3A_77 {offsets = [13], sizes = [1], strides = [1]} : vector<16xi32> to vector<1xi32>
        %squeeze3A_129 = vector.extract %slice3A_128[0] : i32 from vector<1xi32>
        %mul3A_130 = arith.constant 96 : i32
        %mul3A_131 = arith.muli %squeeze3A_129, %mul3A_130 : i32
        %slice3A_132 = vector.extract_strided_slice %get3A_77 {offsets = [14], sizes = [1], strides = [1]} : vector<16xi32> to vector<1xi32>
        %squeeze3A_133 = vector.extract %slice3A_132[0] : i32 from vector<1xi32>
        %mul3A_134 = arith.constant 96 : i32
        %mul3A_135 = arith.muli %squeeze3A_133, %mul3A_134 : i32
        %slice3A_136 = vector.extract_strided_slice %get3A_77 {offsets = [15], sizes = [1], strides = [1]} : vector<16xi32> to vector<1xi32>
        %squeeze3A_137 = vector.extract %slice3A_136[0] : i32 from vector<1xi32>
        %mul3A_138 = arith.constant 96 : i32
        %mul3A_139 = arith.muli %squeeze3A_137, %mul3A_138 : i32
        %mul3A_140 = arith.constant 16 : i32
        %mul3A_141 = arith.muli %scan3A_73, %mul3A_140 : i32
        %add3A_142 = arith.constant 0 : i32
        %add3A_143 = arith.addi %mul3A_141, %add3A_142 : i32
        %mul3A_144 = arith.constant 128 : i32
        %mul3A_145 = arith.muli %add3A_143, %mul3A_144 : i32
        %add3A_146 = arith.constant 128 : i32
        %add3A_147 = arith.addi %mul3A_145, %add3A_146 : i32
        %add3A_148 = arith.constant 0 : i32
        %add3A_149 = arith.addi %mul3A_145, %add3A_148 : i32
        %get3A_150 = arith.index_cast %add3A_149 : i32 to index
        %get3A_151 = tpu.vector_load %arg21[%get3A_150] {strides = array<i32>} : memref<16384xf32, #tpu.memory_space<vmem>>, vector<16xf32>,
        %add3A_152 = arith.constant 16 : i32
        %add3A_153 = arith.addi %mul3A_145, %add3A_152 : i32
        %get3A_154 = arith.index_cast %add3A_153 : i32 to index
        %get3A_155 = tpu.vector_load %arg21[%get3A_154] {strides = array<i32>} : memref<16384xf32, #tpu.memory_space<vmem>>, vector<16xf32>,
        %add3A_156 = arith.constant 32 : i32
        %add3A_157 = arith.addi %mul3A_145, %add3A_156 : i32
        %get3A_158 = arith.index_cast %add3A_157 : i32 to index
        %get3A_159 = tpu.vector_load %arg21[%get3A_158] {strides = array<i32>} : memref<16384xf32, #tpu.memory_space<vmem>>, vector<16xf32>,
        %add3A_160 = arith.constant 48 : i32
        %add3A_161 = arith.addi %mul3A_145, %add3A_160 : i32
        %get3A_162 = arith.index_cast %add3A_161 : i32 to index
        %get3A_163 = tpu.vector_load %arg21[%get3A_162] {strides = array<i32>} : memref<16384xf32, #tpu.memory_space<vmem>>, vector<16xf32>,
        %add3A_164 = arith.constant 64 : i32
        %add3A_165 = arith.addi %mul3A_145, %add3A_164 : i32
        %get3A_166 = arith.index_cast %add3A_165 : i32 to index
        %get3A_167 = tpu.vector_load %arg21[%get3A_166] {strides = array<i32>} : memref<16384xf32, #tpu.memory_space<vmem>>, vector<16xf32>,
        %add3A_168 = arith.constant 80 : i32
        %add3A_169 = arith.addi %mul3A_145, %add3A_168 : i32
        %get3A_170 = arith.index_cast %add3A_169 : i32 to index
        %get3A_171 = tpu.vector_load %arg21[%get3A_170] {strides = array<i32>} : memref<16384xf32, #tpu.memory_space<vmem>>, vector<16xf32>,
        %add3A_172 = arith.constant 0 : i32
        %add3A_173 = arith.addi %add3A_147, %add3A_172 : i32
        %get3A_174 = arith.index_cast %add3A_173 : i32 to index
        %get3A_175 = tpu.vector_load %arg21[%get3A_174] {strides = array<i32>} : memref<16384xf32, #tpu.memory_space<vmem>>, vector<16xf32>,
        %add3A_176 = arith.constant 16 : i32
        %add3A_177 = arith.addi %add3A_147, %add3A_176 : i32
        %get3A_178 = arith.index_cast %add3A_177 : i32 to index
        %get3A_179 = tpu.vector_load %arg21[%get3A_178] {strides = array<i32>} : memref<16384xf32, #tpu.memory_space<vmem>>, vector<16xf32>,
        %add3A_180 = arith.constant 32 : i32
        %add3A_181 = arith.addi %add3A_147, %add3A_180 : i32
        %get3A_182 = arith.index_cast %add3A_181 : i32 to index
        %get3A_183 = tpu.vector_load %arg21[%get3A_182] {strides = array<i32>} : memref<16384xf32, #tpu.memory_space<vmem>>, vector<16xf32>,
        %add3A_184 = arith.constant 48 : i32
        %add3A_185 = arith.addi %add3A_147, %add3A_184 : i32
        %get3A_186 = arith.index_cast %add3A_185 : i32 to index
        %get3A_187 = tpu.vector_load %arg21[%get3A_186] {strides = array<i32>} : memref<16384xf32, #tpu.memory_space<vmem>>, vector<16xf32>,
        %add3A_188 = arith.constant 64 : i32
        %add3A_189 = arith.addi %add3A_147, %add3A_188 : i32
        %get3A_190 = arith.index_cast %add3A_189 : i32 to index
        %get3A_191 = tpu.vector_load %arg21[%get3A_190] {strides = array<i32>} : memref<16384xf32, #tpu.memory_space<vmem>>, vector<16xf32>,
        %add3A_192 = arith.constant 80 : i32
        %add3A_193 = arith.addi %add3A_147, %add3A_192 : i32
        %get3A_194 = arith.index_cast %add3A_193 : i32 to index
        %get3A_195 = tpu.vector_load %arg21[%get3A_194] {strides = array<i32>} : memref<16384xf32, #tpu.memory_space<vmem>>, vector<16xf32>,
        %add3A_196 = arith.constant 0 : i32
        %add3A_197 = arith.addi %mul3A_79, %add3A_196 : i32
        %swap3A_198 = arith.index_cast %add3A_197 : i32 to index
        %swap3A_199 = tpu.vector_load %arg19[%swap3A_198] {strides = array<i32>} : memref<24672xf32, #tpu.memory_space<vmem>>, vector<16xf32>,
        tpu.vector_store %arg19[%swap3A_198], %get3A_151 {add = true, strides = array<i32>} : memref<24672xf32, #tpu.memory_space<vmem>>, vector<16xf32>,
        %add3A_200 = arith.constant 16 : i32
        %add3A_201 = arith.addi %mul3A_79, %add3A_200 : i32
        %swap3A_202 = arith.index_cast %add3A_201 : i32 to index
        %swap3A_203 = tpu.vector_load %arg19[%swap3A_202] {strides = array<i32>} : memref<24672xf32, #tpu.memory_space<vmem>>, vector<16xf32>,
        tpu.vector_store %arg19[%swap3A_202], %get3A_155 {add = true, strides = array<i32>} : memref<24672xf32, #tpu.memory_space<vmem>>, vector<16xf32>,
        %add3A_204 = arith.constant 32 : i32
        %add3A_205 = arith.addi %mul3A_79, %add3A_204 : i32
        %swap3A_206 = arith.index_cast %add3A_205 : i32 to index
        %swap3A_207 = tpu.vector_load %arg19[%swap3A_206] {strides = array<i32>} : memref<24672xf32, #tpu.memory_space<vmem>>, vector<16xf32>,
        tpu.vector_store %arg19[%swap3A_206], %get3A_159 {add = true, strides = array<i32>} : memref<24672xf32, #tpu.memory_space<vmem>>, vector<16xf32>,
        %add3A_208 = arith.constant 48 : i32
        %add3A_209 = arith.addi %mul3A_79, %add3A_208 : i32
        %swap3A_210 = arith.index_cast %add3A_209 : i32 to index
        %swap3A_211 = tpu.vector_load %arg19[%swap3A_210] {strides = array<i32>} : memref<24672xf32, #tpu.memory_space<vmem>>, vector<16xf32>,
        tpu.vector_store %arg19[%swap3A_210], %get3A_163 {add = true, strides = array<i32>} : memref<24672xf32, #tpu.memory_space<vmem>>, vector<16xf32>,
        %add3A_212 = arith.constant 64 : i32
        %add3A_213 = arith.addi %mul3A_79, %add3A_212 : i32
        %swap3A_214 = arith.index_cast %add3A_213 : i32 to index
        %swap3A_215 = tpu.vector_load %arg19[%swap3A_214] {strides = array<i32>} : memref<24672xf32, #tpu.memory_space<vmem>>, vector<16xf32>,
        tpu.vector_store %arg19[%swap3A_214], %get3A_167 {add = true, strides = array<i32>} : memref<24672xf32, #tpu.memory_space<vmem>>, vector<16xf32>,
        %add3A_216 = arith.constant 80 : i32
        %add3A_217 = arith.addi %mul3A_79, %add3A_216 : i32
        %swap3A_218 = arith.index_cast %add3A_217 : i32 to index
        %swap3A_219 = tpu.vector_load %arg19[%swap3A_218] {strides = array<i32>} : memref<24672xf32, #tpu.memory_space<vmem>>, vector<16xf32>,
        tpu.vector_store %arg19[%swap3A_218], %get3A_171 {add = true, strides = array<i32>} : memref<24672xf32, #tpu.memory_space<vmem>>, vector<16xf32>,
        %add3A_220 = arith.constant 0 : i32
        %add3A_221 = arith.addi %mul3A_83, %add3A_220 : i32
        %swap3A_222 = arith.index_cast %add3A_221 : i32 to index
        %swap3A_223 = tpu.vector_load %arg19[%swap3A_222] {strides = array<i32>} : memref<24672xf32, #tpu.memory_space<vmem>>, vector<16xf32>,
        tpu.vector_store %arg19[%swap3A_222], %get3A_175 {add = true, strides = array<i32>} : memref<24672xf32, #tpu.memory_space<vmem>>, vector<16xf32>,
        %add3A_224 = arith.constant 16 : i32
        %add3A_225 = arith.addi %mul3A_83, %add3A_224 : i32
        %swap3A_226 = arith.index_cast %add3A_225 : i32 to index
        %swap3A_227 = tpu.vector_load %arg19[%swap3A_226] {strides = array<i32>} : memref<24672xf32, #tpu.memory_space<vmem>>, vector<16xf32>,
        tpu.vector_store %arg19[%swap3A_226], %get3A_179 {add = true, strides = array<i32>} : memref<24672xf32, #tpu.memory_space<vmem>>, vector<16xf32>,
        %add3A_228 = arith.constant 32 : i32
        %add3A_229 = arith.addi %mul3A_83, %add3A_228 : i32
        %swap3A_230 = arith.index_cast %add3A_229 : i32 to index
        %swap3A_231 = tpu.vector_load %arg19[%swap3A_230] {strides = array<i32>} : memref<24672xf32, #tpu.memory_space<vmem>>, vector<16xf32>,
        tpu.vector_store %arg19[%swap3A_230], %get3A_183 {add = true, strides = array<i32>} : memref<24672xf32, #tpu.memory_space<vmem>>, vector<16xf32>,
        %add3A_232 = arith.constant 48 : i32
        %add3A_233 = arith.addi %mul3A_83, %add3A_232 : i32
        %swap3A_234 = arith.index_cast %add3A_233 : i32 to index
        %swap3A_235 = tpu.vector_load %arg19[%swap3A_234] {strides = array<i32>} : memref<24672xf32, #tpu.memory_space<vmem>>, vector<16xf32>,
        tpu.vector_store %arg19[%swap3A_234], %get3A_187 {add = true, strides = array<i32>} : memref<24672xf32, #tpu.memory_space<vmem>>, vector<16xf32>,
        %add3A_236 = arith.constant 64 : i32
        %add3A_237 = arith.addi %mul3A_83, %add3A_236 : i32
        %swap3A_238 = arith.index_cast %add3A_237 : i32 to index
        %swap3A_239 = tpu.vector_load %arg19[%swap3A_238] {strides = array<i32>} : memref<24672xf32, #tpu.memory_space<vmem>>, vector<16xf32>,
        tpu.vector_store %arg19[%swap3A_238], %get3A_191 {add = true, strides = array<i32>} : memref<24672xf32, #tpu.memory_space<vmem>>, vector<16xf32>,
        %add3A_240 = arith.constant 80 : i32
        %add3A_241 = arith.addi %mul3A_83, %add3A_240 : i32
        %swap3A_242 = arith.index_cast %add3A_241 : i32 to index
        %swap3A_243 = tpu.vector_load %arg19[%swap3A_242] {strides = array<i32>} : memref<24672xf32, #tpu.memory_space<vmem>>, vector<16xf32>,
        tpu.vector_store %arg19[%swap3A_242], %get3A_195 {add = true, strides = array<i32>} : memref<24672xf32, #tpu.memory_space<vmem>>, vector<16xf32>,
        %mul3A_244 = arith.constant 16 : i32
        %mul3A_245 = arith.muli %scan3A_73, %mul3A_244 : i32
        %add3A_246 = arith.constant 2 : i32
        %add3A_247 = arith.addi %mul3A_245, %add3A_246 : i32
        %mul3A_248 = arith.constant 128 : i32
        %mul3A_249 = arith.muli %add3A_247, %mul3A_248 : i32
        %add3A_250 = arith.constant 128 : i32
        %add3A_251 = arith.addi %mul3A_249, %add3A_250 : i32
        %add3A_252 = arith.constant 0 : i32
        %add3A_253 = arith.addi %mul3A_249, %add3A_252 : i32
        %get3A_254 = arith.index_cast %add3A_253 : i32 to index
        %get3A_255 = tpu.vector_load %arg21[%get3A_254] {strides = array<i32>} : memref<16384xf32, #tpu.memory_space<vmem>>, vector<16xf32>,
        %add3A_256 = arith.constant 16 : i32
        %add3A_257 = arith.addi %mul3A_249, %add3A_256 : i32
        %get3A_258 = arith.index_cast %add3A_257 : i32 to index
        %get3A_259 = tpu.vector_load %arg21[%get3A_258] {strides = array<i32>} : memref<16384xf32, #tpu.memory_space<vmem>>, vector<16xf32>,
        %add3A_260 = arith.constant 32 : i32
        %add3A_261 = arith.addi %mul3A_249, %add3A_260 : i32
        %get3A_262 = arith.index_cast %add3A_261 : i32 to index
        %get3A_263 = tpu.vector_load %arg21[%get3A_262] {strides = array<i32>} : memref<16384xf32, #tpu.memory_space<vmem>>, vector<16xf32>,
        %add3A_264 = arith.constant 48 : i32
        %add3A_265 = arith.addi %mul3A_249, %add3A_264 : i32
        %get3A_266 = arith.index_cast %add3A_265 : i32 to index
        %get3A_267 = tpu.vector_load %arg21[%get3A_266] {strides = array<i32>} : memref<16384xf32, #tpu.memory_space<vmem>>, vector<16xf32>,
        %add3A_268 = arith.constant 64 : i32
        %add3A_269 = arith.addi %mul3A_249, %add3A_268 : i32
        %get3A_270 = arith.index_cast %add3A_269 : i32 to index
        %get3A_271 = tpu.vector_load %arg21[%get3A_270] {strides = array<i32>} : memref<16384xf32, #tpu.memory_space<vmem>>, vector<16xf32>,
        %add3A_272 = arith.constant 80 : i32
        %add3A_273 = arith.addi %mul3A_249, %add3A_272 : i32
        %get3A_274 = arith.index_cast %add3A_273 : i32 to index
        %get3A_275 = tpu.vector_load %arg21[%get3A_274] {strides = array<i32>} : memref<16384xf32, #tpu.memory_space<vmem>>, vector<16xf32>,
        %add3A_276 = arith.constant 0 : i32
        %add3A_277 = arith.addi %add3A_251, %add3A_276 : i32
        %get3A_278 = arith.index_cast %add3A_277 : i32 to index
        %get3A_279 = tpu.vector_load %arg21[%get3A_278] {strides = array<i32>} : memref<16384xf32, #tpu.memory_space<vmem>>, vector<16xf32>,
        %add3A_280 = arith.constant 16 : i32
        %add3A_281 = arith.addi %add3A_251, %add3A_280 : i32
        %get3A_282 = arith.index_cast %add3A_281 : i32 to index
        %get3A_283 = tpu.vector_load %arg21[%get3A_282] {strides = array<i32>} : memref<16384xf32, #tpu.memory_space<vmem>>, vector<16xf32>,
        %add3A_284 = arith.constant 32 : i32
        %add3A_285 = arith.addi %add3A_251, %add3A_284 : i32
        %get3A_286 = arith.index_cast %add3A_285 : i32 to index
        %get3A_287 = tpu.vector_load %arg21[%get3A_286] {strides = array<i32>} : memref<16384xf32, #tpu.memory_space<vmem>>, vector<16xf32>,
        %add3A_288 = arith.constant 48 : i32
        %add3A_289 = arith.addi %add3A_251, %add3A_288 : i32
        %get3A_290 = arith.index_cast %add3A_289 : i32 to index
        %get3A_291 = tpu.vector_load %arg21[%get3A_290] {strides = array<i32>} : memref<16384xf32, #tpu.memory_space<vmem>>, vector<16xf32>,
        %add3A_292 = arith.constant 64 : i32
        %add3A_293 = arith.addi %add3A_251, %add3A_292 : i32
        %get3A_294 = arith.index_cast %add3A_293 : i32 to index
        %get3A_295 = tpu.vector_load %arg21[%get3A_294] {strides = array<i32>} : memref<16384xf32, #tpu.memory_space<vmem>>, vector<16xf32>,
        %add3A_296 = arith.constant 80 : i32
        %add3A_297 = arith.addi %add3A_251, %add3A_296 : i32
        %get3A_298 = arith.index_cast %add3A_297 : i32 to index
        %get3A_299 = tpu.vector_load %arg21[%get3A_298] {strides = array<i32>} : memref<16384xf32, #tpu.memory_space<vmem>>, vector<16xf32>,
        %add3A_300 = arith.constant 0 : i32
        %add3A_301 = arith.addi %mul3A_87, %add3A_300 : i32
        %swap3A_302 = arith.index_cast %add3A_301 : i32 to index
        %swap3A_303 = tpu.vector_load %arg19[%swap3A_302] {strides = array<i32>} : memref<24672xf32, #tpu.memory_space<vmem>>, vector<16xf32>,
        tpu.vector_store %arg19[%swap3A_302], %get3A_255 {add = true, strides = array<i32>} : memref<24672xf32, #tpu.memory_space<vmem>>, vector<16xf32>,
        %add3A_304 = arith.constant 16 : i32
        %add3A_305 = arith.addi %mul3A_87, %add3A_304 : i32
        %swap3A_306 = arith.index_cast %add3A_305 : i32 to index
        %swap3A_307 = tpu.vector_load %arg19[%swap3A_306] {strides = array<i32>} : memref<24672xf32, #tpu.memory_space<vmem>>, vector<16xf32>,
        tpu.vector_store %arg19[%swap3A_306], %get3A_259 {add = true, strides = array<i32>} : memref<24672xf32, #tpu.memory_space<vmem>>, vector<16xf32>,
        %add3A_308 = arith.constant 32 : i32
        %add3A_309 = arith.addi %mul3A_87, %add3A_308 : i32
        %swap3A_310 = arith.index_cast %add3A_309 : i32 to index
        %swap3A_311 = tpu.vector_load %arg19[%swap3A_310] {strides = array<i32>} : memref<24672xf32, #tpu.memory_space<vmem>>, vector<16xf32>,
        tpu.vector_store %arg19[%swap3A_310], %get3A_263 {add = true, strides = array<i32>} : memref<24672xf32, #tpu.memory_space<vmem>>, vector<16xf32>,
        %add3A_312 = arith.constant 48 : i32
        %add3A_313 = arith.addi %mul3A_87, %add3A_312 : i32
        %swap3A_314 = arith.index_cast %add3A_313 : i32 to index
        %swap3A_315 = tpu.vector_load %arg19[%swap3A_314] {strides = array<i32>} : memref<24672xf32, #tpu.memory_space<vmem>>, vector<16xf32>,
        tpu.vector_store %arg19[%swap3A_314], %get3A_267 {add = true, strides = array<i32>} : memref<24672xf32, #tpu.memory_space<vmem>>, vector<16xf32>,
        %add3A_316 = arith.constant 64 : i32
        %add3A_317 = arith.addi %mul3A_87, %add3A_316 : i32
        %swap3A_318 = arith.index_cast %add3A_317 : i32 to index
        %swap3A_319 = tpu.vector_load %arg19[%swap3A_318] {strides = array<i32>} : memref<24672xf32, #tpu.memory_space<vmem>>, vector<16xf32>,
        tpu.vector_store %arg19[%swap3A_318], %get3A_271 {add = true, strides = array<i32>} : memref<24672xf32, #tpu.memory_space<vmem>>, vector<16xf32>,
        %add3A_320 = arith.constant 80 : i32
        %add3A_321 = arith.addi %mul3A_87, %add3A_320 : i32
        %swap3A_322 = arith.index_cast %add3A_321 : i32 to index
        %swap3A_323 = tpu.vector_load %arg19[%swap3A_322] {strides = array<i32>} : memref<24672xf32, #tpu.memory_space<vmem>>, vector<16xf32>,
        tpu.vector_store %arg19[%swap3A_322], %get3A_275 {add = true, strides = array<i32>} : memref<24672xf32, #tpu.memory_space<vmem>>, vector<16xf32>,
        %add3A_324 = arith.constant 0 : i32
        %add3A_325 = arith.addi %mul3A_91, %add3A_324 : i32
        %swap3A_326 = arith.index_cast %add3A_325 : i32 to index
        %swap3A_327 = tpu.vector_load %arg19[%swap3A_326] {strides = array<i32>} : memref<24672xf32, #tpu.memory_space<vmem>>, vector<16xf32>,
        tpu.vector_store %arg19[%swap3A_326], %get3A_279 {add = true, strides = array<i32>} : memref<24672xf32, #tpu.memory_space<vmem>>, vector<16xf32>,
        %add3A_328 = arith.constant 16 : i32
        %add3A_329 = arith.addi %mul3A_91, %add3A_328 : i32
        %swap3A_330 = arith.index_cast %add3A_329 : i32 to index
        %swap3A_331 = tpu.vector_load %arg19[%swap3A_330] {strides = array<i32>} : memref<24672xf32, #tpu.memory_space<vmem>>, vector<16xf32>,
        tpu.vector_store %arg19[%swap3A_330], %get3A_283 {add = true, strides = array<i32>} : memref<24672xf32, #tpu.memory_space<vmem>>, vector<16xf32>,
        %add3A_332 = arith.constant 32 : i32
        %add3A_333 = arith.addi %mul3A_91, %add3A_332 : i32
        %swap3A_334 = arith.index_cast %add3A_333 : i32 to index
        %swap3A_335 = tpu.vector_load %arg19[%swap3A_334] {strides = array<i32>} : memref<24672xf32, #tpu.memory_space<vmem>>, vector<16xf32>,
        tpu.vector_store %arg19[%swap3A_334], %get3A_287 {add = true, strides = array<i32>} : memref<24672xf32, #tpu.memory_space<vmem>>, vector<16xf32>,
        %add3A_336 = arith.constant 48 : i32
        %add3A_337 = arith.addi %mul3A_91, %add3A_336 : i32
        %swap3A_338 = arith.index_cast %add3A_337 : i32 to index
        %swap3A_339 = tpu.vector_load %arg19[%swap3A_338] {strides = array<i32>} : memref<24672xf32, #tpu.memory_space<vmem>>, vector<16xf32>,
        tpu.vector_store %arg19[%swap3A_338], %get3A_291 {add = true, strides = array<i32>} : memref<24672xf32, #tpu.memory_space<vmem>>, vector<16xf32>,
        %add3A_340 = arith.constant 64 : i32
        %add3A_341 = arith.addi %mul3A_91, %add3A_340 : i32
        %swap3A_342 = arith.index_cast %add3A_341 : i32 to index
        %swap3A_343 = tpu.vector_load %arg19[%swap3A_342] {strides = array<i32>} : memref<24672xf32, #tpu.memory_space<vmem>>, vector<16xf32>,
        tpu.vector_store %arg19[%swap3A_342], %get3A_295 {add = true, strides = array<i32>} : memref<24672xf32, #tpu.memory_space<vmem>>, vector<16xf32>,
        %add3A_344 = arith.constant 80 : i32
        %add3A_345 = arith.addi %mul3A_91, %add3A_344 : i32
        %swap3A_346 = arith.index_cast %add3A_345 : i32 to index
        %swap3A_347 = tpu.vector_load %arg19[%swap3A_346] {strides = array<i32>} : memref<24672xf32, #tpu.memory_space<vmem>>, vector<16xf32>,
        tpu.vector_store %arg19[%swap3A_346], %get3A_299 {add = true, strides = array<i32>} : memref<24672xf32, #tpu.memory_space<vmem>>, vector<16xf32>,
        %mul3A_348 = arith.constant 16 : i32
        %mul3A_349 = arith.muli %scan3A_73, %mul3A_348 : i32
        %add3A_350 = arith.constant 4 : i32
        %add3A_351 = arith.addi %mul3A_349, %add3A_350 : i32
        %mul3A_352 = arith.constant 128 : i32
        %mul3A_353 = arith.muli %add3A_351, %mul3A_352 : i32
        %add3A_354 = arith.constant 128 : i32
        %add3A_355 = arith.addi %mul3A_353, %add3A_354 : i32
        %add3A_356 = arith.constant 0 : i32
        %add3A_357 = arith.addi %mul3A_353, %add3A_356 : i32
        %get3A_358 = arith.index_cast %add3A_357 : i32 to index
        %get3A_359 = tpu.vector_load %arg21[%get3A_358] {strides = array<i32>} : memref<16384xf32, #tpu.memory_space<vmem>>, vector<16xf32>,
        %add3A_360 = arith.constant 16 : i32
        %add3A_361 = arith.addi %mul3A_353, %add3A_360 : i32
        %get3A_362 = arith.index_cast %add3A_361 : i32 to index
        %get3A_363 = tpu.vector_load %arg21[%get3A_362] {strides = array<i32>} : memref<16384xf32, #tpu.memory_space<vmem>>, vector<16xf32>,
        %add3A_364 = arith.constant 32 : i32
        %add3A_365 = arith.addi %mul3A_353, %add3A_364 : i32
        %get3A_366 = arith.index_cast %add3A_365 : i32 to index
        %get3A_367 = tpu.vector_load %arg21[%get3A_366] {strides = array<i32>} : memref<16384xf32, #tpu.memory_space<vmem>>, vector<16xf32>,
        %add3A_368 = arith.constant 48 : i32
        %add3A_369 = arith.addi %mul3A_353, %add3A_368 : i32
        %get3A_370 = arith.index_cast %add3A_369 : i32 to index
        %get3A_371 = tpu.vector_load %arg21[%get3A_370] {strides = array<i32>} : memref<16384xf32, #tpu.memory_space<vmem>>, vector<16xf32>,
        %add3A_372 = arith.constant 64 : i32
        %add3A_373 = arith.addi %mul3A_353, %add3A_372 : i32
        %get3A_374 = arith.index_cast %add3A_373 : i32 to index
        %get3A_375 = tpu.vector_load %arg21[%get3A_374] {strides = array<i32>} : memref<16384xf32, #tpu.memory_space<vmem>>, vector<16xf32>,
        %add3A_376 = arith.constant 80 : i32
        %add3A_377 = arith.addi %mul3A_353, %add3A_376 : i32
        %get3A_378 = arith.index_cast %add3A_377 : i32 to index
        %get3A_379 = tpu.vector_load %arg21[%get3A_378] {strides = array<i32>} : memref<16384xf32, #tpu.memory_space<vmem>>, vector<16xf32>,
        %add3A_380 = arith.constant 0 : i32
        %add3A_381 = arith.addi %add3A_355, %add3A_380 : i32
        %get3A_382 = arith.index_cast %add3A_381 : i32 to index
        %get3A_383 = tpu.vector_load %arg21[%get3A_382] {strides = array<i32>} : memref<16384xf32, #tpu.memory_space<vmem>>, vector<16xf32>,
        %add3A_384 = arith.constant 16 : i32
        %add3A_385 = arith.addi %add3A_355, %add3A_384 : i32
        %get3A_386 = arith.index_cast %add3A_385 : i32 to index
        %get3A_387 = tpu.vector_load %arg21[%get3A_386] {strides = array<i32>} : memref<16384xf32, #tpu.memory_space<vmem>>, vector<16xf32>,
        %add3A_388 = arith.constant 32 : i32
        %add3A_389 = arith.addi %add3A_355, %add3A_388 : i32
        %get3A_390 = arith.index_cast %add3A_389 : i32 to index
        %get3A_391 = tpu.vector_load %arg21[%get3A_390] {strides = array<i32>} : memref<16384xf32, #tpu.memory_space<vmem>>, vector<16xf32>,
        %add3A_392 = arith.constant 48 : i32
        %add3A_393 = arith.addi %add3A_355, %add3A_392 : i32
        %get3A_394 = arith.index_cast %add3A_393 : i32 to index
        %get3A_395 = tpu.vector_load %arg21[%get3A_394] {strides = array<i32>} : memref<16384xf32, #tpu.memory_space<vmem>>, vector<16xf32>,
        %add3A_396 = arith.constant 64 : i32
        %add3A_397 = arith.addi %add3A_355, %add3A_396 : i32
        %get3A_398 = arith.index_cast %add3A_397 : i32 to index
        %get3A_399 = tpu.vector_load %arg21[%get3A_398] {strides = array<i32>} : memref<16384xf32, #tpu.memory_space<vmem>>, vector<16xf32>,
        %add3A_400 = arith.constant 80 : i32
        %add3A_401 = arith.addi %add3A_355, %add3A_400 : i32
        %get3A_402 = arith.index_cast %add3A_401 : i32 to index
        %get3A_403 = tpu.vector_load %arg21[%get3A_402] {strides = array<i32>} : memref<16384xf32, #tpu.memory_space<vmem>>, vector<16xf32>,
        %add3A_404 = arith.constant 0 : i32
        %add3A_405 = arith.addi %mul3A_95, %add3A_404 : i32
        %swap3A_406 = arith.index_cast %add3A_405 : i32 to index
        %swap3A_407 = tpu.vector_load %arg19[%swap3A_406] {strides = array<i32>} : memref<24672xf32, #tpu.memory_space<vmem>>, vector<16xf32>,
        tpu.vector_store %arg19[%swap3A_406], %get3A_359 {add = true, strides = array<i32>} : memref<24672xf32, #tpu.memory_space<vmem>>, vector<16xf32>,
        %add3A_408 = arith.constant 16 : i32
        %add3A_409 = arith.addi %mul3A_95, %add3A_408 : i32
        %swap3A_410 = arith.index_cast %add3A_409 : i32 to index
        %swap3A_411 = tpu.vector_load %arg19[%swap3A_410] {strides = array<i32>} : memref<24672xf32, #tpu.memory_space<vmem>>, vector<16xf32>,
        tpu.vector_store %arg19[%swap3A_410], %get3A_363 {add = true, strides = array<i32>} : memref<24672xf32, #tpu.memory_space<vmem>>, vector<16xf32>,
        %add3A_412 = arith.constant 32 : i32
        %add3A_413 = arith.addi %mul3A_95, %add3A_412 : i32
        %swap3A_414 = arith.index_cast %add3A_413 : i32 to index
        %swap3A_415 = tpu.vector_load %arg19[%swap3A_414] {strides = array<i32>} : memref<24672xf32, #tpu.memory_space<vmem>>, vector<16xf32>,
        tpu.vector_store %arg19[%swap3A_414], %get3A_367 {add = true, strides = array<i32>} : memref<24672xf32, #tpu.memory_space<vmem>>, vector<16xf32>,
        %add3A_416 = arith.constant 48 : i32
        %add3A_417 = arith.addi %mul3A_95, %add3A_416 : i32
        %swap3A_418 = arith.index_cast %add3A_417 : i32 to index
        %swap3A_419 = tpu.vector_load %arg19[%swap3A_418] {strides = array<i32>} : memref<24672xf32, #tpu.memory_space<vmem>>, vector<16xf32>,
        tpu.vector_store %arg19[%swap3A_418], %get3A_371 {add = true, strides = array<i32>} : memref<24672xf32, #tpu.memory_space<vmem>>, vector<16xf32>,
        %add3A_420 = arith.constant 64 : i32
        %add3A_421 = arith.addi %mul3A_95, %add3A_420 : i32
        %swap3A_422 = arith.index_cast %add3A_421 : i32 to index
        %swap3A_423 = tpu.vector_load %arg19[%swap3A_422] {strides = array<i32>} : memref<24672xf32, #tpu.memory_space<vmem>>, vector<16xf32>,
        tpu.vector_store %arg19[%swap3A_422], %get3A_375 {add = true, strides = array<i32>} : memref<24672xf32, #tpu.memory_space<vmem>>, vector<16xf32>,
        %add3A_424 = arith.constant 80 : i32
        %add3A_425 = arith.addi %mul3A_95, %add3A_424 : i32
        %swap3A_426 = arith.index_cast %add3A_425 : i32 to index
        %swap3A_427 = tpu.vector_load %arg19[%swap3A_426] {strides = array<i32>} : memref<24672xf32, #tpu.memory_space<vmem>>, vector<16xf32>,
        tpu.vector_store %arg19[%swap3A_426], %get3A_379 {add = true, strides = array<i32>} : memref<24672xf32, #tpu.memory_space<vmem>>, vector<16xf32>,
        %add3A_428 = arith.constant 0 : i32
        %add3A_429 = arith.addi %mul3A_99, %add3A_428 : i32
        %swap3A_430 = arith.index_cast %add3A_429 : i32 to index
        %swap3A_431 = tpu.vector_load %arg19[%swap3A_430] {strides = array<i32>} : memref<24672xf32, #tpu.memory_space<vmem>>, vector<16xf32>,
        tpu.vector_store %arg19[%swap3A_430], %get3A_383 {add = true, strides = array<i32>} : memref<24672xf32, #tpu.memory_space<vmem>>, vector<16xf32>,
        %add3A_432 = arith.constant 16 : i32
        %add3A_433 = arith.addi %mul3A_99, %add3A_432 : i32
        %swap3A_434 = arith.index_cast %add3A_433 : i32 to index
        %swap3A_435 = tpu.vector_load %arg19[%swap3A_434] {strides = array<i32>} : memref<24672xf32, #tpu.memory_space<vmem>>, vector<16xf32>,
        tpu.vector_store %arg19[%swap3A_434], %get3A_387 {add = true, strides = array<i32>} : memref<24672xf32, #tpu.memory_space<vmem>>, vector<16xf32>,
        %add3A_436 = arith.constant 32 : i32
        %add3A_437 = arith.addi %mul3A_99, %add3A_436 : i32
        %swap3A_438 = arith.index_cast %add3A_437 : i32 to index
        %swap3A_439 = tpu.vector_load %arg19[%swap3A_438] {strides = array<i32>} : memref<24672xf32, #tpu.memory_space<vmem>>, vector<16xf32>,
        tpu.vector_store %arg19[%swap3A_438], %get3A_391 {add = true, strides = array<i32>} : memref<24672xf32, #tpu.memory_space<vmem>>, vector<16xf32>,
        %add3A_440 = arith.constant 48 : i32
        %add3A_441 = arith.addi %mul3A_99, %add3A_440 : i32
        %swap3A_442 = arith.index_cast %add3A_441 : i32 to index
        %swap3A_443 = tpu.vector_load %arg19[%swap3A_442] {strides = array<i32>} : memref<24672xf32, #tpu.memory_space<vmem>>, vector<16xf32>,
        tpu.vector_store %arg19[%swap3A_442], %get3A_395 {add = true, strides = array<i32>} : memref<24672xf32, #tpu.memory_space<vmem>>, vector<16xf32>,
        %add3A_444 = arith.constant 64 : i32
        %add3A_445 = arith.addi %mul3A_99, %add3A_444 : i32
        %swap3A_446 = arith.index_cast %add3A_445 : i32 to index
        %swap3A_447 = tpu.vector_load %arg19[%swap3A_446] {strides = array<i32>} : memref<24672xf32, #tpu.memory_space<vmem>>, vector<16xf32>,
        tpu.vector_store %arg19[%swap3A_446], %get3A_399 {add = true, strides = array<i32>} : memref<24672xf32, #tpu.memory_space<vmem>>, vector<16xf32>,
        %add3A_448 = arith.constant 80 : i32
        %add3A_449 = arith.addi %mul3A_99, %add3A_448 : i32
        %swap3A_450 = arith.index_cast %add3A_449 : i32 to index
        %swap3A_451 = tpu.vector_load %arg19[%swap3A_450] {strides = array<i32>} : memref<24672xf32, #tpu.memory_space<vmem>>, vector<16xf32>,
        tpu.vector_store %arg19[%swap3A_450], %get3A_403 {add = true, strides = array<i32>} : memref<24672xf32, #tpu.memory_space<vmem>>, vector<16xf32>,
        %mul3A_452 = arith.constant 16 : i32
        %mul3A_453 = arith.muli %scan3A_73, %mul3A_452 : i32
        %add3A_454 = arith.constant 6 : i32
        %add3A_455 = arith.addi %mul3A_453, %add3A_454 : i32
        %mul3A_456 = arith.constant 128 : i32
        %mul3A_457 = arith.muli %add3A_455, %mul3A_456 : i32
        %add3A_458 = arith.constant 128 : i32
        %add3A_459 = arith.addi %mul3A_457, %add3A_458 : i32
        %add3A_460 = arith.constant 0 : i32
        %add3A_461 = arith.addi %mul3A_457, %add3A_460 : i32
        %get3A_462 = arith.index_cast %add3A_461 : i32 to index
        %get3A_463 = tpu.vector_load %arg21[%get3A_462] {strides = array<i32>} : memref<16384xf32, #tpu.memory_space<vmem>>, vector<16xf32>,
        %add3A_464 = arith.constant 16 : i32
        %add3A_465 = arith.addi %mul3A_457, %add3A_464 : i32
        %get3A_466 = arith.index_cast %add3A_465 : i32 to index
        %get3A_467 = tpu.vector_load %arg21[%get3A_466] {strides = array<i32>} : memref<16384xf32, #tpu.memory_space<vmem>>, vector<16xf32>,
        %add3A_468 = arith.constant 32 : i32
        %add3A_469 = arith.addi %mul3A_457, %add3A_468 : i32
        %get3A_470 = arith.index_cast %add3A_469 : i32 to index
        %get3A_471 = tpu.vector_load %arg21[%get3A_470] {strides = array<i32>} : memref<16384xf32, #tpu.memory_space<vmem>>, vector<16xf32>,
        %add3A_472 = arith.constant 48 : i32
        %add3A_473 = arith.addi %mul3A_457, %add3A_472 : i32
        %get3A_474 = arith.index_cast %add3A_473 : i32 to index
        %get3A_475 = tpu.vector_load %arg21[%get3A_474] {strides = array<i32>} : memref<16384xf32, #tpu.memory_space<vmem>>, vector<16xf32>,
        %add3A_476 = arith.constant 64 : i32
        %add3A_477 = arith.addi %mul3A_457, %add3A_476 : i32
        %get3A_478 = arith.index_cast %add3A_477 : i32 to index
        %get3A_479 = tpu.vector_load %arg21[%get3A_478] {strides = array<i32>} : memref<16384xf32, #tpu.memory_space<vmem>>, vector<16xf32>,
        %add3A_480 = arith.constant 80 : i32
        %add3A_481 = arith.addi %mul3A_457, %add3A_480 : i32
        %get3A_482 = arith.index_cast %add3A_481 : i32 to index
        %get3A_483 = tpu.vector_load %arg21[%get3A_482] {strides = array<i32>} : memref<16384xf32, #tpu.memory_space<vmem>>, vector<16xf32>,
        %add3A_484 = arith.constant 0 : i32
        %add3A_485 = arith.addi %add3A_459, %add3A_484 : i32
        %get3A_486 = arith.index_cast %add3A_485 : i32 to index
        %get3A_487 = tpu.vector_load %arg21[%get3A_486] {strides = array<i32>} : memref<16384xf32, #tpu.memory_space<vmem>>, vector<16xf32>,
        %add3A_488 = arith.constant 16 : i32
        %add3A_489 = arith.addi %add3A_459, %add3A_488 : i32
        %get3A_490 = arith.index_cast %add3A_489 : i32 to index
        %get3A_491 = tpu.vector_load %arg21[%get3A_490] {strides = array<i32>} : memref<16384xf32, #tpu.memory_space<vmem>>, vector<16xf32>,
        %add3A_492 = arith.constant 32 : i32
        %add3A_493 = arith.addi %add3A_459, %add3A_492 : i32
        %get3A_494 = arith.index_cast %add3A_493 : i32 to index
        %get3A_495 = tpu.vector_load %arg21[%get3A_494] {strides = array<i32>} : memref<16384xf32, #tpu.memory_space<vmem>>, vector<16xf32>,
        %add3A_496 = arith.constant 48 : i32
        %add3A_497 = arith.addi %add3A_459, %add3A_496 : i32
        %get3A_498 = arith.index_cast %add3A_497 : i32 to index
        %get3A_499 = tpu.vector_load %arg21[%get3A_498] {strides = array<i32>} : memref<16384xf32, #tpu.memory_space<vmem>>, vector<16xf32>,
        %add3A_500 = arith.constant 64 : i32
        %add3A_501 = arith.addi %add3A_459, %add3A_500 : i32
        %get3A_502 = arith.index_cast %add3A_501 : i32 to index
        %get3A_503 = tpu.vector_load %arg21[%get3A_502] {strides = array<i32>} : memref<16384xf32, #tpu.memory_space<vmem>>, vector<16xf32>,
        %add3A_504 = arith.constant 80 : i32
        %add3A_505 = arith.addi %add3A_459, %add3A_504 : i32
        %get3A_506 = arith.index_cast %add3A_505 : i32 to index
        %get3A_507 = tpu.vector_load %arg21[%get3A_506] {strides = array<i32>} : memref<16384xf32, #tpu.memory_space<vmem>>, vector<16xf32>,
        %add3A_508 = arith.constant 0 : i32
        %add3A_509 = arith.addi %mul3A_103, %add3A_508 : i32
        %swap3A_510 = arith.index_cast %add3A_509 : i32 to index
        %swap3A_511 = tpu.vector_load %arg19[%swap3A_510] {strides = array<i32>} : memref<24672xf32, #tpu.memory_space<vmem>>, vector<16xf32>,
        tpu.vector_store %arg19[%swap3A_510], %get3A_463 {add = true, strides = array<i32>} : memref<24672xf32, #tpu.memory_space<vmem>>, vector<16xf32>,
        %add3A_512 = arith.constant 16 : i32
        %add3A_513 = arith.addi %mul3A_103, %add3A_512 : i32
        %swap3A_514 = arith.index_cast %add3A_513 : i32 to index
        %swap3A_515 = tpu.vector_load %arg19[%swap3A_514] {strides = array<i32>} : memref<24672xf32, #tpu.memory_space<vmem>>, vector<16xf32>,
        tpu.vector_store %arg19[%swap3A_514], %get3A_467 {add = true, strides = array<i32>} : memref<24672xf32, #tpu.memory_space<vmem>>, vector<16xf32>,
        %add3A_516 = arith.constant 32 : i32
        %add3A_517 = arith.addi %mul3A_103, %add3A_516 : i32
        %swap3A_518 = arith.index_cast %add3A_517 : i32 to index
        %swap3A_519 = tpu.vector_load %arg19[%swap3A_518] {strides = array<i32>} : memref<24672xf32, #tpu.memory_space<vmem>>, vector<16xf32>,
        tpu.vector_store %arg19[%swap3A_518], %get3A_471 {add = true, strides = array<i32>} : memref<24672xf32, #tpu.memory_space<vmem>>, vector<16xf32>,
        %add3A_520 = arith.constant 48 : i32
        %add3A_521 = arith.addi %mul3A_103, %add3A_520 : i32
        %swap3A_522 = arith.index_cast %add3A_521 : i32 to index
        %swap3A_523 = tpu.vector_load %arg19[%swap3A_522] {strides = array<i32>} : memref<24672xf32, #tpu.memory_space<vmem>>, vector<16xf32>,
        tpu.vector_store %arg19[%swap3A_522], %get3A_475 {add = true, strides = array<i32>} : memref<24672xf32, #tpu.memory_space<vmem>>, vector<16xf32>,
        %add3A_524 = arith.constant 64 : i32
        %add3A_525 = arith.addi %mul3A_103, %add3A_524 : i32
        %swap3A_526 = arith.index_cast %add3A_525 : i32 to index
        %swap3A_527 = tpu.vector_load %arg19[%swap3A_526] {strides = array<i32>} : memref<24672xf32, #tpu.memory_space<vmem>>, vector<16xf32>,
        tpu.vector_store %arg19[%swap3A_526], %get3A_479 {add = true, strides = array<i32>} : memref<24672xf32, #tpu.memory_space<vmem>>, vector<16xf32>,
        %add3A_528 = arith.constant 80 : i32
        %add3A_529 = arith.addi %mul3A_103, %add3A_528 : i32
        %swap3A_530 = arith.index_cast %add3A_529 : i32 to index
        %swap3A_531 = tpu.vector_load %arg19[%swap3A_530] {strides = array<i32>} : memref<24672xf32, #tpu.memory_space<vmem>>, vector<16xf32>,
        tpu.vector_store %arg19[%swap3A_530], %get3A_483 {add = true, strides = array<i32>} : memref<24672xf32, #tpu.memory_space<vmem>>, vector<16xf32>,
        %add3A_532 = arith.constant 0 : i32
        %add3A_533 = arith.addi %mul3A_107, %add3A_532 : i32
        %swap3A_534 = arith.index_cast %add3A_533 : i32 to index
        %swap3A_535 = tpu.vector_load %arg19[%swap3A_534] {strides = array<i32>} : memref<24672xf32, #tpu.memory_space<vmem>>, vector<16xf32>,
        tpu.vector_store %arg19[%swap3A_534], %get3A_487 {add = true, strides = array<i32>} : memref<24672xf32, #tpu.memory_space<vmem>>, vector<16xf32>,
        %add3A_536 = arith.constant 16 : i32
        %add3A_537 = arith.addi %mul3A_107, %add3A_536 : i32
        %swap3A_538 = arith.index_cast %add3A_537 : i32 to index
        %swap3A_539 = tpu.vector_load %arg19[%swap3A_538] {strides = array<i32>} : memref<24672xf32, #tpu.memory_space<vmem>>, vector<16xf32>,
        tpu.vector_store %arg19[%swap3A_538], %get3A_491 {add = true, strides = array<i32>} : memref<24672xf32, #tpu.memory_space<vmem>>, vector<16xf32>,
        %add3A_540 = arith.constant 32 : i32
        %add3A_541 = arith.addi %mul3A_107, %add3A_540 : i32
        %swap3A_542 = arith.index_cast %add3A_541 : i32 to index
        %swap3A_543 = tpu.vector_load %arg19[%swap3A_542] {strides = array<i32>} : memref<24672xf32, #tpu.memory_space<vmem>>, vector<16xf32>,
        tpu.vector_store %arg19[%swap3A_542], %get3A_495 {add = true, strides = array<i32>} : memref<24672xf32, #tpu.memory_space<vmem>>, vector<16xf32>,
        %add3A_544 = arith.constant 48 : i32
        %add3A_545 = arith.addi %mul3A_107, %add3A_544 : i32
        %swap3A_546 = arith.index_cast %add3A_545 : i32 to index
        %swap3A_547 = tpu.vector_load %arg19[%swap3A_546] {strides = array<i32>} : memref<24672xf32, #tpu.memory_space<vmem>>, vector<16xf32>,
        tpu.vector_store %arg19[%swap3A_546], %get3A_499 {add = true, strides = array<i32>} : memref<24672xf32, #tpu.memory_space<vmem>>, vector<16xf32>,
        %add3A_548 = arith.constant 64 : i32
        %add3A_549 = arith.addi %mul3A_107, %add3A_548 : i32
        %swap3A_550 = arith.index_cast %add3A_549 : i32 to index
        %swap3A_551 = tpu.vector_load %arg19[%swap3A_550] {strides = array<i32>} : memref<24672xf32, #tpu.memory_space<vmem>>, vector<16xf32>,
        tpu.vector_store %arg19[%swap3A_550], %get3A_503 {add = true, strides = array<i32>} : memref<24672xf32, #tpu.memory_space<vmem>>, vector<16xf32>,
        %add3A_552 = arith.constant 80 : i32
        %add3A_553 = arith.addi %mul3A_107, %add3A_552 : i32
        %swap3A_554 = arith.index_cast %add3A_553 : i32 to index
        %swap3A_555 = tpu.vector_load %arg19[%swap3A_554] {strides = array<i32>} : memref<24672xf32, #tpu.memory_space<vmem>>, vector<16xf32>,
        tpu.vector_store %arg19[%swap3A_554], %get3A_507 {add = true, strides = array<i32>} : memref<24672xf32, #tpu.memory_space<vmem>>, vector<16xf32>,
        %mul3A_556 = arith.constant 16 : i32
        %mul3A_557 = arith.muli %scan3A_73, %mul3A_556 : i32
        %add3A_558 = arith.constant 8 : i32
        %add3A_559 = arith.addi %mul3A_557, %add3A_558 : i32
        %mul3A_560 = arith.constant 128 : i32
        %mul3A_561 = arith.muli %add3A_559, %mul3A_560 : i32
        %add3A_562 = arith.constant 128 : i32
        %add3A_563 = arith.addi %mul3A_561, %add3A_562 : i32
        %add3A_564 = arith.constant 0 : i32
        %add3A_565 = arith.addi %mul3A_561, %add3A_564 : i32
        %get3A_566 = arith.index_cast %add3A_565 : i32 to index
        %get3A_567 = tpu.vector_load %arg21[%get3A_566] {strides = array<i32>} : memref<16384xf32, #tpu.memory_space<vmem>>, vector<16xf32>,
        %add3A_568 = arith.constant 16 : i32
        %add3A_569 = arith.addi %mul3A_561, %add3A_568 : i32
        %get3A_570 = arith.index_cast %add3A_569 : i32 to index
        %get3A_571 = tpu.vector_load %arg21[%get3A_570] {strides = array<i32>} : memref<16384xf32, #tpu.memory_space<vmem>>, vector<16xf32>,
        %add3A_572 = arith.constant 32 : i32
        %add3A_573 = arith.addi %mul3A_561, %add3A_572 : i32
        %get3A_574 = arith.index_cast %add3A_573 : i32 to index
        %get3A_575 = tpu.vector_load %arg21[%get3A_574] {strides = array<i32>} : memref<16384xf32, #tpu.memory_space<vmem>>, vector<16xf32>,
        %add3A_576 = arith.constant 48 : i32
        %add3A_577 = arith.addi %mul3A_561, %add3A_576 : i32
        %get3A_578 = arith.index_cast %add3A_577 : i32 to index
        %get3A_579 = tpu.vector_load %arg21[%get3A_578] {strides = array<i32>} : memref<16384xf32, #tpu.memory_space<vmem>>, vector<16xf32>,
        %add3A_580 = arith.constant 64 : i32
        %add3A_581 = arith.addi %mul3A_561, %add3A_580 : i32
        %get3A_582 = arith.index_cast %add3A_581 : i32 to index
        %get3A_583 = tpu.vector_load %arg21[%get3A_582] {strides = array<i32>} : memref<16384xf32, #tpu.memory_space<vmem>>, vector<16xf32>,
        %add3A_584 = arith.constant 80 : i32
        %add3A_585 = arith.addi %mul3A_561, %add3A_584 : i32
        %get3A_586 = arith.index_cast %add3A_585 : i32 to index
        %get3A_587 = tpu.vector_load %arg21[%get3A_586] {strides = array<i32>} : memref<16384xf32, #tpu.memory_space<vmem>>, vector<16xf32>,
        %add3A_588 = arith.constant 0 : i32
        %add3A_589 = arith.addi %add3A_563, %add3A_588 : i32
        %get3A_590 = arith.index_cast %add3A_589 : i32 to index
        %get3A_591 = tpu.vector_load %arg21[%get3A_590] {strides = array<i32>} : memref<16384xf32, #tpu.memory_space<vmem>>, vector<16xf32>,
        %add3A_592 = arith.constant 16 : i32
        %add3A_593 = arith.addi %add3A_563, %add3A_592 : i32
        %get3A_594 = arith.index_cast %add3A_593 : i32 to index
        %get3A_595 = tpu.vector_load %arg21[%get3A_594] {strides = array<i32>} : memref<16384xf32, #tpu.memory_space<vmem>>, vector<16xf32>,
        %add3A_596 = arith.constant 32 : i32
        %add3A_597 = arith.addi %add3A_563, %add3A_596 : i32
        %get3A_598 = arith.index_cast %add3A_597 : i32 to index
        %get3A_599 = tpu.vector_load %arg21[%get3A_598] {strides = array<i32>} : memref<16384xf32, #tpu.memory_space<vmem>>, vector<16xf32>,
        %add3A_600 = arith.constant 48 : i32
        %add3A_601 = arith.addi %add3A_563, %add3A_600 : i32
        %get3A_602 = arith.index_cast %add3A_601 : i32 to index
        %get3A_603 = tpu.vector_load %arg21[%get3A_602] {strides = array<i32>} : memref<16384xf32, #tpu.memory_space<vmem>>, vector<16xf32>,
        %add3A_604 = arith.constant 64 : i32
        %add3A_605 = arith.addi %add3A_563, %add3A_604 : i32
        %get3A_606 = arith.index_cast %add3A_605 : i32 to index
        %get3A_607 = tpu.vector_load %arg21[%get3A_606] {strides = array<i32>} : memref<16384xf32, #tpu.memory_space<vmem>>, vector<16xf32>,
        %add3A_608 = arith.constant 80 : i32
        %add3A_609 = arith.addi %add3A_563, %add3A_608 : i32
        %get3A_610 = arith.index_cast %add3A_609 : i32 to index
        %get3A_611 = tpu.vector_load %arg21[%get3A_610] {strides = array<i32>} : memref<16384xf32, #tpu.memory_space<vmem>>, vector<16xf32>,
        %add3A_612 = arith.constant 0 : i32
        %add3A_613 = arith.addi %mul3A_111, %add3A_612 : i32
        %swap3A_614 = arith.index_cast %add3A_613 : i32 to index
        %swap3A_615 = tpu.vector_load %arg19[%swap3A_614] {strides = array<i32>} : memref<24672xf32, #tpu.memory_space<vmem>>, vector<16xf32>,
        tpu.vector_store %arg19[%swap3A_614], %get3A_567 {add = true, strides = array<i32>} : memref<24672xf32, #tpu.memory_space<vmem>>, vector<16xf32>,
        %add3A_616 = arith.constant 16 : i32
        %add3A_617 = arith.addi %mul3A_111, %add3A_616 : i32
        %swap3A_618 = arith.index_cast %add3A_617 : i32 to index
        %swap3A_619 = tpu.vector_load %arg19[%swap3A_618] {strides = array<i32>} : memref<24672xf32, #tpu.memory_space<vmem>>, vector<16xf32>,
        tpu.vector_store %arg19[%swap3A_618], %get3A_571 {add = true, strides = array<i32>} : memref<24672xf32, #tpu.memory_space<vmem>>, vector<16xf32>,
        %add3A_620 = arith.constant 32 : i32
        %add3A_621 = arith.addi %mul3A_111, %add3A_620 : i32
        %swap3A_622 = arith.index_cast %add3A_621 : i32 to index
        %swap3A_623 = tpu.vector_load %arg19[%swap3A_622] {strides = array<i32>} : memref<24672xf32, #tpu.memory_space<vmem>>, vector<16xf32>,
        tpu.vector_store %arg19[%swap3A_622], %get3A_575 {add = true, strides = array<i32>} : memref<24672xf32, #tpu.memory_space<vmem>>, vector<16xf32>,
        %add3A_624 = arith.constant 48 : i32
        %add3A_625 = arith.addi %mul3A_111, %add3A_624 : i32
        %swap3A_626 = arith.index_cast %add3A_625 : i32 to index
        %swap3A_627 = tpu.vector_load %arg19[%swap3A_626] {strides = array<i32>} : memref<24672xf32, #tpu.memory_space<vmem>>, vector<16xf32>,
        tpu.vector_store %arg19[%swap3A_626], %get3A_579 {add = true, strides = array<i32>} : memref<24672xf32, #tpu.memory_space<vmem>>, vector<16xf32>,
        %add3A_628 = arith.constant 64 : i32
        %add3A_629 = arith.addi %mul3A_111, %add3A_628 : i32
        %swap3A_630 = arith.index_cast %add3A_629 : i32 to index
        %swap3A_631 = tpu.vector_load %arg19[%swap3A_630] {strides = array<i32>} : memref<24672xf32, #tpu.memory_space<vmem>>, vector<16xf32>,
        tpu.vector_store %arg19[%swap3A_630], %get3A_583 {add = true, strides = array<i32>} : memref<24672xf32, #tpu.memory_space<vmem>>, vector<16xf32>,
        %add3A_632 = arith.constant 80 : i32
        %add3A_633 = arith.addi %mul3A_111, %add3A_632 : i32
        %swap3A_634 = arith.index_cast %add3A_633 : i32 to index
        %swap3A_635 = tpu.vector_load %arg19[%swap3A_634] {strides = array<i32>} : memref<24672xf32, #tpu.memory_space<vmem>>, vector<16xf32>,
        tpu.vector_store %arg19[%swap3A_634], %get3A_587 {add = true, strides = array<i32>} : memref<24672xf32, #tpu.memory_space<vmem>>, vector<16xf32>,
        %add3A_636 = arith.constant 0 : i32
        %add3A_637 = arith.addi %mul3A_115, %add3A_636 : i32
        %swap3A_638 = arith.index_cast %add3A_637 : i32 to index
        %swap3A_639 = tpu.vector_load %arg19[%swap3A_638] {strides = array<i32>} : memref<24672xf32, #tpu.memory_space<vmem>>, vector<16xf32>,
        tpu.vector_store %arg19[%swap3A_638], %get3A_591 {add = true, strides = array<i32>} : memref<24672xf32, #tpu.memory_space<vmem>>, vector<16xf32>,
        %add3A_640 = arith.constant 16 : i32
        %add3A_641 = arith.addi %mul3A_115, %add3A_640 : i32
        %swap3A_642 = arith.index_cast %add3A_641 : i32 to index
        %swap3A_643 = tpu.vector_load %arg19[%swap3A_642] {strides = array<i32>} : memref<24672xf32, #tpu.memory_space<vmem>>, vector<16xf32>,
        tpu.vector_store %arg19[%swap3A_642], %get3A_595 {add = true, strides = array<i32>} : memref<24672xf32, #tpu.memory_space<vmem>>, vector<16xf32>,
        %add3A_644 = arith.constant 32 : i32
        %add3A_645 = arith.addi %mul3A_115, %add3A_644 : i32
        %swap3A_646 = arith.index_cast %add3A_645 : i32 to index
        %swap3A_647 = tpu.vector_load %arg19[%swap3A_646] {strides = array<i32>} : memref<24672xf32, #tpu.memory_space<vmem>>, vector<16xf32>,
        tpu.vector_store %arg19[%swap3A_646], %get3A_599 {add = true, strides = array<i32>} : memref<24672xf32, #tpu.memory_space<vmem>>, vector<16xf32>,
        %add3A_648 = arith.constant 48 : i32
        %add3A_649 = arith.addi %mul3A_115, %add3A_648 : i32
        %swap3A_650 = arith.index_cast %add3A_649 : i32 to index
        %swap3A_651 = tpu.vector_load %arg19[%swap3A_650] {strides = array<i32>} : memref<24672xf32, #tpu.memory_space<vmem>>, vector<16xf32>,
        tpu.vector_store %arg19[%swap3A_650], %get3A_603 {add = true, strides = array<i32>} : memref<24672xf32, #tpu.memory_space<vmem>>, vector<16xf32>,
        %add3A_652 = arith.constant 64 : i32
        %add3A_653 = arith.addi %mul3A_115, %add3A_652 : i32
        %swap3A_654 = arith.index_cast %add3A_653 : i32 to index
        %swap3A_655 = tpu.vector_load %arg19[%swap3A_654] {strides = array<i32>} : memref<24672xf32, #tpu.memory_space<vmem>>, vector<16xf32>,
        tpu.vector_store %arg19[%swap3A_654], %get3A_607 {add = true, strides = array<i32>} : memref<24672xf32, #tpu.memory_space<vmem>>, vector<16xf32>,
        %add3A_656 = arith.constant 80 : i32
        %add3A_657 = arith.addi %mul3A_115, %add3A_656 : i32
        %swap3A_658 = arith.index_cast %add3A_657 : i32 to index
        %swap3A_659 = tpu.vector_load %arg19[%swap3A_658] {strides = array<i32>} : memref<24672xf32, #tpu.memory_space<vmem>>, vector<16xf32>,
        tpu.vector_store %arg19[%swap3A_658], %get3A_611 {add = true, strides = array<i32>} : memref<24672xf32, #tpu.memory_space<vmem>>, vector<16xf32>,
        %mul3A_660 = arith.constant 16 : i32
        %mul3A_661 = arith.muli %scan3A_73, %mul3A_660 : i32
        %add3A_662 = arith.constant 10 : i32
        %add3A_663 = arith.addi %mul3A_661, %add3A_662 : i32
        %mul3A_664 = arith.constant 128 : i32
        %mul3A_665 = arith.muli %add3A_663, %mul3A_664 : i32
        %add3A_666 = arith.constant 128 : i32
        %add3A_667 = arith.addi %mul3A_665, %add3A_666 : i32
        %add3A_668 = arith.constant 0 : i32
        %add3A_669 = arith.addi %mul3A_665, %add3A_668 : i32
        %get3A_670 = arith.index_cast %add3A_669 : i32 to index
        %get3A_671 = tpu.vector_load %arg21[%get3A_670] {strides = array<i32>} : memref<16384xf32, #tpu.memory_space<vmem>>, vector<16xf32>,
        %add3A_672 = arith.constant 16 : i32
        %add3A_673 = arith.addi %mul3A_665, %add3A_672 : i32
        %get3A_674 = arith.index_cast %add3A_673 : i32 to index
        %get3A_675 = tpu.vector_load %arg21[%get3A_674] {strides = array<i32>} : memref<16384xf32, #tpu.memory_space<vmem>>, vector<16xf32>,
        %add3A_676 = arith.constant 32 : i32
        %add3A_677 = arith.addi %mul3A_665, %add3A_676 : i32
        %get3A_678 = arith.index_cast %add3A_677 : i32 to index
        %get3A_679 = tpu.vector_load %arg21[%get3A_678] {strides = array<i32>} : memref<16384xf32, #tpu.memory_space<vmem>>, vector<16xf32>,
        %add3A_680 = arith.constant 48 : i32
        %add3A_681 = arith.addi %mul3A_665, %add3A_680 : i32
        %get3A_682 = arith.index_cast %add3A_681 : i32 to index
        %get3A_683 = tpu.vector_load %arg21[%get3A_682] {strides = array<i32>} : memref<16384xf32, #tpu.memory_space<vmem>>, vector<16xf32>,
        %add3A_684 = arith.constant 64 : i32
        %add3A_685 = arith.addi %mul3A_665, %add3A_684 : i32
        %get3A_686 = arith.index_cast %add3A_685 : i32 to index
        %get3A_687 = tpu.vector_load %arg21[%get3A_686] {strides = array<i32>} : memref<16384xf32, #tpu.memory_space<vmem>>, vector<16xf32>,
        %add3A_688 = arith.constant 80 : i32
        %add3A_689 = arith.addi %mul3A_665, %add3A_688 : i32
        %get3A_690 = arith.index_cast %add3A_689 : i32 to index
        %get3A_691 = tpu.vector_load %arg21[%get3A_690] {strides = array<i32>} : memref<16384xf32, #tpu.memory_space<vmem>>, vector<16xf32>,
        %add3A_692 = arith.constant 0 : i32
        %add3A_693 = arith.addi %add3A_667, %add3A_692 : i32
        %get3A_694 = arith.index_cast %add3A_693 : i32 to index
        %get3A_695 = tpu.vector_load %arg21[%get3A_694] {strides = array<i32>} : memref<16384xf32, #tpu.memory_space<vmem>>, vector<16xf32>,
        %add3A_696 = arith.constant 16 : i32
        %add3A_697 = arith.addi %add3A_667, %add3A_696 : i32
        %get3A_698 = arith.index_cast %add3A_697 : i32 to index
        %get3A_699 = tpu.vector_load %arg21[%get3A_698] {strides = array<i32>} : memref<16384xf32, #tpu.memory_space<vmem>>, vector<16xf32>,
        %add3A_700 = arith.constant 32 : i32
        %add3A_701 = arith.addi %add3A_667, %add3A_700 : i32
        %get3A_702 = arith.index_cast %add3A_701 : i32 to index
        %get3A_703 = tpu.vector_load %arg21[%get3A_702] {strides = array<i32>} : memref<16384xf32, #tpu.memory_space<vmem>>, vector<16xf32>,
        %add3A_704 = arith.constant 48 : i32
        %add3A_705 = arith.addi %add3A_667, %add3A_704 : i32
        %get3A_706 = arith.index_cast %add3A_705 : i32 to index
        %get3A_707 = tpu.vector_load %arg21[%get3A_706] {strides = array<i32>} : memref<16384xf32, #tpu.memory_space<vmem>>, vector<16xf32>,
        %add3A_708 = arith.constant 64 : i32
        %add3A_709 = arith.addi %add3A_667, %add3A_708 : i32
        %get3A_710 = arith.index_cast %add3A_709 : i32 to index
        %get3A_711 = tpu.vector_load %arg21[%get3A_710] {strides = array<i32>} : memref<16384xf32, #tpu.memory_space<vmem>>, vector<16xf32>,
        %add3A_712 = arith.constant 80 : i32
        %add3A_713 = arith.addi %add3A_667, %add3A_712 : i32
        %get3A_714 = arith.index_cast %add3A_713 : i32 to index
        %get3A_715 = tpu.vector_load %arg21[%get3A_714] {strides = array<i32>} : memref<16384xf32, #tpu.memory_space<vmem>>, vector<16xf32>,
        %add3A_716 = arith.constant 0 : i32
        %add3A_717 = arith.addi %mul3A_119, %add3A_716 : i32
        %swap3A_718 = arith.index_cast %add3A_717 : i32 to index
        %swap3A_719 = tpu.vector_load %arg19[%swap3A_718] {strides = array<i32>} : memref<24672xf32, #tpu.memory_space<vmem>>, vector<16xf32>,
        tpu.vector_store %arg19[%swap3A_718], %get3A_671 {add = true, strides = array<i32>} : memref<24672xf32, #tpu.memory_space<vmem>>, vector<16xf32>,
        %add3A_720 = arith.constant 16 : i32
        %add3A_721 = arith.addi %mul3A_119, %add3A_720 : i32
        %swap3A_722 = arith.index_cast %add3A_721 : i32 to index
        %swap3A_723 = tpu.vector_load %arg19[%swap3A_722] {strides = array<i32>} : memref<24672xf32, #tpu.memory_space<vmem>>, vector<16xf32>,
        tpu.vector_store %arg19[%swap3A_722], %get3A_675 {add = true, strides = array<i32>} : memref<24672xf32, #tpu.memory_space<vmem>>, vector<16xf32>,
        %add3A_724 = arith.constant 32 : i32
        %add3A_725 = arith.addi %mul3A_119, %add3A_724 : i32
        %swap3A_726 = arith.index_cast %add3A_725 : i32 to index
        %swap3A_727 = tpu.vector_load %arg19[%swap3A_726] {strides = array<i32>} : memref<24672xf32, #tpu.memory_space<vmem>>, vector<16xf32>,
        tpu.vector_store %arg19[%swap3A_726], %get3A_679 {add = true, strides = array<i32>} : memref<24672xf32, #tpu.memory_space<vmem>>, vector<16xf32>,
        %add3A_728 = arith.constant 48 : i32
        %add3A_729 = arith.addi %mul3A_119, %add3A_728 : i32
        %swap3A_730 = arith.index_cast %add3A_729 : i32 to index
        %swap3A_731 = tpu.vector_load %arg19[%swap3A_730] {strides = array<i32>} : memref<24672xf32, #tpu.memory_space<vmem>>, vector<16xf32>,
        tpu.vector_store %arg19[%swap3A_730], %get3A_683 {add = true, strides = array<i32>} : memref<24672xf32, #tpu.memory_space<vmem>>, vector<16xf32>,
        %add3A_732 = arith.constant 64 : i32
        %add3A_733 = arith.addi %mul3A_119, %add3A_732 : i32
        %swap3A_734 = arith.index_cast %add3A_733 : i32 to index
        %swap3A_735 = tpu.vector_load %arg19[%swap3A_734] {strides = array<i32>} : memref<24672xf32, #tpu.memory_space<vmem>>, vector<16xf32>,
        tpu.vector_store %arg19[%swap3A_734], %get3A_687 {add = true, strides = array<i32>} : memref<24672xf32, #tpu.memory_space<vmem>>, vector<16xf32>,
        %add3A_736 = arith.constant 80 : i32
        %add3A_737 = arith.addi %mul3A_119, %add3A_736 : i32
        %swap3A_738 = arith.index_cast %add3A_737 : i32 to index
        %swap3A_739 = tpu.vector_load %arg19[%swap3A_738] {strides = array<i32>} : memref<24672xf32, #tpu.memory_space<vmem>>, vector<16xf32>,
        tpu.vector_store %arg19[%swap3A_738], %get3A_691 {add = true, strides = array<i32>} : memref<24672xf32, #tpu.memory_space<vmem>>, vector<16xf32>,
        %add3A_740 = arith.constant 0 : i32
        %add3A_741 = arith.addi %mul3A_123, %add3A_740 : i32
        %swap3A_742 = arith.index_cast %add3A_741 : i32 to index
        %swap3A_743 = tpu.vector_load %arg19[%swap3A_742] {strides = array<i32>} : memref<24672xf32, #tpu.memory_space<vmem>>, vector<16xf32>,
        tpu.vector_store %arg19[%swap3A_742], %get3A_695 {add = true, strides = array<i32>} : memref<24672xf32, #tpu.memory_space<vmem>>, vector<16xf32>,
        %add3A_744 = arith.constant 16 : i32
        %add3A_745 = arith.addi %mul3A_123, %add3A_744 : i32
        %swap3A_746 = arith.index_cast %add3A_745 : i32 to index
        %swap3A_747 = tpu.vector_load %arg19[%swap3A_746] {strides = array<i32>} : memref<24672xf32, #tpu.memory_space<vmem>>, vector<16xf32>,
        tpu.vector_store %arg19[%swap3A_746], %get3A_699 {add = true, strides = array<i32>} : memref<24672xf32, #tpu.memory_space<vmem>>, vector<16xf32>,
        %add3A_748 = arith.constant 32 : i32
        %add3A_749 = arith.addi %mul3A_123, %add3A_748 : i32
        %swap3A_750 = arith.index_cast %add3A_749 : i32 to index
        %swap3A_751 = tpu.vector_load %arg19[%swap3A_750] {strides = array<i32>} : memref<24672xf32, #tpu.memory_space<vmem>>, vector<16xf32>,
        tpu.vector_store %arg19[%swap3A_750], %get3A_703 {add = true, strides = array<i32>} : memref<24672xf32, #tpu.memory_space<vmem>>, vector<16xf32>,
        %add3A_752 = arith.constant 48 : i32
        %add3A_753 = arith.addi %mul3A_123, %add3A_752 : i32
        %swap3A_754 = arith.index_cast %add3A_753 : i32 to index
        %swap3A_755 = tpu.vector_load %arg19[%swap3A_754] {strides = array<i32>} : memref<24672xf32, #tpu.memory_space<vmem>>, vector<16xf32>,
        tpu.vector_store %arg19[%swap3A_754], %get3A_707 {add = true, strides = array<i32>} : memref<24672xf32, #tpu.memory_space<vmem>>, vector<16xf32>,
        %add3A_756 = arith.constant 64 : i32
        %add3A_757 = arith.addi %mul3A_123, %add3A_756 : i32
        %swap3A_758 = arith.index_cast %add3A_757 : i32 to index
        %swap3A_759 = tpu.vector_load %arg19[%swap3A_758] {strides = array<i32>} : memref<24672xf32, #tpu.memory_space<vmem>>, vector<16xf32>,
        tpu.vector_store %arg19[%swap3A_758], %get3A_711 {add = true, strides = array<i32>} : memref<24672xf32, #tpu.memory_space<vmem>>, vector<16xf32>,
        %add3A_760 = arith.constant 80 : i32
        %add3A_761 = arith.addi %mul3A_123, %add3A_760 : i32
        %swap3A_762 = arith.index_cast %add3A_761 : i32 to index
        %swap3A_763 = tpu.vector_load %arg19[%swap3A_762] {strides = array<i32>} : memref<24672xf32, #tpu.memory_space<vmem>>, vector<16xf32>,
        tpu.vector_store %arg19[%swap3A_762], %get3A_715 {add = true, strides = array<i32>} : memref<24672xf32, #tpu.memory_space<vmem>>, vector<16xf32>,
        %mul3A_764 = arith.constant 16 : i32
        %mul3A_765 = arith.muli %scan3A_73, %mul3A_764 : i32
        %add3A_766 = arith.constant 12 : i32
        %add3A_767 = arith.addi %mul3A_765, %add3A_766 : i32
        %mul3A_768 = arith.constant 128 : i32
        %mul3A_769 = arith.muli %add3A_767, %mul3A_768 : i32
        %add3A_770 = arith.constant 128 : i32
        %add3A_771 = arith.addi %mul3A_769, %add3A_770 : i32
        %add3A_772 = arith.constant 0 : i32
        %add3A_773 = arith.addi %mul3A_769, %add3A_772 : i32
        %get3A_774 = arith.index_cast %add3A_773 : i32 to index
        %get3A_775 = tpu.vector_load %arg21[%get3A_774] {strides = array<i32>} : memref<16384xf32, #tpu.memory_space<vmem>>, vector<16xf32>,
        %add3A_776 = arith.constant 16 : i32
        %add3A_777 = arith.addi %mul3A_769, %add3A_776 : i32
        %get3A_778 = arith.index_cast %add3A_777 : i32 to index
        %get3A_779 = tpu.vector_load %arg21[%get3A_778] {strides = array<i32>} : memref<16384xf32, #tpu.memory_space<vmem>>, vector<16xf32>,
        %add3A_780 = arith.constant 32 : i32
        %add3A_781 = arith.addi %mul3A_769, %add3A_780 : i32
        %get3A_782 = arith.index_cast %add3A_781 : i32 to index
        %get3A_783 = tpu.vector_load %arg21[%get3A_782] {strides = array<i32>} : memref<16384xf32, #tpu.memory_space<vmem>>, vector<16xf32>,
        %add3A_784 = arith.constant 48 : i32
        %add3A_785 = arith.addi %mul3A_769, %add3A_784 : i32
        %get3A_786 = arith.index_cast %add3A_785 : i32 to index
        %get3A_787 = tpu.vector_load %arg21[%get3A_786] {strides = array<i32>} : memref<16384xf32, #tpu.memory_space<vmem>>, vector<16xf32>,
        %add3A_788 = arith.constant 64 : i32
        %add3A_789 = arith.addi %mul3A_769, %add3A_788 : i32
        %get3A_790 = arith.index_cast %add3A_789 : i32 to index
        %get3A_791 = tpu.vector_load %arg21[%get3A_790] {strides = array<i32>} : memref<16384xf32, #tpu.memory_space<vmem>>, vector<16xf32>,
        %add3A_792 = arith.constant 80 : i32
        %add3A_793 = arith.addi %mul3A_769, %add3A_792 : i32
        %get3A_794 = arith.index_cast %add3A_793 : i32 to index
        %get3A_795 = tpu.vector_load %arg21[%get3A_794] {strides = array<i32>} : memref<16384xf32, #tpu.memory_space<vmem>>, vector<16xf32>,
        %add3A_796 = arith.constant 0 : i32
        %add3A_797 = arith.addi %add3A_771, %add3A_796 : i32
        %get3A_798 = arith.index_cast %add3A_797 : i32 to index
        %get3A_799 = tpu.vector_load %arg21[%get3A_798] {strides = array<i32>} : memref<16384xf32, #tpu.memory_space<vmem>>, vector<16xf32>,
        %add3A_800 = arith.constant 16 : i32
        %add3A_801 = arith.addi %add3A_771, %add3A_800 : i32
        %get3A_802 = arith.index_cast %add3A_801 : i32 to index
        %get3A_803 = tpu.vector_load %arg21[%get3A_802] {strides = array<i32>} : memref<16384xf32, #tpu.memory_space<vmem>>, vector<16xf32>,
        %add3A_804 = arith.constant 32 : i32
        %add3A_805 = arith.addi %add3A_771, %add3A_804 : i32
        %get3A_806 = arith.index_cast %add3A_805 : i32 to index
        %get3A_807 = tpu.vector_load %arg21[%get3A_806] {strides = array<i32>} : memref<16384xf32, #tpu.memory_space<vmem>>, vector<16xf32>,
        %add3A_808 = arith.constant 48 : i32
        %add3A_809 = arith.addi %add3A_771, %add3A_808 : i32
        %get3A_810 = arith.index_cast %add3A_809 : i32 to index
        %get3A_811 = tpu.vector_load %arg21[%get3A_810] {strides = array<i32>} : memref<16384xf32, #tpu.memory_space<vmem>>, vector<16xf32>,
        %add3A_812 = arith.constant 64 : i32
        %add3A_813 = arith.addi %add3A_771, %add3A_812 : i32
        %get3A_814 = arith.index_cast %add3A_813 : i32 to index
        %get3A_815 = tpu.vector_load %arg21[%get3A_814] {strides = array<i32>} : memref<16384xf32, #tpu.memory_space<vmem>>, vector<16xf32>,
        %add3A_816 = arith.constant 80 : i32
        %add3A_817 = arith.addi %add3A_771, %add3A_816 : i32
        %get3A_818 = arith.index_cast %add3A_817 : i32 to index
        %get3A_819 = tpu.vector_load %arg21[%get3A_818] {strides = array<i32>} : memref<16384xf32, #tpu.memory_space<vmem>>, vector<16xf32>,
        %add3A_820 = arith.constant 0 : i32
        %add3A_821 = arith.addi %mul3A_127, %add3A_820 : i32
        %swap3A_822 = arith.index_cast %add3A_821 : i32 to index
        %swap3A_823 = tpu.vector_load %arg19[%swap3A_822] {strides = array<i32>} : memref<24672xf32, #tpu.memory_space<vmem>>, vector<16xf32>,
        tpu.vector_store %arg19[%swap3A_822], %get3A_775 {add = true, strides = array<i32>} : memref<24672xf32, #tpu.memory_space<vmem>>, vector<16xf32>,
        %add3A_824 = arith.constant 16 : i32
        %add3A_825 = arith.addi %mul3A_127, %add3A_824 : i32
        %swap3A_826 = arith.index_cast %add3A_825 : i32 to index
        %swap3A_827 = tpu.vector_load %arg19[%swap3A_826] {strides = array<i32>} : memref<24672xf32, #tpu.memory_space<vmem>>, vector<16xf32>,
        tpu.vector_store %arg19[%swap3A_826], %get3A_779 {add = true, strides = array<i32>} : memref<24672xf32, #tpu.memory_space<vmem>>, vector<16xf32>,
        %add3A_828 = arith.constant 32 : i32
        %add3A_829 = arith.addi %mul3A_127, %add3A_828 : i32
        %swap3A_830 = arith.index_cast %add3A_829 : i32 to index
        %swap3A_831 = tpu.vector_load %arg19[%swap3A_830] {strides = array<i32>} : memref<24672xf32, #tpu.memory_space<vmem>>, vector<16xf32>,
        tpu.vector_store %arg19[%swap3A_830], %get3A_783 {add = true, strides = array<i32>} : memref<24672xf32, #tpu.memory_space<vmem>>, vector<16xf32>,
        %add3A_832 = arith.constant 48 : i32
        %add3A_833 = arith.addi %mul3A_127, %add3A_832 : i32
        %swap3A_834 = arith.index_cast %add3A_833 : i32 to index
        %swap3A_835 = tpu.vector_load %arg19[%swap3A_834] {strides = array<i32>} : memref<24672xf32, #tpu.memory_space<vmem>>, vector<16xf32>,
        tpu.vector_store %arg19[%swap3A_834], %get3A_787 {add = true, strides = array<i32>} : memref<24672xf32, #tpu.memory_space<vmem>>, vector<16xf32>,
        %add3A_836 = arith.constant 64 : i32
        %add3A_837 = arith.addi %mul3A_127, %add3A_836 : i32
        %swap3A_838 = arith.index_cast %add3A_837 : i32 to index
        %swap3A_839 = tpu.vector_load %arg19[%swap3A_838] {strides = array<i32>} : memref<24672xf32, #tpu.memory_space<vmem>>, vector<16xf32>,
        tpu.vector_store %arg19[%swap3A_838], %get3A_791 {add = true, strides = array<i32>} : memref<24672xf32, #tpu.memory_space<vmem>>, vector<16xf32>,
        %add3A_840 = arith.constant 80 : i32
        %add3A_841 = arith.addi %mul3A_127, %add3A_840 : i32
        %swap3A_842 = arith.index_cast %add3A_841 : i32 to index
        %swap3A_843 = tpu.vector_load %arg19[%swap3A_842] {strides = array<i32>} : memref<24672xf32, #tpu.memory_space<vmem>>, vector<16xf32>,
        tpu.vector_store %arg19[%swap3A_842], %get3A_795 {add = true, strides = array<i32>} : memref<24672xf32, #tpu.memory_space<vmem>>, vector<16xf32>,
        %add3A_844 = arith.constant 0 : i32
        %add3A_845 = arith.addi %mul3A_131, %add3A_844 : i32
        %swap3A_846 = arith.index_cast %add3A_845 : i32 to index
        %swap3A_847 = tpu.vector_load %arg19[%swap3A_846] {strides = array<i32>} : memref<24672xf32, #tpu.memory_space<vmem>>, vector<16xf32>,
        tpu.vector_store %arg19[%swap3A_846], %get3A_799 {add = true, strides = array<i32>} : memref<24672xf32, #tpu.memory_space<vmem>>, vector<16xf32>,
        %add3A_848 = arith.constant 16 : i32
        %add3A_849 = arith.addi %mul3A_131, %add3A_848 : i32
        %swap3A_850 = arith.index_cast %add3A_849 : i32 to index
        %swap3A_851 = tpu.vector_load %arg19[%swap3A_850] {strides = array<i32>} : memref<24672xf32, #tpu.memory_space<vmem>>, vector<16xf32>,
        tpu.vector_store %arg19[%swap3A_850], %get3A_803 {add = true, strides = array<i32>} : memref<24672xf32, #tpu.memory_space<vmem>>, vector<16xf32>,
        %add3A_852 = arith.constant 32 : i32
        %add3A_853 = arith.addi %mul3A_131, %add3A_852 : i32
        %swap3A_854 = arith.index_cast %add3A_853 : i32 to index
        %swap3A_855 = tpu.vector_load %arg19[%swap3A_854] {strides = array<i32>} : memref<24672xf32, #tpu.memory_space<vmem>>, vector<16xf32>,
        tpu.vector_store %arg19[%swap3A_854], %get3A_807 {add = true, strides = array<i32>} : memref<24672xf32, #tpu.memory_space<vmem>>, vector<16xf32>,
        %add3A_856 = arith.constant 48 : i32
        %add3A_857 = arith.addi %mul3A_131, %add3A_856 : i32
        %swap3A_858 = arith.index_cast %add3A_857 : i32 to index
        %swap3A_859 = tpu.vector_load %arg19[%swap3A_858] {strides = array<i32>} : memref<24672xf32, #tpu.memory_space<vmem>>, vector<16xf32>,
        tpu.vector_store %arg19[%swap3A_858], %get3A_811 {add = true, strides = array<i32>} : memref<24672xf32, #tpu.memory_space<vmem>>, vector<16xf32>,
        %add3A_860 = arith.constant 64 : i32
        %add3A_861 = arith.addi %mul3A_131, %add3A_860 : i32
        %swap3A_862 = arith.index_cast %add3A_861 : i32 to index
        %swap3A_863 = tpu.vector_load %arg19[%swap3A_862] {strides = array<i32>} : memref<24672xf32, #tpu.memory_space<vmem>>, vector<16xf32>,
        tpu.vector_store %arg19[%swap3A_862], %get3A_815 {add = true, strides = array<i32>} : memref<24672xf32, #tpu.memory_space<vmem>>, vector<16xf32>,
        %add3A_864 = arith.constant 80 : i32
        %add3A_865 = arith.addi %mul3A_131, %add3A_864 : i32
        %swap3A_866 = arith.index_cast %add3A_865 : i32 to index
        %swap3A_867 = tpu.vector_load %arg19[%swap3A_866] {strides = array<i32>} : memref<24672xf32, #tpu.memory_space<vmem>>, vector<16xf32>,
        tpu.vector_store %arg19[%swap3A_866], %get3A_819 {add = true, strides = array<i32>} : memref<24672xf32, #tpu.memory_space<vmem>>, vector<16xf32>,
        %mul3A_868 = arith.constant 16 : i32
        %mul3A_869 = arith.muli %scan3A_73, %mul3A_868 : i32
        %add3A_870 = arith.constant 14 : i32
        %add3A_871 = arith.addi %mul3A_869, %add3A_870 : i32
        %mul3A_872 = arith.constant 128 : i32
        %mul3A_873 = arith.muli %add3A_871, %mul3A_872 : i32
        %add3A_874 = arith.constant 128 : i32
        %add3A_875 = arith.addi %mul3A_873, %add3A_874 : i32
        %add3A_876 = arith.constant 0 : i32
        %add3A_877 = arith.addi %mul3A_873, %add3A_876 : i32
        %get3A_878 = arith.index_cast %add3A_877 : i32 to index
        %get3A_879 = tpu.vector_load %arg21[%get3A_878] {strides = array<i32>} : memref<16384xf32, #tpu.memory_space<vmem>>, vector<16xf32>,
        %add3A_880 = arith.constant 16 : i32
        %add3A_881 = arith.addi %mul3A_873, %add3A_880 : i32
        %get3A_882 = arith.index_cast %add3A_881 : i32 to index
        %get3A_883 = tpu.vector_load %arg21[%get3A_882] {strides = array<i32>} : memref<16384xf32, #tpu.memory_space<vmem>>, vector<16xf32>,
        %add3A_884 = arith.constant 32 : i32
        %add3A_885 = arith.addi %mul3A_873, %add3A_884 : i32
        %get3A_886 = arith.index_cast %add3A_885 : i32 to index
        %get3A_887 = tpu.vector_load %arg21[%get3A_886] {strides = array<i32>} : memref<16384xf32, #tpu.memory_space<vmem>>, vector<16xf32>,
        %add3A_888 = arith.constant 48 : i32
        %add3A_889 = arith.addi %mul3A_873, %add3A_888 : i32
        %get3A_890 = arith.index_cast %add3A_889 : i32 to index
        %get3A_891 = tpu.vector_load %arg21[%get3A_890] {strides = array<i32>} : memref<16384xf32, #tpu.memory_space<vmem>>, vector<16xf32>,
        %add3A_892 = arith.constant 64 : i32
        %add3A_893 = arith.addi %mul3A_873, %add3A_892 : i32
        %get3A_894 = arith.index_cast %add3A_893 : i32 to index
        %get3A_895 = tpu.vector_load %arg21[%get3A_894] {strides = array<i32>} : memref<16384xf32, #tpu.memory_space<vmem>>, vector<16xf32>,
        %add3A_896 = arith.constant 80 : i32
        %add3A_897 = arith.addi %mul3A_873, %add3A_896 : i32
        %get3A_898 = arith.index_cast %add3A_897 : i32 to index
        %get3A_899 = tpu.vector_load %arg21[%get3A_898] {strides = array<i32>} : memref<16384xf32, #tpu.memory_space<vmem>>, vector<16xf32>,
        %add3A_900 = arith.constant 0 : i32
        %add3A_901 = arith.addi %add3A_875, %add3A_900 : i32
        %get3A_902 = arith.index_cast %add3A_901 : i32 to index
        %get3A_903 = tpu.vector_load %arg21[%get3A_902] {strides = array<i32>} : memref<16384xf32, #tpu.memory_space<vmem>>, vector<16xf32>,
        %add3A_904 = arith.constant 16 : i32
        %add3A_905 = arith.addi %add3A_875, %add3A_904 : i32
        %get3A_906 = arith.index_cast %add3A_905 : i32 to index
        %get3A_907 = tpu.vector_load %arg21[%get3A_906] {strides = array<i32>} : memref<16384xf32, #tpu.memory_space<vmem>>, vector<16xf32>,
        %add3A_908 = arith.constant 32 : i32
        %add3A_909 = arith.addi %add3A_875, %add3A_908 : i32
        %get3A_910 = arith.index_cast %add3A_909 : i32 to index
        %get3A_911 = tpu.vector_load %arg21[%get3A_910] {strides = array<i32>} : memref<16384xf32, #tpu.memory_space<vmem>>, vector<16xf32>,
        %add3A_912 = arith.constant 48 : i32
        %add3A_913 = arith.addi %add3A_875, %add3A_912 : i32
        %get3A_914 = arith.index_cast %add3A_913 : i32 to index
        %get3A_915 = tpu.vector_load %arg21[%get3A_914] {strides = array<i32>} : memref<16384xf32, #tpu.memory_space<vmem>>, vector<16xf32>,
        %add3A_916 = arith.constant 64 : i32
        %add3A_917 = arith.addi %add3A_875, %add3A_916 : i32
        %get3A_918 = arith.index_cast %add3A_917 : i32 to index
        %get3A_919 = tpu.vector_load %arg21[%get3A_918] {strides = array<i32>} : memref<16384xf32, #tpu.memory_space<vmem>>, vector<16xf32>,
        %add3A_920 = arith.constant 80 : i32
        %add3A_921 = arith.addi %add3A_875, %add3A_920 : i32
        %get3A_922 = arith.index_cast %add3A_921 : i32 to index
        %get3A_923 = tpu.vector_load %arg21[%get3A_922] {strides = array<i32>} : memref<16384xf32, #tpu.memory_space<vmem>>, vector<16xf32>,
        %add3A_924 = arith.constant 0 : i32
        %add3A_925 = arith.addi %mul3A_135, %add3A_924 : i32
        %swap3A_926 = arith.index_cast %add3A_925 : i32 to index
        %swap3A_927 = tpu.vector_load %arg19[%swap3A_926] {strides = array<i32>} : memref<24672xf32, #tpu.memory_space<vmem>>, vector<16xf32>,
        tpu.vector_store %arg19[%swap3A_926], %get3A_879 {add = true, strides = array<i32>} : memref<24672xf32, #tpu.memory_space<vmem>>, vector<16xf32>,
        %add3A_928 = arith.constant 16 : i32
        %add3A_929 = arith.addi %mul3A_135, %add3A_928 : i32
        %swap3A_930 = arith.index_cast %add3A_929 : i32 to index
        %swap3A_931 = tpu.vector_load %arg19[%swap3A_930] {strides = array<i32>} : memref<24672xf32, #tpu.memory_space<vmem>>, vector<16xf32>,
        tpu.vector_store %arg19[%swap3A_930], %get3A_883 {add = true, strides = array<i32>} : memref<24672xf32, #tpu.memory_space<vmem>>, vector<16xf32>,
        %add3A_932 = arith.constant 32 : i32
        %add3A_933 = arith.addi %mul3A_135, %add3A_932 : i32
        %swap3A_934 = arith.index_cast %add3A_933 : i32 to index
        %swap3A_935 = tpu.vector_load %arg19[%swap3A_934] {strides = array<i32>} : memref<24672xf32, #tpu.memory_space<vmem>>, vector<16xf32>,
        tpu.vector_store %arg19[%swap3A_934], %get3A_887 {add = true, strides = array<i32>} : memref<24672xf32, #tpu.memory_space<vmem>>, vector<16xf32>,
        %add3A_936 = arith.constant 48 : i32
        %add3A_937 = arith.addi %mul3A_135, %add3A_936 : i32
        %swap3A_938 = arith.index_cast %add3A_937 : i32 to index
        %swap3A_939 = tpu.vector_load %arg19[%swap3A_938] {strides = array<i32>} : memref<24672xf32, #tpu.memory_space<vmem>>, vector<16xf32>,
        tpu.vector_store %arg19[%swap3A_938], %get3A_891 {add = true, strides = array<i32>} : memref<24672xf32, #tpu.memory_space<vmem>>, vector<16xf32>,
        %add3A_940 = arith.constant 64 : i32
        %add3A_941 = arith.addi %mul3A_135, %add3A_940 : i32
        %swap3A_942 = arith.index_cast %add3A_941 : i32 to index
        %swap3A_943 = tpu.vector_load %arg19[%swap3A_942] {strides = array<i32>} : memref<24672xf32, #tpu.memory_space<vmem>>, vector<16xf32>,
        tpu.vector_store %arg19[%swap3A_942], %get3A_895 {add = true, strides = array<i32>} : memref<24672xf32, #tpu.memory_space<vmem>>, vector<16xf32>,
        %add3A_944 = arith.constant 80 : i32
        %add3A_945 = arith.addi %mul3A_135, %add3A_944 : i32
        %swap3A_946 = arith.index_cast %add3A_945 : i32 to index
        %swap3A_947 = tpu.vector_load %arg19[%swap3A_946] {strides = array<i32>} : memref<24672xf32, #tpu.memory_space<vmem>>, vector<16xf32>,
        tpu.vector_store %arg19[%swap3A_946], %get3A_899 {add = true, strides = array<i32>} : memref<24672xf32, #tpu.memory_space<vmem>>, vector<16xf32>,
        %add3A_948 = arith.constant 0 : i32
        %add3A_949 = arith.addi %mul3A_139, %add3A_948 : i32
        %swap3A_950 = arith.index_cast %add3A_949 : i32 to index
        %swap3A_951 = tpu.vector_load %arg19[%swap3A_950] {strides = array<i32>} : memref<24672xf32, #tpu.memory_space<vmem>>, vector<16xf32>,
        tpu.vector_store %arg19[%swap3A_950], %get3A_903 {add = true, strides = array<i32>} : memref<24672xf32, #tpu.memory_space<vmem>>, vector<16xf32>,
        %add3A_952 = arith.constant 16 : i32
        %add3A_953 = arith.addi %mul3A_139, %add3A_952 : i32
        %swap3A_954 = arith.index_cast %add3A_953 : i32 to index
        %swap3A_955 = tpu.vector_load %arg19[%swap3A_954] {strides = array<i32>} : memref<24672xf32, #tpu.memory_space<vmem>>, vector<16xf32>,
        tpu.vector_store %arg19[%swap3A_954], %get3A_907 {add = true, strides = array<i32>} : memref<24672xf32, #tpu.memory_space<vmem>>, vector<16xf32>,
        %add3A_956 = arith.constant 32 : i32
        %add3A_957 = arith.addi %mul3A_139, %add3A_956 : i32
        %swap3A_958 = arith.index_cast %add3A_957 : i32 to index
        %swap3A_959 = tpu.vector_load %arg19[%swap3A_958] {strides = array<i32>} : memref<24672xf32, #tpu.memory_space<vmem>>, vector<16xf32>,
        tpu.vector_store %arg19[%swap3A_958], %get3A_911 {add = true, strides = array<i32>} : memref<24672xf32, #tpu.memory_space<vmem>>, vector<16xf32>,
        %add3A_960 = arith.constant 48 : i32
        %add3A_961 = arith.addi %mul3A_139, %add3A_960 : i32
        %swap3A_962 = arith.index_cast %add3A_961 : i32 to index
        %swap3A_963 = tpu.vector_load %arg19[%swap3A_962] {strides = array<i32>} : memref<24672xf32, #tpu.memory_space<vmem>>, vector<16xf32>,
        tpu.vector_store %arg19[%swap3A_962], %get3A_915 {add = true, strides = array<i32>} : memref<24672xf32, #tpu.memory_space<vmem>>, vector<16xf32>,
        %add3A_964 = arith.constant 64 : i32
        %add3A_965 = arith.addi %mul3A_139, %add3A_964 : i32
        %swap3A_966 = arith.index_cast %add3A_965 : i32 to index
        %swap3A_967 = tpu.vector_load %arg19[%swap3A_966] {strides = array<i32>} : memref<24672xf32, #tpu.memory_space<vmem>>, vector<16xf32>,
        tpu.vector_store %arg19[%swap3A_966], %get3A_919 {add = true, strides = array<i32>} : memref<24672xf32, #tpu.memory_space<vmem>>, vector<16xf32>,
        %add3A_968 = arith.constant 80 : i32
        %add3A_969 = arith.addi %mul3A_139, %add3A_968 : i32
        %swap3A_970 = arith.index_cast %add3A_969 : i32 to index
        %swap3A_971 = tpu.vector_load %arg19[%swap3A_970] {strides = array<i32>} : memref<24672xf32, #tpu.memory_space<vmem>>, vector<16xf32>,
        tpu.vector_store %arg19[%swap3A_970], %get3A_923 {add = true, strides = array<i32>} : memref<24672xf32, #tpu.memory_space<vmem>>, vector<16xf32>,
      }
      %scan3A_72 = arith.constant 8 : i32
    }
    %scan3A_24 = arith.constant 6 : i32
    %scan3A_25 = arith.constant 0 : i32
    %scan3A_26 = arith.constant 1536 : i32
    %scan3A_27 = arith.addi %scan3A_25, %scan3A_26 : i32
    %scan3A_28 = arith.constant 1 : i32
    %scan3A_29 = scf.for %scan3A_32 = %scan3A_25 to %scan3A_27 step %scan3A_28 iter_args(%scan3A_33 = %scan3A_18) -> (vector<16xf32>)  : i32 {
      %mul3A_34 = arith.constant 16 : i32
      %mul3A_35 = arith.muli %scan3A_32, %mul3A_34 : i32
      %get3A = arith.index_cast %mul3A_35 : i32 to index
      %get3A_36 = tpu.vector_load %arg19[%get3A] {strides = array<i32>} : memref<24672xf32, #tpu.memory_space<vmem>>, vector<16xf32>,
      %get3A_37 = arith.index_cast %mul3A_35 : i32 to index
      %get3A_38 = tpu.vector_load %arg18[%get3A_37] {strides = array<i32>} : memref<24576xf32, #tpu.memory_space<vmem>>, vector<16xf32>,
      %mul3A_39 = arith.mulf %get3A_36, %get3A_38 : vector<16xf32>
      %add3A_40 = arith.addf %scan3A_33, %mul3A_39 : vector<16xf32>
      scf.yield %add3A_40 : vector<16xf32>
    }
    %scan3A_30 = arith.constant 1536 : i32
    %swap3A = arith.constant 0 : index
    %swap3A_31 = tpu.vector_load %arg22[%swap3A] {strides = array<i32>} : memref<16xf32, #tpu.memory_space<vmem>>, vector<16xf32>,
    tpu.vector_store %arg22[%swap3A], %scan3A_29 {strides = array<i32>} : memref<16xf32, #tpu.memory_space<vmem>>, vector<16xf32>,
    "tpu.region"() ({
      %run_scoped3A = tpu.sem_alloc : memref<!tpu.dma_semaphore, #tpu.memory_space<semaphore_mem>>
      %dma_start3A_32 = arith.constant 0 : i32
      %dma_start3A_33 = tpu.memref_slice %arg10[%add3A, %dma_start3A_32] : memref<32x16xf32, #tpu.memory_space<hbm>> -> memref<1x16xf32, #tpu.memory_space<hbm>>
      %dma_start3A_34 = tpu.memref_squeeze %dma_start3A_33 : memref<1x16xf32, #tpu.memory_space<hbm>> -> memref<16xf32, #tpu.memory_space<hbm>>
      %dma_start3A_35 = arith.constant 0 : i32
      %dma_start3A_36 = tpu.memref_slice %arg10[%add3A, %dma_start3A_35] : memref<32x16xf32, #tpu.memory_space<hbm>> -> memref<1x16xf32, #tpu.memory_space<hbm>>
      %dma_start3A_37 = tpu.memref_squeeze %dma_start3A_36 : memref<1x16xf32, #tpu.memory_space<hbm>> -> memref<16xf32, #tpu.memory_space<hbm>>
      tpu.enqueue_dma source(%arg22 : memref<16xf32, #tpu.memory_space<vmem>>) target(%dma_start3A_37 : memref<16xf32, #tpu.memory_space<hbm>>) target_semaphore(%run_scoped3A : memref<!tpu.dma_semaphore, #tpu.memory_space<semaphore_mem>>)
      %dma_wait3A = arith.constant 0 : i32
      %dma_wait3A_38 = tpu.memref_slice %arg10[%add3A, %dma_wait3A] : memref<32x16xf32, #tpu.memory_space<hbm>> -> memref<1x16xf32, #tpu.memory_space<hbm>>
      %dma_wait3A_39 = tpu.memref_squeeze %dma_wait3A_38 : memref<1x16xf32, #tpu.memory_space<hbm>> -> memref<16xf32, #tpu.memory_space<hbm>>
      %dma_wait3A_40 = arith.constant 0 : i32
      %dma_wait3A_41 = tpu.memref_slice %arg10[%add3A, %dma_wait3A_40] : memref<32x16xf32, #tpu.memory_space<hbm>> -> memref<1x16xf32, #tpu.memory_space<hbm>>
      %dma_wait3A_42 = tpu.memref_squeeze %dma_wait3A_41 : memref<1x16xf32, #tpu.memory_space<hbm>> -> memref<16xf32, #tpu.memory_space<hbm>>
      tpu.wait_dma2 semaphore(%run_scoped3A : memref<!tpu.dma_semaphore, #tpu.memory_space<semaphore_mem>>) src(%arg22 : memref<16xf32, #tpu.memory_space<vmem>>) dst(%dma_wait3A_42 : memref<16xf32, #tpu.memory_space<hbm>>)
      tpu.yield
    }) : () -> ()
    return
  }
}

module attributes {stable_mosaic.version = 14 : i64} {
  func.func @_pad_body(%arg0: i32, %arg1: memref<8x512x88xf32, #tpu.memory_space<vmem>>, %arg2: memref<512x8x128xf32, #tpu.memory_space<vmem>>) attributes {dimension_semantics = [#tpu.dimension_semantics<arbitrary>], iteration_bounds = array<i64: 32>, scalar_prefetch = 0 : i64, scratch_operands = 0 : i64, tpu.core_type = #tpu.core_type<tc>, window_params = [{transform_indices = @transform_0, window_bounds = array<i64: 8, 512, 88>}, {transform_indices = @transform_1, window_bounds = array<i64: 512, 8, 128>}]} {
    %get3A = arith.constant 0 : index
    %get3A_0 = arith.constant 0 : index
    %get3A_1 = arith.constant 0 : index
    %get3A_2 = vector.load %arg1[%get3A, %get3A_0, %get3A_1] : memref<8x512x88xf32, #tpu.memory_space<vmem>>, vector<8x512x88xf32>
    %reshape3A = vector.shape_cast %get3A_2 : vector<8x512x88xf32> to vector<4096x88xf32>
    %reshape3A_3 = vector.shape_cast %reshape3A : vector<4096x88xf32> to vector<512x8x88xf32>
    %broadcast_in_dim3A = arith.constant 0.000000e+00 : f32
    %broadcast_in_dim3A_4 = vector.broadcast %broadcast_in_dim3A : f32 to vector<512x8x40xf32>
    %concatenate3A = tpu.concatenate %reshape3A_3, %broadcast_in_dim3A_4 in 2 : vector<512x8x88xf32>, vector<512x8x40xf32> -> vector<512x8x128xf32>
    %swap3A = arith.constant 0 : index
    %swap3A_5 = arith.constant 0 : index
    %swap3A_6 = arith.constant 0 : index
    %swap3A_7 = vector.load %arg2[%swap3A, %swap3A_5, %swap3A_6] : memref<512x8x128xf32, #tpu.memory_space<vmem>>, vector<512x8x128xf32>
    tpu.vector_store %arg2[%swap3A, %swap3A_5, %swap3A_6], %concatenate3A {strides = array<i32>} : memref<512x8x128xf32, #tpu.memory_space<vmem>>, vector<512x8x128xf32>,
    return
  }
  func.func @transform_0(%arg0: i32) -> (i32, i32, i32) {
    %c0_i32 = arith.constant 0 : i32
    %c0_i32_0 = arith.constant 0 : i32
    %c0_i32_1 = arith.constant 0 : i32
    return %arg0, %c0_i32, %c0_i32_0 : i32, i32, i32
  }
  func.func @transform_1(%arg0: i32) -> (i32, i32, i32) {
    %c0_i32 = arith.constant 0 : i32
    %c0_i32_0 = arith.constant 0 : i32
    %c0_i32_1 = arith.constant 0 : i32
    return %arg0, %c0_i32, %c0_i32_0 : i32, i32, i32
  }
}

module attributes {stable_mosaic.version = 14 : i64} {
  func.func @_prep_body(%arg0: memref<16x16xf32, #tpu.memory_space<vmem>>, %arg1: memref<16x16x16xf32, #tpu.memory_space<vmem>>, %arg2: memref<16x16x88xf32, #tpu.memory_space<vmem>>, %arg3: memref<512x256xi32, #tpu.memory_space<vmem>>, %arg4: memref<512x256xi32, #tpu.memory_space<vmem>>, %arg5: memref<1x256xi32, #tpu.memory_space<vmem>>, %arg6: memref<16x16xf32, #tpu.memory_space<vmem>>, %arg7: memref<16x16x16xf32, #tpu.memory_space<vmem>>, %arg8: memref<256x1xf32, #tpu.memory_space<vmem>>, %arg9: memref<256x96xf32, #tpu.memory_space<vmem>>, %arg10: memref<256x512xi32, #tpu.memory_space<vmem>>, %arg11: memref<256x512xi32, #tpu.memory_space<vmem>>, %arg12: memref<256x512xi32, #tpu.memory_space<vmem>>, %arg13: memref<1x1xf32, #tpu.memory_space<vmem>>) attributes {dimension_semantics = [], scalar_prefetch = 0 : i64, scratch_operands = 0 : i64, tpu.core_type = #tpu.core_type<tc>} {
    %get3A = arith.constant 0 : index
    %get3A_0 = arith.constant 0 : index
    %get3A_1 = vector.load %arg0[%get3A, %get3A_0] : memref<16x16xf32, #tpu.memory_space<vmem>>, vector<16x16xf32>
    %get3A_2 = arith.constant 0 : index
    %get3A_3 = arith.constant 0 : index
    %get3A_4 = arith.constant 0 : index
    %get3A_5 = vector.load %arg1[%get3A_2, %get3A_3, %get3A_4] : memref<16x16x16xf32, #tpu.memory_space<vmem>>, vector<16x16x16xf32>
    %get3A_6 = arith.constant 0 : index
    %get3A_7 = arith.constant 0 : index
    %get3A_8 = arith.constant 0 : index
    %get3A_9 = vector.load %arg2[%get3A_6, %get3A_7, %get3A_8] : memref<16x16x88xf32, #tpu.memory_space<vmem>>, vector<16x16x88xf32>
    %reshape3A = vector.shape_cast %get3A_9 : vector<16x16x88xf32> to vector<256x88xf32>
    %log3A = math.log %get3A_1 : vector<16x16xf32>
    %log3A_10 = math.log %get3A_5 : vector<16x16x16xf32>
    %log3A_11 = math.log %reshape3A : vector<256x88xf32>
    %neg3A = arith.constant 0.000000e+00 : f32
    %neg3A_12 = vector.broadcast %neg3A : f32 to vector<256x88xf32>
    %neg3A_13 = arith.subf %neg3A_12, %reshape3A : vector<256x88xf32>
    %log1p3A = math.log1p %neg3A_13 : vector<256x88xf32>
    %swap3A = arith.constant 0 : index
    %swap3A_14 = arith.constant 0 : index
    %swap3A_15 = vector.load %arg6[%swap3A, %swap3A_14] : memref<16x16xf32, #tpu.memory_space<vmem>>, vector<16x16xf32>
    tpu.vector_store %arg6[%swap3A, %swap3A_14], %log3A {strides = array<i32>} : memref<16x16xf32, #tpu.memory_space<vmem>>, vector<16x16xf32>,
    %swap3A_16 = arith.constant 0 : index
    %swap3A_17 = arith.constant 0 : index
    %swap3A_18 = arith.constant 0 : index
    %swap3A_19 = vector.load %arg7[%swap3A_16, %swap3A_17, %swap3A_18] : memref<16x16x16xf32, #tpu.memory_space<vmem>>, vector<16x16x16xf32>
    tpu.vector_store %arg7[%swap3A_16, %swap3A_17, %swap3A_18], %log3A_10 {strides = array<i32>} : memref<16x16x16xf32, #tpu.memory_space<vmem>>, vector<16x16x16xf32>,
    %sub3A = arith.subf %log3A_11, %log1p3A : vector<256x88xf32>
    %swap3A_20 = arith.constant 0 : index
    %swap3A_21 = arith.constant 0 : index
    %swap3A_22 = vector.load %arg9[%swap3A_20, %swap3A_21] : memref<256x96xf32, #tpu.memory_space<vmem>>, vector<256x88xf32>
    tpu.vector_store %arg9[%swap3A_20, %swap3A_21], %sub3A {strides = array<i32>} : memref<256x96xf32, #tpu.memory_space<vmem>>, vector<256x88xf32>,
    %broadcast_in_dim3A = arith.constant 0.000000e+00 : f32
    %broadcast_in_dim3A_23 = vector.broadcast %broadcast_in_dim3A : f32 to vector<256x8xf32>
    %swap3A_24 = arith.constant 0 : index
    %swap3A_25 = arith.constant 88 : index
    %swap3A_26 = vector.load %arg9[%swap3A_24, %swap3A_25] : memref<256x96xf32, #tpu.memory_space<vmem>>, vector<256x8xf32>
    tpu.vector_store %arg9[%swap3A_24, %swap3A_25], %broadcast_in_dim3A_23 {strides = array<i32>} : memref<256x96xf32, #tpu.memory_space<vmem>>, vector<256x8xf32>,
    %reduce_sum3A = arith.constant dense<0.000000e+00> : vector<256xf32>
    %reduce_sum3A_27 = vector.multi_reduction <add>, %log1p3A, %reduce_sum3A [1] : vector<256x88xf32> to vector<256xf32>
    %broadcast_in_dim3A_28 = vector.shape_cast %reduce_sum3A_27 : vector<256xf32> to vector<256x1xf32>
    %swap3A_29 = arith.constant 0 : index
    %swap3A_30 = arith.constant 0 : index
    %swap3A_31 = vector.load %arg8[%swap3A_29, %swap3A_30] : memref<256x1xf32, #tpu.memory_space<vmem>>, vector<256x1xf32>
    tpu.vector_store %arg8[%swap3A_29, %swap3A_30], %broadcast_in_dim3A_28 {strides = array<i32>} : memref<256x1xf32, #tpu.memory_space<vmem>>, vector<256x1xf32>,
    %get3A_32 = arith.constant 0 : index
    %get3A_33 = arith.constant 0 : index
    %get3A_34 = vector.load %arg3[%get3A_32, %get3A_33] : memref<512x256xi32, #tpu.memory_space<vmem>>, vector<512x256xi32>
    %get3A_35 = arith.constant 0 : index
    %get3A_36 = arith.constant 0 : index
    %get3A_37 = vector.load %arg4[%get3A_35, %get3A_36] : memref<512x256xi32, #tpu.memory_space<vmem>>, vector<512x256xi32>
    %get3A_38 = arith.constant 0 : index
    %get3A_39 = arith.constant 0 : index
    %get3A_40 = vector.load %arg5[%get3A_38, %get3A_39] : memref<1x256xi32, #tpu.memory_space<vmem>>, vector<1x256xi32>
    %iota3A = tpu.iota {dimensions = array<i32: 0>} : vector<512x256xi32>
    %lt3A = vector.broadcast %get3A_40 : vector<1x256xi32> to vector<512x256xi32>
    %lt3A_41 = arith.cmpi slt, %iota3A, %lt3A : vector<512x256xi32>
    %mul3A = arith.constant 16 : i32
    %mul3A_42 = vector.broadcast %mul3A : i32 to vector<512x256xi32>
    %mul3A_43 = arith.muli %get3A_34, %mul3A_42 : vector<512x256xi32>
    %add3A = arith.addi %mul3A_43, %get3A_37 : vector<512x256xi32>
    %broadcast_in_dim3A_44 = arith.constant 0 : i32
    %broadcast_in_dim3A_45 = vector.broadcast %broadcast_in_dim3A_44 : i32 to vector<1x256xi32>
    %slice3A = vector.extract_strided_slice %get3A_34 {offsets = [0, 0], sizes = [511, 256], strides = [1, 1]} : vector<512x256xi32> to vector<511x256xi32>
    %concatenate3A = tpu.concatenate %broadcast_in_dim3A_45, %slice3A in 0 : vector<1x256xi32>, vector<511x256xi32> -> vector<512x256xi32>
    %slice3A_46 = vector.extract_strided_slice %get3A_37 {offsets = [0, 0], sizes = [511, 256], strides = [1, 1]} : vector<512x256xi32> to vector<511x256xi32>
    %concatenate3A_47 = tpu.concatenate %broadcast_in_dim3A_45, %slice3A_46 in 0 : vector<1x256xi32>, vector<511x256xi32> -> vector<512x256xi32>
    %jit3A = arith.constant 256 : i32
    %broadcast_in_dim3A_48 = vector.broadcast %jit3A : i32 to vector<512x256xi32>
    %select_n3A = arith.select %lt3A_41, %add3A, %broadcast_in_dim3A_48 : vector<512x256xi1>, vector<512x256xi32>
    %transpose3A = tpu.transpose %select_n3A, [1, 0] : vector<512x256xi32> -> vector<256x512xi32>
    %swap3A_49 = arith.constant 0 : index
    %swap3A_50 = arith.constant 0 : index
    %swap3A_51 = vector.load %arg10[%swap3A_49, %swap3A_50] : memref<256x512xi32, #tpu.memory_space<vmem>>, vector<256x512xi32>
    tpu.vector_store %arg10[%swap3A_49, %swap3A_50], %transpose3A {strides = array<i32>} : memref<256x512xi32, #tpu.memory_space<vmem>>, vector<256x512xi32>,
    %mul3A_52 = arith.constant 16 : i32
    %mul3A_53 = vector.broadcast %mul3A_52 : i32 to vector<512x256xi32>
    %mul3A_54 = arith.muli %concatenate3A, %mul3A_53 : vector<512x256xi32>
    %add3A_55 = arith.addi %mul3A_54, %get3A_34 : vector<512x256xi32>
    %transpose3A_56 = tpu.transpose %add3A_55, [1, 0] : vector<512x256xi32> -> vector<256x512xi32>
    %swap3A_57 = arith.constant 0 : index
    %swap3A_58 = arith.constant 0 : index
    %swap3A_59 = vector.load %arg11[%swap3A_57, %swap3A_58] : memref<256x512xi32, #tpu.memory_space<vmem>>, vector<256x512xi32>
    tpu.vector_store %arg11[%swap3A_57, %swap3A_58], %transpose3A_56 {strides = array<i32>} : memref<256x512xi32, #tpu.memory_space<vmem>>, vector<256x512xi32>,
    %mul3A_60 = arith.constant 256 : i32
    %mul3A_61 = vector.broadcast %mul3A_60 : i32 to vector<512x256xi32>
    %mul3A_62 = arith.muli %get3A_34, %mul3A_61 : vector<512x256xi32>
    %mul3A_63 = arith.constant 16 : i32
    %mul3A_64 = vector.broadcast %mul3A_63 : i32 to vector<512x256xi32>
    %mul3A_65 = arith.muli %concatenate3A_47, %mul3A_64 : vector<512x256xi32>
    %add3A_66 = arith.addi %mul3A_62, %mul3A_65 : vector<512x256xi32>
    %add3A_67 = arith.addi %add3A_66, %get3A_37 : vector<512x256xi32>
    %transpose3A_68 = tpu.transpose %add3A_67, [1, 0] : vector<512x256xi32> -> vector<256x512xi32>
    %swap3A_69 = arith.constant 0 : index
    %swap3A_70 = arith.constant 0 : index
    %swap3A_71 = vector.load %arg12[%swap3A_69, %swap3A_70] : memref<256x512xi32, #tpu.memory_space<vmem>>, vector<256x512xi32>
    tpu.vector_store %arg12[%swap3A_69, %swap3A_70], %transpose3A_68 {strides = array<i32>} : memref<256x512xi32, #tpu.memory_space<vmem>>, vector<256x512xi32>,
    %iota3A_72 = tpu.iota {dimensions = array<i32: 0>} : vector<16x16xi32>
    %iota3A_73 = tpu.iota {dimensions = array<i32: 1>} : vector<16x16xi32>
    %ne3A = arith.cmpi ne, %iota3A_72, %iota3A_73 : vector<16x16xi32>
    %jit3A_74 = arith.constant 0.000000e+00 : f32
    %broadcast_in_dim3A_75 = vector.broadcast %jit3A_74 : f32 to vector<16x16xf32>
    %select_n3A_76 = arith.select %ne3A, %log3A, %broadcast_in_dim3A_75 : vector<16x16xi1>, vector<16x16xf32>
    %reduce_sum3A_77 = vector.shape_cast %select_n3A_76 : vector<16x16xf32> to vector<1x16x16xf32>
    %reduce_sum3A_78 = arith.constant dense<0.000000e+00> : vector<1xf32>
    %reduce_sum3A_79 = vector.multi_reduction <add>, %reduce_sum3A_77, %reduce_sum3A_78 [1, 2] : vector<1x16x16xf32> to vector<1xf32>
    %reduce_sum3A_80 = vector.shape_cast %reduce_sum3A_79 : vector<1xf32> to vector<1x1x1xf32>
    %reduce_sum3A_81 = vector.extract %reduce_sum3A_80[0, 0, 0] : f32 from vector<1x1x1xf32>
    %mul3A_82 = arith.constant -0.899999976 : f32
    %mul3A_83 = arith.mulf %mul3A_82, %reduce_sum3A_81 : f32
    %broadcast_in_dim3A_84 = vector.shape_cast %ne3A : vector<16x16xi1> to vector<1x16x16xi1>
    %jit3A_85 = arith.constant 0.000000e+00 : f32
    %broadcast_in_dim3A_86 = vector.shape_cast %broadcast_in_dim3A_84 : vector<1x16x16xi1> to vector<1x16x16xi1>
    %broadcast_in_dim3A_87 = vector.broadcast %broadcast_in_dim3A_86 : vector<1x16x16xi1> to vector<16x16x16xi1>
    %broadcast_in_dim3A_88 = vector.broadcast %jit3A_85 : f32 to vector<16x16x16xf32>
    %select_n3A_89 = arith.select %broadcast_in_dim3A_87, %log3A_10, %broadcast_in_dim3A_88 : vector<16x16x16xi1>, vector<16x16x16xf32>
    %reduce_sum3A_90 = vector.shape_cast %select_n3A_89 : vector<16x16x16xf32> to vector<1x16x16x16xf32>
    %reduce_sum3A_91 = arith.constant dense<0.000000e+00> : vector<1xf32>
    %reduce_sum3A_92 = vector.multi_reduction <add>, %reduce_sum3A_90, %reduce_sum3A_91 [1, 2, 3] : vector<1x16x16x16xf32> to vector<1xf32>
    %reduce_sum3A_93 = vector.shape_cast %reduce_sum3A_92 : vector<1xf32> to vector<1x1x1x1xf32>
    %reduce_sum3A_94 = vector.extract %reduce_sum3A_93[0, 0, 0, 0] : f32 from vector<1x1x1x1xf32>
    %mul3A_95 = arith.constant 0.899999976 : f32
    %mul3A_96 = arith.mulf %mul3A_95, %reduce_sum3A_94 : f32
    %sub3A_97 = arith.subf %mul3A_83, %mul3A_96 : f32
    %mul3A_98 = arith.constant -0.899999976 : f32
    %mul3A_99 = vector.broadcast %mul3A_98 : f32 to vector<256x88xf32>
    %mul3A_100 = arith.mulf %mul3A_99, %log3A_11 : vector<256x88xf32>
    %mul3A_101 = arith.constant 1.000000e-01 : f32
    %mul3A_102 = vector.broadcast %mul3A_101 : f32 to vector<256x88xf32>
    %mul3A_103 = arith.mulf %mul3A_102, %log1p3A : vector<256x88xf32>
    %sub3A_104 = arith.subf %mul3A_100, %mul3A_103 : vector<256x88xf32>
    %reduce_sum3A_105 = vector.shape_cast %sub3A_104 : vector<256x88xf32> to vector<1x256x88xf32>
    %reduce_sum3A_106 = arith.constant dense<0.000000e+00> : vector<1xf32>
    %reduce_sum3A_107 = vector.multi_reduction <add>, %reduce_sum3A_105, %reduce_sum3A_106 [1, 2] : vector<1x256x88xf32> to vector<1xf32>
    %reduce_sum3A_108 = vector.shape_cast %reduce_sum3A_107 : vector<1xf32> to vector<1x1x1xf32>
    %reduce_sum3A_109 = vector.extract %reduce_sum3A_108[0, 0, 0] : f32 from vector<1x1x1xf32>
    %add3A_110 = arith.addf %sub3A_97, %reduce_sum3A_109 : f32
    %add3A_111 = arith.constant -61358.0703 : f32
    %add3A_112 = arith.addf %add3A_110, %add3A_111 : f32
    %reshape3A_113 = vector.broadcast %add3A_112 : f32 to vector<1x1xf32>
    %swap3A_114 = arith.constant 0 : index
    %swap3A_115 = arith.constant 0 : index
    %swap3A_116 = vector.load %arg13[%swap3A_114, %swap3A_115] : memref<1x1xf32, #tpu.memory_space<vmem>>, vector<1x1xf32>
    tpu.vector_store %arg13[%swap3A_114, %swap3A_115], %reshape3A_113 {strides = array<i32>} : memref<1x1xf32, #tpu.memory_space<vmem>>, vector<1x1xf32>,
    return
  }
}

module attributes {stable_mosaic.version = 14 : i64} {
  func.func @_combine_body(%arg0: memref<32x16xf32, #tpu.memory_space<vmem>>, %arg1: memref<272x88xf32, #tpu.memory_space<vmem>>, %arg2: memref<256x96xf32, #tpu.memory_space<vmem>>, %arg3: memref<1x1xf32, #tpu.memory_space<vmem>>, %arg4: memref<1x1xf32, #tpu.memory_space<vmem>>, %arg5: memref<1x1xf32, #tpu.memory_space<vmem>>) attributes {dimension_semantics = [], scalar_prefetch = 0 : i64, scratch_operands = 0 : i64, tpu.core_type = #tpu.core_type<tc>} {
    %get3A = arith.constant 0 : index
    %get3A_0 = arith.constant 0 : index
    %get3A_1 = vector.load %arg0[%get3A, %get3A_0] : memref<32x16xf32, #tpu.memory_space<vmem>>, vector<32x16xf32>
    %reduce_sum3A = vector.shape_cast %get3A_1 : vector<32x16xf32> to vector<1x32x16xf32>
    %reduce_sum3A_2 = arith.constant dense<0.000000e+00> : vector<1xf32>
    %reduce_sum3A_3 = vector.multi_reduction <add>, %reduce_sum3A, %reduce_sum3A_2 [1, 2] : vector<1x32x16xf32> to vector<1xf32>
    %reduce_sum3A_4 = vector.shape_cast %reduce_sum3A_3 : vector<1xf32> to vector<1x1x1xf32>
    %reduce_sum3A_5 = vector.extract %reduce_sum3A_4[0, 0, 0] : f32 from vector<1x1x1xf32>
    %get3A_6 = arith.constant 0 : index
    %get3A_7 = arith.constant 0 : index
    %get3A_8 = vector.load %arg1[%get3A_6, %get3A_7] : memref<272x88xf32, #tpu.memory_space<vmem>>, vector<256x88xf32>
    %get3A_9 = arith.constant 0 : index
    %get3A_10 = arith.constant 0 : index
    %get3A_11 = vector.load %arg2[%get3A_9, %get3A_10] : memref<256x96xf32, #tpu.memory_space<vmem>>, vector<256x88xf32>
    %mul3A = arith.mulf %get3A_8, %get3A_11 : vector<256x88xf32>
    %reduce_sum3A_12 = vector.shape_cast %mul3A : vector<256x88xf32> to vector<1x256x88xf32>
    %reduce_sum3A_13 = arith.constant dense<0.000000e+00> : vector<1xf32>
    %reduce_sum3A_14 = vector.multi_reduction <add>, %reduce_sum3A_12, %reduce_sum3A_13 [1, 2] : vector<1x256x88xf32> to vector<1xf32>
    %reduce_sum3A_15 = vector.shape_cast %reduce_sum3A_14 : vector<1xf32> to vector<1x1x1xf32>
    %reduce_sum3A_16 = vector.extract %reduce_sum3A_15[0, 0, 0] : f32 from vector<1x1x1xf32>
    %add3A = arith.addf %reduce_sum3A_5, %reduce_sum3A_16 : f32
    %get3A_17 = arith.constant 0 : index
    %get3A_18 = arith.constant 0 : index
    %get3A_19 = vector.load %arg3[%get3A_17, %get3A_18] : memref<1x1xf32, #tpu.memory_space<vmem>>, vector<1x1xf32>
    %get3A_20 = vector.extract %get3A_19[0, 0] : f32 from vector<1x1xf32>
    %add3A_21 = arith.addf %add3A, %get3A_20 : f32
    %get3A_22 = arith.constant 0 : index
    %get3A_23 = arith.constant 0 : index
    %get3A_24 = vector.load %arg4[%get3A_22, %get3A_23] : memref<1x1xf32, #tpu.memory_space<vmem>>, vector<1x1xf32>
    %get3A_25 = vector.extract %get3A_24[0, 0] : f32 from vector<1x1xf32>
    %add3A_26 = arith.addf %add3A_21, %get3A_25 : f32
    %sub3A = arith.constant 2.560000e+02 : f32
    %sub3A_27 = arith.subf %add3A_26, %sub3A : f32
    %reshape3A = vector.broadcast %sub3A_27 : f32 to vector<1x1xf32>
    %swap3A = arith.constant 0 : index
    %swap3A_28 = arith.constant 0 : index
    %swap3A_29 = vector.load %arg5[%swap3A, %swap3A_28] : memref<1x1xf32, #tpu.memory_space<vmem>>, vector<1x1xf32>
    tpu.vector_store %arg5[%swap3A, %swap3A_28], %reshape3A {strides = array<i32>} : memref<1x1xf32, #tpu.memory_space<vmem>>, vector<1x1xf32>,
    return
  }
}

module attributes {stable_mosaic.version = 14 : i64} {
  func.func @_emit_mm_body(%arg0: i32, %arg1: memref<512x8x128xf32, #tpu.memory_space<vmem>>, %arg2: memref<4096xi32, #tpu.memory_space<vmem>>, %arg3: memref<272x88xf32, #tpu.memory_space<vmem>>) attributes {dimension_semantics = [#tpu.dimension_semantics<arbitrary>], iteration_bounds = array<i64: 20>, scalar_prefetch = 0 : i64, scratch_operands = 0 : i64, tpu.core_type = #tpu.core_type<tc>, window_params = [{transform_indices = @transform_0, window_bounds = array<i64: 512, 8, 128>}, {transform_indices = @transform_1, window_bounds = array<i64: 4096>}, {pipeline_mode = #tpu.pipeline_mode<synchronous>, transform_indices = @transform_2, window_bounds = array<i64: 272, 88>}]} {
    %get3A = arith.constant 0 : index
    %get3A_0 = arith.constant 0 : index
    %get3A_1 = arith.constant 0 : index
    %get3A_2 = vector.load %arg1[%get3A, %get3A_0, %get3A_1] : memref<512x8x128xf32, #tpu.memory_space<vmem>>, vector<512x8x128xf32>
    %reshape3A = vector.shape_cast %get3A_2 : vector<512x8x128xf32> to vector<4096x128xf32>
    %slice3A = vector.extract_strided_slice %reshape3A {offsets = [0, 0], sizes = [4096, 88], strides = [1, 1]} : vector<4096x128xf32> to vector<4096x88xf32>
    %convert_element_type3A = arith.truncf %slice3A : vector<4096x88xf32> to vector<4096x88xbf16>
    %get3A_3 = arith.constant 0 : index
    %get3A_4 = vector.load %arg2[%get3A_3] : memref<4096xi32, #tpu.memory_space<vmem>>, vector<4096xi32>
    %iota3A = tpu.iota {dimensions = array<i32: 1>} : vector<4096x272xi32>
    %broadcast_in_dim3A = vector.shape_cast %get3A_4 : vector<4096xi32> to vector<4096x1xi32>
    %eq3A = vector.broadcast %broadcast_in_dim3A : vector<4096x1xi32> to vector<4096x272xi32>
    %eq3A_5 = arith.cmpi eq, %iota3A, %eq3A : vector<4096x272xi32>
    %jit3A = arith.constant 1.000000e+00 : f32
    %jit3A_6 = arith.constant 0.000000e+00 : f32
    %broadcast_in_dim3A_7 = vector.broadcast %jit3A : f32 to vector<4096x272xf32>
    %broadcast_in_dim3A_8 = vector.broadcast %jit3A_6 : f32 to vector<4096x272xf32>
    %select_n3A = arith.select %eq3A_5, %broadcast_in_dim3A_7, %broadcast_in_dim3A_8 : vector<4096x272xi1>, vector<4096x272xf32>
    %convert_element_type3A_9 = arith.truncf %select_n3A : vector<4096x272xf32> to vector<4096x272xbf16>
    %dot_general3A = arith.constant dense<0.000000e+00> : vector<272x88xf32>
    %dot_general3A_10 = tpu.matmul %convert_element_type3A_9, %convert_element_type3A, %dot_general3A {dimension_numbers = #tpu.dot_dimension_numbers<[0], [0], [1], [1], [0, 1, 1, 1], [], []>, transpose_lhs_hint = false} : vector<4096x272xbf16>, vector<4096x88xbf16>, vector<272x88xf32> -> vector<272x88xf32>
    %eq3A_11 = arith.constant 0 : i32
    %eq3A_12 = arith.cmpi eq, %arg0, %eq3A_11 : i32
    %convert_element_type3A_13 = arith.extui %eq3A_12 : i1 to i32
    %cond3A = arith.constant 0 : i32
    %cond3A_14 = arith.cmpi ne, %convert_element_type3A_13, %cond3A : i32
    scf.if %cond3A_14 {
      %broadcast_in_dim3A_20 = arith.constant 0.000000e+00 : f32
      %broadcast_in_dim3A_21 = vector.broadcast %broadcast_in_dim3A_20 : f32 to vector<272x88xf32>
      %swap3A_22 = arith.constant 0 : index
      %swap3A_23 = arith.constant 0 : index
      %swap3A_24 = vector.load %arg3[%swap3A_22, %swap3A_23] : memref<272x88xf32, #tpu.memory_space<vmem>>, vector<272x88xf32>
      tpu.vector_store %arg3[%swap3A_22, %swap3A_23], %broadcast_in_dim3A_21 {strides = array<i32>} : memref<272x88xf32, #tpu.memory_space<vmem>>, vector<272x88xf32>,
    } else {
    }
    %get3A_15 = arith.constant 0 : index
    %get3A_16 = arith.constant 0 : index
    %get3A_17 = vector.load %arg3[%get3A_15, %get3A_16] : memref<272x88xf32, #tpu.memory_space<vmem>>, vector<272x88xf32>
    %add3A = arith.addf %get3A_17, %dot_general3A_10 : vector<272x88xf32>
    %swap3A = arith.constant 0 : index
    %swap3A_18 = arith.constant 0 : index
    %swap3A_19 = vector.load %arg3[%swap3A, %swap3A_18] : memref<272x88xf32, #tpu.memory_space<vmem>>, vector<272x88xf32>
    tpu.vector_store %arg3[%swap3A, %swap3A_18], %add3A {strides = array<i32>} : memref<272x88xf32, #tpu.memory_space<vmem>>, vector<272x88xf32>,
    return
  }
  func.func @transform_0(%arg0: i32) -> (i32, i32, i32) {
    %add3A = arith.constant 12 : i32
    %add3A_0 = arith.addi %add3A, %arg0 : i32
    %c0_i32 = arith.constant 0 : i32
    %c0_i32_1 = arith.constant 0 : i32
    %c0_i32_2 = arith.constant 0 : i32
    return %add3A_0, %c0_i32, %c0_i32_1 : i32, i32, i32
  }
  func.func @transform_1(%arg0: i32) -> i32 {
    %add3A = arith.constant 12 : i32
    %add3A_0 = arith.addi %add3A, %arg0 : i32
    %c0_i32 = arith.constant 0 : i32
    return %add3A_0 : i32
  }
  func.func @transform_2(%arg0: i32) -> (i32, i32) {
    %c0_i32 = arith.constant 0 : i32
    %c0_i32_0 = arith.constant 0 : i32
    %c0_i32_1 = arith.constant 0 : i32
    return %c0_i32, %c0_i32_0 : i32, i32
  }
}

</mosaic_0001>

<sc_bundles>
// kernel: kernel.7.cloned.1.call-start
scs
__scs_entry_jumppad:
0x0: {  	(pc) =	sbr.rel $0x88, $3  }
0x1: {  	(tag) =	ssettag $0x0;
	lr =	simm.s32 $0x1  }
0x2: {  	[smem:$0x3F99] =	sst lr;
	_ =	strace $0xD0000000  }
0x3: {  	_ = 	snop  }
0x4: {  	_ = 	snop  }
0x5: {  	_ = 	snop  }
0x6: {  	_ = 	snop  }
0x7: {  	_ = 	snop  }
__scs_overlays_trampoline_lowered:
0x8: {  	[smem:$0x3FA8] =	sst s0  }
0x9: {  	[smem:$0x3FA9] =	sst s1  }
0xa: {  	[smem:$0x3FAA] =	sst s2  }
0xb: {  	[smem:$0x3FAB] =	sst s3  }
0xc: {  	[smem:$0x3FAC] =	sst s4  }
0xd: {  	[smem:$0x3FAD] =	sst s5  }
0xe: {  	[smem:$0x3FAE] =	sst s6  }
0xf: {  	[smem:$0x3FAF] =	sst s7  }
0x10: {  	[smem:$0x3FB0] =	sst s8  }
0x11: {  	[smem:$0x3FB1] =	sst s9;
	s0 =	simm.s32 @!p0 $0x0  }
0x12: {  	s1 =	sld [smem:$0x3F97];
	s0 =	simm.s32 @p0 $0x1  }
0x13: {  	[smem:$0x3FB2] =	sst s0;
	s0 =	simm.s32 @!p1 $0x0  }
0x14: {  	s2 =	sld [smem:$0x3F96];
	s0 =	simm.s32 @p1 $0x1  }
0x15: {  	[smem:$0x3FB3] =	sst s0;
	s0 =	simm.s32 @!p2 $0x0  }
0x16: {  	s3 =	sld [smem:$0x3FDB];
	s0 =	simm.s32 @p2 $0x1  }
0x17: {  	s4 =	simm.s32 $0x1BF5;
	[smem:$0x3FB5] =	sst s0  }
0x18: {  	s0 =	sld [smem:$0x3F98];
	_ =	swait.ge [sflag:s4], $0x0  }
0x19: {  	s7 =	sld [smem:$0x3F99]  }
0x1a: {  	s8 =	sadd.s32 $0xFFFFE003, lr  }
0x1b: {  	s9 =	sadd.s32 $0xFFFFFEF7, lr;
	s5 =	simm.s32 $0xFFFFFFFF;
	p2 =	slt.u32 s8, $0xFFFFF086  }
0x1c: {  	p1 =	slt.u32 s9, $0xF7A;
	s5 =	simm.s32 @!p2 $0x0  }
0x1d: {  	s5 =	simm.s32 @p1 $0x1;
	p0 =	seq.s32 s7, s2  }
0x1e: {  	s7 =	smul.u32 @!p0 $0xF7A, s2;
	p2 =	seq.s32 @!p0 s5, $0x0  }
0x1f: {  	s9 =	smul.u32 $0xF7A, s1;
	s8 =	simm.s32 @!p0 $0x1BF5;
	p2 =	por !p2, p0  }
0x20: {  	[sflag:s8] =	ssyncset.s32 @!p0 $0xFFFFF086;
	s6 =	sadd.s32 @!p0 s3, s7;
	s7 =	simm.s32 @!p0 $0x108  }
0x21: {  	s3 =	sadd.s32 s3, s9;
	s6 =	sadd.s32 @!p0 $0x88, s6;
	s7 =	simm.s32 @p2 $0x1082  }
0x22: {  	[simem:s7], [sflag:s8] =	dma.local @!p0 [hbm:s6], $0xF7A  }
0x23: {  	s9 =	sor.u32 $0xD0000000, s2;
	s6 =	simm.s32 $0x108;
	_ =	swait.ge @!p0 [sflag:s8], $0x0  }
0x24: {  	s3 =	sadd.s32 $0x88, s3;
	s6 =	simm.s32 @!p1 $0x1082;
	[sflag:s4] =	ssyncset.s32 $0xFFFFF086  }
0x25: {  	[simem:s6], [sflag:s4] =	dma.local [hbm:s3], $0xF7A  }
0x26: {  	[smem:$0x3F99] =	sst s1;
	(tag) =	ssettag s2;
	_ =	strace s9  }
0x27: {  	s1 =	sld [smem:$0x3FA9]  }
0x28: {  	s2 =	sld [smem:$0x3FAA]  }
0x29: {  	s4 =	sld [smem:$0x3FAC]  }
0x2a: {  	p0 =	seq.s32 s5, $0x0;
	s5 =	sld [smem:$0x3FAD]  }
0x2b: {  	s6 =	sld [smem:$0x3FAE]  }
0x2c: {  	s7 =	sld [smem:$0x3FAF]  }
0x2d: {  	s3 =	simm.s32 $0x108;
	s8 =	sld [smem:$0x3FB0]  }
0x2e: {  	s3 =	simm.s32 @!p0 $0x1082;
	s9 =	sld [smem:$0x3FB1]  }
0x2f: {  	lr =	sadd.s32 s0, s3;
	s0 =	sld [smem:$0x3FA8]  }
0x30: {  	s3 =	sld [smem:$0x3FAB]  }
0x31: {  	[smem:$0x3FB4] =	sst s10  }
0x32: {  	s10 =	sld [smem:$0x3FB2];
	_ =	sdelay $0x3  }
0x33: {  	p0 =	seq.s32 s10, $0x1;
	s10 =	sld [smem:$0x3FB4];
	_ =	sdelay $0x3  }
0x34: {  	[smem:$0x3FB4] =	sst s10  }
0x35: {  	s10 =	sld [smem:$0x3FB3];
	_ =	sdelay $0x3  }
0x36: {  	p1 =	seq.s32 s10, $0x1;
	s10 =	sld [smem:$0x3FB4];
	_ =	sdelay $0x3  }
0x37: {  	[smem:$0x3FB4] =	sst s10  }
0x38: {  	s10 =	sld [smem:$0x3FB5]  }
0x39: {  	_ = 	snop;
	(pc) =	sbr.ind lr, $3  }
0x3a: {  	_ = 	snop  }
0x3b: {  	_ = 	snop  }
0x3c: {  	p2 =	seq.s32 s10, $0x1;
	s10 =	sld [smem:$0x3FB4]  }
0x3d: {  	_ =	shalt  }
0x3e: {  	_ =	shalt  }
0x3f: {  	_ =	shalt  }
0x40: {  	_ =	shalt  }
0x41: {  	_ =	shalt  }
0x42: {  	_ =	shalt  }
0x43: {  	_ =	shalt  }
0x44: {  	_ =	shalt  }
0x45: {  	_ =	shalt  }
0x46: {  	_ =	shalt  }
0x47: {  	_ =	shalt  }
0x48: {  	_ =	shalt  }
0x49: {  	_ =	shalt  }
0x4a: {  	_ =	shalt  }
0x4b: {  	_ =	shalt  }
0x4c: {  	_ =	shalt  }
0x4d: {  	_ =	shalt  }
0x4e: {  	_ =	shalt  }
0x4f: {  	_ =	shalt  }
0x50: {  	_ =	shalt  }
0x51: {  	_ =	shalt  }
0x52: {  	_ =	shalt  }
0x53: {  	_ =	shalt  }
0x54: {  	_ =	shalt  }
0x55: {  	_ =	shalt  }
0x56: {  	_ =	shalt  }
0x57: {  	_ =	shalt  }
0x58: {  	_ =	shalt  }
0x59: {  	_ =	shalt  }
0x5a: {  	_ =	shalt  }
0x5b: {  	_ =	shalt  }
0x5c: {  	_ =	shalt  }
0x5d: {  	_ =	shalt  }
0x5e: {  	_ =	shalt  }
0x5f: {  	_ =	shalt  }
0x60: {  	_ =	shalt  }
0x61: {  	_ =	shalt  }
0x62: {  	_ =	shalt  }
0x63: {  	_ =	shalt  }
0x64: {  	_ =	shalt  }
0x65: {  	_ =	shalt  }
0x66: {  	_ =	shalt  }
0x67: {  	_ =	shalt  }
0x68: {  	_ =	shalt  }
0x69: {  	_ =	shalt  }
0x6a: {  	_ =	shalt  }
0x6b: {  	_ =	shalt  }
0x6c: {  	_ =	shalt  }
0x6d: {  	_ =	shalt  }
0x6e: {  	_ =	shalt  }
0x6f: {  	_ =	shalt  }
0x70: {  	_ =	shalt  }
0x71: {  	_ =	shalt  }
0x72: {  	_ =	shalt  }
0x73: {  	_ =	shalt  }
0x74: {  	_ =	shalt  }
0x75: {  	_ =	shalt  }
0x76: {  	_ =	shalt  }
0x77: {  	_ =	shalt  }
0x78: {  	_ =	shalt  }
0x79: {  	_ =	shalt  }
0x7a: {  	_ =	shalt  }
0x7b: {  	_ =	shalt  }
0x7c: {  	_ =	shalt  }
0x7d: {  	_ =	shalt  }
0x7e: {  	_ =	shalt  }
0x7f: {  	_ =	shalt  }
0x80: {  	_ =	shalt  }
0x81: {  	_ =	shalt  }
0x82: {  	_ =	shalt  }
0x83: {  	_ =	shalt  }
0x84: {  	_ =	shalt  }
0x85: {  	_ =	shalt  }
0x86: {  	_ =	shalt  }
0x87: {  	_ =	shalt  }
.Lfunc_end0:
.L_simem_size_0:
called_computation_lowered:
.L_overlay_start_0:
0x88: {  	s2 =	sld [smem:$0x3FD9]  }
0x89: {  	s3 =	sld [smem:$0x3FFE];
	_ =	sdelay $0x1  }
0x8a: {  	s1 =	srdreg.scid  }
0x8b: {  	s0 =	sand.u32 $0x1, s1  }
0x8c: {  	s16 =	sshll.u32 s0, $0xA;
	s2 =	sadd.s32 s3, s2  }
0x8d: {  	s2 =	sadd.s32 s2, s16  }
0x8e: {  	[smem:$0x3FC0] =	sst s2  }
0x8f: {  	_ = 	snop  }
0x90: {  	(tm) =	ssettm $0x1  }
0x91: {  	s17 =	sld [smem:$0x3FFB];
	_ =	sdelay $0x3  }
0x92: {  	_ =	strace s17  }
0x93: {  	s2 =	sld [smem:$0x3FFC];
	_ =	sdelay $0x3  }
0x94: {  	_ =	strace s2  }
0x95: {  	s2 =	sld [smem:$0x3FFD];
	_ =	sdelay $0x3  }
0x96: {  	_ =	strace s2  }
0x97: {  	_ =	strace $0x8FFFFFFF  }
0x98: {  	s18 =	sld [smem:$0x3FDB];
	_ =	sdelay $0x1  }
0x99: {  	s19 =	simm.s32 $_scs_section_size  }
0x9a: {  	s4 =	simm.s32 $_size__tile_overlayer_lowered;
	s5 =	simm.s32 $_tile_overlayer_lowered  }
0x9b: {  	s22 =	simm.s32 $0x1BFF;
	s21 =	sshll.u32 s5, $0x1;
	s2 =	sadd.s32 s19, s18  }
0x9c: {  	s6 =	simm.s32 $0x0;
	s20 =	sshll.u32 s4, $0x1;
	s4 =	sadd.s32 s21, s2  }
0x9d: {  	[timem:s6], [sflag:s22] =	dma.local [hbm:s4], s20  }
0x9e: {  	_ =	swait.ge [sflag:s22], s20  }
0x9f: {  	s3 =	ssub.s32 $0x0, s20;
	[sflag:s22] =	ssyncset.done $0x0  }
0xa0: {  	[sflag:s22] =	ssyncadd.s32 s3;
	_ =	sdelay $0x1  }
0xa1: {  	s23 =	simm.s32 $0x1B8B  }
0xa2: {  	_ =	swait.ge [sflag:s23], $0x1  }
0xa3: {  	[sflag:s23] =	ssyncset.done $0x0  }
0xa4: {  	s25 =	simm.s32 $0x1B8E;
	s24 =	sld [smem:$0x3FFE];
	[sflag:s23] =	ssyncadd.s32 $0xFFFFFFFF  }
0xa5: {  	s26 =	simm.s32 $execute0_lowered;
	[smem:$0x3FD2] =	sst s25  }
0xa6: {  	s4 =	sshll.u32 s26, $0x1;
	_ =	strace $0x80000046;
	[dreg:$0x1] =	wrdreg $0xFFFFFFFF  }
0xa7: {  	s28 =	simm.s32 $_size_execute0_lowered;
	s2 =	sadd.s32 s2, s4;
	[dreg:$0x0] =	wrdreg $0x0  }
0xa8: {  	s4 =	sshll.u32 s28, $0x1;
	[dreg:$0x2] =	wrdreg s2  }
0xa9: {  	[dreg:$0x3] =	wrdreg s4  }
0xaa: {  	[dreg:$0x4] =	wrdreg $0xC0  }
0xab: {  	_ =	task [dreg:s6], $0x5FFFF  }
0xac: {  	[dreg:$0x1] =	wrdreg $0xFFFFFFFF  }
0xad: {  	[dreg:$0x0] =	wrdreg $0x60  }
0xae: {  	[dreg:$0x2] =	wrdreg s24  }
0xaf: {  	[dreg:$0x3] =	wrdreg $0x9  }
0xb0: {  	_ =	task.clear_ibuf [dreg:s6], $0x4FFFF;
	_ =	strace $0x90000046  }
0xb1: {  	s29 =	simm.s32 $0x9;
	_ =	strace $0x80000048  }
0xb2: {  	_ =	swait.ge [sflag:s29], $0x1  }
0xb3: {  	[sflag:s29] =	ssyncadd.s32 $0xFFFFFFFF  }
0xb4: {  	_ =	strace $0x90000048  }
0xb5: {  	_ =	sfence  }
0xb6: {  	s30 =	sld [smem:$0x0];
	_ =	sdelay $0x2  }
0xb7: {  	s31 =	sshll.u32 s1, $0xD;
	s1 =	sshrl.u32 s1, $0x2  }
0xb8: {  	s3 =	sand.u32 $0x4000, s31;
	s1 =	sadd.s32 s1, s30  }
0xb9: {  	s0 =	sor.u32 s3, s0;
	s1 =	sshll.u32 s1, $0x11  }
0xba: {  	s0 =	sor.u32 s1, s0  }
0xbb: {  	s0 =	sadd.s32 $0x8F2B, s0  }
0xbc: {  	[sflag:s0] =	ssyncadd.remote.s32 $0x1  }
0xbd: {  	_ =	sfence.sel $0xFFFF  }
0xbe: {  	[dreg:$0x0] =	wrdreg $0xFFFFFFFF;
	(pc) =	sbr.abs _section_cstart, $3  }
0xbf: {  	[dreg:$0x1] =	wrdreg $0xFFFFFFFF  }
0xc0: {  	_ =	task.clear_ibuf [dreg:s6], $0x2FFFF;
	_ =	strace $0x9FFFFFFF  }
0xc1: {  	(tm) =	ssettm $0x7FFFFFFF  }
tec
execute0_lowered:
.L_overlay_start_1:
0x0: {  	(tag) =	ssettag $0x1  }
0x1: {  	s0 =	rddreg [dreg:$0x0];
	s2 =	simm.s32 $0x0;
	s1 =	srdreg.scid  }
0x2: {  	s3 =	stileid.u32;
	s18 =	simm.s32 $0x3;
	s22 =	simm.s32 $0x3600  }
0x3: {  	s23 =	simm.s32 $0x3700;
	s24 =	simm.s32 $0x4700;
	s26 =	simm.s32 $0x14880  }
0x4: {  	s28 =	simm.s32 $0x1;
	s29 =	simm.s32 $0x2;
	s30 =	simm.s32 $0x18880  }
0x5: {  	s31 =	simm.s32 $0x0;
	[smem:$0x7FF] =	sst s2;
	s1 =	sand.u32 $0x1, s1  }
0x6: {  	s3 =	sshll.u32 s3, $0x1;
	s11 =	sadd.s32 $0x1400, s0;
	s4 =	sadd.s32 $0xD400, s0  }
0x7: {  	s5 =	sadd.s32 $0xD600, s0;
	s6 =	sadd.s32 $0xE400, s0;
	s8 =	sadd.s32 $0xD800, s0  }
0x8: {  	_ =	strace $0x80000047;
	s9 =	sor.u32 s1, s3;
	s3 =	sadd.s32 $0x201200, s0  }
0x9: {  	s1 =	ssub.s32 $0x2, s1;
	s10 =	sshll.u32 s9, $0x9;
	s7 =	smul.u32 $0x30000, s9  }
0xa: {  	s12 =	sshll.u32 s9, $0x4;
	s14 =	sshrl.u32 s1, $0x1;
	s16 =	smul.u32 $0xC0, s9  }
0xb: {  	s13 =	sadd.s32 s10, s0;
	s17 =	sadd.s32 s12, s0;
	s1 =	ssub.s32 s1, s14  }
0xc: {  	s10 =	sadd.s32 s11, s10;
	s14 =	sadd.s32 $0x201A00, s0;
	s15 =	sshrl.u32 s7, $0x3  }
0xd: {  	s11 =	sadd.s32 s11, s16;
	s12 =	sadd.s32 $0x5400, s13;
	s13 =	sadd.s32 $0x9400, s13  }
0xe: {  	s16 =	smax.u32 s1, $0x1;
	s9 =	sadd.s32 s3, s15;
	s15 =	sadd.s32 $0xE600, s17  }
.LBB2_1:
0xf: {  	s0 =	simm.s32 $0x10880  }
0x10: {  	[tilespmem:s0], [sflag:$0x1] =	stream.linear.gather [hbm4b:s9+s2], $0x4000, $0x38;
	[tilespmem:$0x18900] =	vst v63  }
0x11: {  	_ = 	snop  }
0x12: {  	[tilespmem:s2], [sflag:$0x3] =	stream.linear.gather [hbm4b:s10+s2], $0x1000, $0x38;
	[tilespmem:$0x18900] =	vst v63  }
0x13: {  	_ =	swait.ge [sflag:s18], $0x1000  }
0x14: {  	[sflag:s18] =	ssyncset.done $0x0  }
0x15: {  	s19 =	simm.s32 $0x1000;
	[sflag:s18] =	ssyncadd.s32 $0xFFFFF000  }
0x16: {  	[tilespmem:s19], [sflag:$0x3] =	stream.linear.gather [hbm4b:s11+s2], $0x600, $0x38;
	[tilespmem:$0x18900] =	vst v63  }
0x17: {  	_ =	swait.ge [sflag:s18], $0x600  }
0x18: {  	[sflag:s18] =	ssyncset.done $0x0  }
0x19: {  	s20 =	simm.s32 $0x1600;
	[sflag:s18] =	ssyncadd.s32 $0xFFFFFA00  }
0x1a: {  	[tilespmem:s20], [sflag:$0x3] =	stream.linear.gather [hbm4b:s12+s2], $0x1000, $0x38;
	[tilespmem:$0x18900] =	vst v63  }
0x1b: {  	_ =	swait.ge [sflag:s18], $0x1000  }
0x1c: {  	[sflag:s18] =	ssyncset.done $0x0  }
0x1d: {  	s21 =	simm.s32 $0x2600;
	[sflag:s18] =	ssyncadd.s32 $0xFFFFF000  }
0x1e: {  	[tilespmem:s21], [sflag:$0x3] =	stream.linear.gather [hbm4b:s13+s2], $0x1000, $0x38;
	[tilespmem:$0x18900] =	vst v63  }
0x1f: {  	_ =	swait.ge [sflag:s18], $0x1000  }
0x20: {  	[sflag:s18] =	ssyncset.done $0x0  }
0x21: {  	[sflag:s18] =	ssyncadd.s32 $0xFFFFF000  }
0x22: {  	[tilespmem:s22], [sflag:$0x3] =	stream.linear.gather [hbm4b:s4+s2], $0x100, $0x38;
	[tilespmem:$0x18900] =	vst v63  }
0x23: {  	_ =	swait.ge [sflag:s18], $0x100  }
0x24: {  	[sflag:s18] =	ssyncset.done $0x0  }
0x25: {  	[sflag:s18] =	ssyncadd.s32 $0xFFFFFF00  }
0x26: {  	[tilespmem:s23], [sflag:$0x3] =	stream.linear.gather [hbm4b:s5+s2], $0x1000, $0x38;
	[tilespmem:$0x18900] =	vst v63  }
0x27: {  	_ =	swait.ge [sflag:s18], $0x1000  }
0x28: {  	[sflag:s18] =	ssyncset.done $0x0  }
0x29: {  	[sflag:s18] =	ssyncadd.s32 $0xFFFFF000  }
0x2a: {  	[tilespmem:s24], [sflag:$0x3] =	stream.linear.gather [hbm4b:s6+s2], $0x100, $0x38;
	[tilespmem:$0x18900] =	vst v63  }
0x2b: {  	_ =	swait.ge [sflag:s18], $0x100  }
0x2c: {  	[sflag:s18] =	ssyncset.done $0x0  }
0x2d: {  	s25 =	simm.s32 $0x4800;
	[sflag:s18] =	ssyncadd.s32 $0xFFFFFF00  }
0x2e: {  	[tilespmem:s25], [sflag:$0x3] =	stream.linear.gather [hbm4b:s8+s2], $0x6000, $0x38;
	[tilespmem:$0x18900] =	vst v63  }
0x2f: {  	_ =	swait.ge [sflag:s18], $0x6000  }
0x30: {  	[sflag:s18] =	ssyncset.done $0x0  }
0x31: {  	s1 =	simm.s32 $0x0;
	v0 =	vimm.f32 $0.0e+00;
	s0 =	simm.s32 $0x40;
	[sflag:s18] =	ssyncadd.s32 $0xFFFFA000  }
.LBB2_2:
0x32: {  	p0 =	sne.s32 s0, $0x18140;
	[tilespmem:s1+$0xA800] =	vst v0;
	s1 =	smov.u32 s0;
	s0 =	sadd.s32 $0x40, s0  }
.Ltmp0:
0x33: {  	(pc) =	sbr.rel @p0 .LBB2_2-.Ltmp0, $2  }
0x34: {  	_ =	sdelay $0x2  }
0x35: {  	s1 =	sshra.s32 s1, $0x2  }
0x36: {  	[tilespmem:s1+$0xA800] =	vst v0;
	s0 =	simm.s32 $0x0  }
0x37: {  	v1 =	vld [tilespmem:s0+$0x0];
	_ =	sdelay $0x1  }
0x38: {  	v2 =	vld [tilespmem:s0+$0x1600];
	_ =	sdelay $0x2  }
0x39: {  	v4 =	vld [tilespmem:s0+$0x2600];
	vm0 =	vlt.s32 v1, $0x100  }
0x3a: {  	v1 =	vnsel vm0, $0x0, v1  }
0x3b: {  	s25 =	simm.s32 $0x10  }
0x3c: {  	v5 =	vld [tilespmem:s25+$0x0]  }
0x3d: {  	v3 =	vld [tilespmem:s25+$0x1600]  }
0x3e: {  	v6 =	vld.idx.msk [tilespmem:v2+s22+$0x0], $0xffff  }
0x3f: {  	v7 =	vld.idx.msk [tilespmem:v1+s24+$0x0], $0xffff  }
0x40: {  	v2 =	vld [tilespmem:s25+$0x2600]  }
0x41: {  	vm1 =	vlt.s32 v5, $0x100;
	v1 =	vld.idx.msk [tilespmem:v4+s23+$0x0], $0xffff  }
0x42: {  	v5 =	vnsel vm1, $0x0, v5  }
0x43: {  	s1 =	simm.s32 $0x20  }
0x44: {  	s17 =	simm.s32 $0xC0;
	s0 =	simm.s32 $0x0;
	vm0 =	vmmov vm0;
	v4 =	vld [tilespmem:s1+$0x1600];
	v6 =	vadd.f32 v6, v7  }
.LBB2_4:
0x45: {  	p0 =	sne.s32 s17, $0x3FC0;
	v7 =	vld [tilespmem:s1+$0x0]  }
0x46: {  	v8 =	vld.idx.msk [tilespmem:v3+s22+$0x0], $0xffff;
	v1 =	vadd.f32 v1, v6  }
0x47: {  	v6 =	vld.idx.msk [tilespmem:v5+s24+$0x0], $0xffff  }
0x48: {  	v5 =	vnsel vm0, $0x0, v1;
	vm0 =	vmmov vm1  }
.Ltmp1:
0x49: {  	v1 =	vld.idx.msk [tilespmem:v2+s23+$0x0], $0xffff;
	v0 =	vadd.f32 v5, v0;
	v3 =	vmov v4;
	(pc) =	sbr.rel @p0 .LBB2_4-.Ltmp1, $4  }
0x4a: {  	v2 =	vld [tilespmem:s1+$0x2600];
	vm1 =	vlt.s32 v7, $0x100  }
0x4b: {  	v5 =	vnsel vm1, $0x0, v7  }
0x4c: {  	s1 =	sshra.s32 s17, $0x2  }
0x4d: {  	s17 =	sadd.s32 $0x40, s17;
	v6 =	vadd.f32 v8, v6;
	v4 =	vld [tilespmem:s1+$0x1600]  }
0x4e: {  	v7 =	vld [tilespmem:s1+$0x0];
	_ =	sdelay $0x4  }
0x4f: {  	v8 =	vld [tilespmem:s1+$0x2600];
	vm2 =	vlt.s32 v7, $0x100  }
0x50: {  	v7 =	vnsel vm2, $0x0, v7  }
0x51: {  	v3 =	vld.idx.msk [tilespmem:v3+s22+$0x0], $0xffff  }
0x52: {  	v5 =	vld.idx.msk [tilespmem:v5+s24+$0x0], $0xffff  }
0x53: {  	v2 =	vld.idx.msk [tilespmem:v2+s23+$0x0], $0xffff  }
0x54: {  	v4 =	vld.idx.msk [tilespmem:v4+s22+$0x0], $0xffff  }
0x55: {  	v7 =	vld.idx.msk [tilespmem:v7+s24+$0x0], $0xffff;
	_ =	sdelay $0x1  }
0x56: {  	v8 =	vld.idx.msk [tilespmem:v8+s23+$0x0], $0xffff  }
0x57: {  	v1 =	vadd.f32 v1, v6;
	v3 =	vadd.f32 v3, v5;
	_ =	sdelay $0x1  }
0x58: {  	v1 =	vnsel vm0, $0x0, v1;
	v2 =	vadd.f32 v2, v3;
	v3 =	vadd.f32 v4, v7  }
0x59: {  	vm14 =	vmmov vm1;
	v0 =	vadd.f32 v1, v0  }
0x5a: {  	v1 =	vnsel vm14, $0x0, v2;
	v2 =	vadd.f32 v8, v3  }
0x5b: {  	vm15 =	vmmov vm2;
	v0 =	vadd.f32 v1, v0  }
0x5c: {  	v1 =	vnsel vm15, $0x0, v2  }
0x5d: {  	s1 =	simm.s32 $0x1000;
	s17 =	simm.s32 $0x1080;
	v0 =	vadd.f32 v1, v0  }
.LBB2_6:
0x5e: {  	s19 =	sshll.u32 s0, $0xF  }
0x5f: {  	s19 =	sadd.s32 s7, s19  }
0x60: {  	s20 =	sshrl.u32 s19, $0x3  }
0x61: {  	s21 =	sadd.s32 s20, s14;
	s20 =	simm.s32 $0x0  }
0x62: {  	v1 =	vmov s1;
	[tilespmem:s26], [sflag:$0x2] =	stream.linear.gather [hbm4b:s21+s20], $0x4000, $0x38;
	[tilespmem:$0x18900] =	vst v63  }
0x63: {  	_ =	swait.ge [sflag:s28], $0x4000  }
0x64: {  	[sflag:s28] =	ssyncset.done $0x0  }
0x65: {  	s21 =	simm.s32 $0x10C80;
	[sflag:s28] =	ssyncadd.s32 $0xFFFFC000  }
.LBB2_7:
0x66: {  	s25 =	sshra.s32 s20, $0x2  }
0x67: {  	v2 =	vld.idx.msk [tilespmem:v1+s25+$0x0 ss:$0x1], $0xffff;
	_ =	sdelay $0x4  }
0x68: {  	v2 =	vmul.u32 $0x180, v2;
	_ =	sdelay $0x1  }
0x69: {  	v2 =	vshra.s32 v2, $0x2  }
0x6a: {  	(v2sf) =	vpush v2, $0x0;
	_ =	sdelay $0x3  }
0x6b: {  	v3 =	vld [tilespmem:s21+$0xFFFFFC00]  }
0x6c: {  	v4 =	vld [tilespmem:s21+$0xFFFFFC10]  }
0x6d: {  	v5 =	vld [tilespmem:s21+$0xFFFFFC20];
	(v2sf) =	vpush v2, $0x1  }
0x6e: {  	v6 =	vld [tilespmem:s21+$0xFFFFFC30]  }
0x6f: {  	v7 =	vld [tilespmem:s21+$0xFFFFFC40]  }
0x70: {  	v8 =	vld [tilespmem:s21+$0xFFFFFC50]  }
0x71: {  	v9 =	vld [tilespmem:s21+$0xFFFFFC80]  }
0x72: {  	v10 =	vld [tilespmem:s21+$0xFFFFFC90]  }
0x73: {  	v11 =	vld [tilespmem:s21+$0xFFFFFCA0]  }
0x74: {  	v12 =	vld [tilespmem:s21+$0xFFFFFCB0]  }
0x75: {  	v13 =	vld [tilespmem:s21+$0xFFFFFCC0]  }
0x76: {  	v14 =	vld [tilespmem:s21+$0xFFFFFCD0];
	s25 =	spop (v2sf)  }
0x77: {  	[tilespmem:s25+$0xA800] =	vst.add.f32.msk $0xffff, v3  }
0x78: {  	[tilespmem:s25+$0xA810] =	vst.add.f32.msk $0xffff, v4  }
0x79: {  	[tilespmem:s25+$0xA820] =	vst.add.f32.msk $0xffff, v5  }
0x7a: {  	[tilespmem:s25+$0xA830] =	vst.add.f32.msk $0xffff, v6  }
0x7b: {  	[tilespmem:s25+$0xA840] =	vst.add.f32.msk $0xffff, v7  }
0x7c: {  	[tilespmem:s25+$0xA850] =	vst.add.f32.msk $0xffff, v8;
	s25 =	spop (v2sf)  }
0x7d: {  	[tilespmem:s25+$0xA800] =	vst.add.f32.msk $0xffff, v9  }
0x7e: {  	[tilespmem:s25+$0xA810] =	vst.add.f32.msk $0xffff, v10  }
0x7f: {  	(v2sf) =	vpush v2, $0x2;
	[tilespmem:s25+$0xA820] =	vst.add.f32.msk $0xffff, v11  }
0x80: {  	[tilespmem:s25+$0xA830] =	vst.add.f32.msk $0xffff, v12  }
0x81: {  	[tilespmem:s25+$0xA840] =	vst.add.f32.msk $0xffff, v13  }
0x82: {  	[tilespmem:s25+$0xA850] =	vst.add.f32.msk $0xffff, v14  }
0x83: {  	v3 =	vld [tilespmem:s21+$0xFFFFFD00]  }
0x84: {  	v4 =	vld [tilespmem:s21+$0xFFFFFD10]  }
0x85: {  	(v2sf) =	vpush v2, $0x3;
	v5 =	vld [tilespmem:s21+$0xFFFFFD20]  }
0x86: {  	v6 =	vld [tilespmem:s21+$0xFFFFFD30]  }
0x87: {  	v7 =	vld [tilespmem:s21+$0xFFFFFD40]  }
0x88: {  	v8 =	vld [tilespmem:s21+$0xFFFFFD50]  }
0x89: {  	v9 =	vld [tilespmem:s21+$0xFFFFFD80]  }
0x8a: {  	v10 =	vld [tilespmem:s21+$0xFFFFFD90]  }
0x8b: {  	v11 =	vld [tilespmem:s21+$0xFFFFFDA0]  }
0x8c: {  	v12 =	vld [tilespmem:s21+$0xFFFFFDB0]  }
0x8d: {  	v13 =	vld [tilespmem:s21+$0xFFFFFDC0]  }
0x8e: {  	v14 =	vld [tilespmem:s21+$0xFFFFFDD0];
	s25 =	spop (v2sf)  }
0x8f: {  	[tilespmem:s25+$0xA800] =	vst.add.f32.msk $0xffff, v3  }
0x90: {  	[tilespmem:s25+$0xA810] =	vst.add.f32.msk $0xffff, v4  }
0x91: {  	[tilespmem:s25+$0xA820] =	vst.add.f32.msk $0xffff, v5  }
0x92: {  	[tilespmem:s25+$0xA830] =	vst.add.f32.msk $0xffff, v6  }
0x93: {  	[tilespmem:s25+$0xA840] =	vst.add.f32.msk $0xffff, v7  }
0x94: {  	[tilespmem:s25+$0xA850] =	vst.add.f32.msk $0xffff, v8;
	s25 =	spop (v2sf)  }
0x95: {  	[tilespmem:s25+$0xA800] =	vst.add.f32.msk $0xffff, v9  }
0x96: {  	[tilespmem:s25+$0xA810] =	vst.add.f32.msk $0xffff, v10  }
0x97: {  	(v2sf) =	vpush v2, $0x4;
	[tilespmem:s25+$0xA820] =	vst.add.f32.msk $0xffff, v11  }
0x98: {  	[tilespmem:s25+$0xA830] =	vst.add.f32.msk $0xffff, v12  }
0x99: {  	[tilespmem:s25+$0xA840] =	vst.add.f32.msk $0xffff, v13  }
0x9a: {  	[tilespmem:s25+$0xA850] =	vst.add.f32.msk $0xffff, v14  }
0x9b: {  	v3 =	vld [tilespmem:s21+$0xFFFFFE00]  }
0x9c: {  	v4 =	vld [tilespmem:s21+$0xFFFFFE10]  }
0x9d: {  	(v2sf) =	vpush v2, $0x5;
	v5 =	vld [tilespmem:s21+$0xFFFFFE20]  }
0x9e: {  	v6 =	vld [tilespmem:s21+$0xFFFFFE30]  }
0x9f: {  	v7 =	vld [tilespmem:s21+$0xFFFFFE40]  }
0xa0: {  	v8 =	vld [tilespmem:s21+$0xFFFFFE50]  }
0xa1: {  	v9 =	vld [tilespmem:s21+$0xFFFFFE80]  }
0xa2: {  	v10 =	vld [tilespmem:s21+$0xFFFFFE90]  }
0xa3: {  	v11 =	vld [tilespmem:s21+$0xFFFFFEA0]  }
0xa4: {  	v12 =	vld [tilespmem:s21+$0xFFFFFEB0]  }
0xa5: {  	v13 =	vld [tilespmem:s21+$0xFFFFFEC0]  }
0xa6: {  	v14 =	vld [tilespmem:s21+$0xFFFFFED0];
	s25 =	spop (v2sf)  }
0xa7: {  	[tilespmem:s25+$0xA800] =	vst.add.f32.msk $0xffff, v3  }
0xa8: {  	[tilespmem:s25+$0xA810] =	vst.add.f32.msk $0xffff, v4  }
0xa9: {  	[tilespmem:s25+$0xA820] =	vst.add.f32.msk $0xffff, v5  }
0xaa: {  	[tilespmem:s25+$0xA830] =	vst.add.f32.msk $0xffff, v6  }
0xab: {  	[tilespmem:s25+$0xA840] =	vst.add.f32.msk $0xffff, v7  }
0xac: {  	[tilespmem:s25+$0xA850] =	vst.add.f32.msk $0xffff, v8;
	s25 =	spop (v2sf)  }
0xad: {  	[tilespmem:s25+$0xA800] =	vst.add.f32.msk $0xffff, v9  }
0xae: {  	[tilespmem:s25+$0xA810] =	vst.add.f32.msk $0xffff, v10  }
0xaf: {  	(v2sf) =	vpush v2, $0x6;
	[tilespmem:s25+$0xA820] =	vst.add.f32.msk $0xffff, v11  }
0xb0: {  	[tilespmem:s25+$0xA830] =	vst.add.f32.msk $0xffff, v12  }
0xb1: {  	[tilespmem:s25+$0xA840] =	vst.add.f32.msk $0xffff, v13  }
0xb2: {  	[tilespmem:s25+$0xA850] =	vst.add.f32.msk $0xffff, v14  }
0xb3: {  	v3 =	vld [tilespmem:s21+$0xFFFFFF00]  }
0xb4: {  	v4 =	vld [tilespmem:s21+$0xFFFFFF10]  }
0xb5: {  	(v2sf) =	vpush v2, $0x7;
	v5 =	vld [tilespmem:s21+$0xFFFFFF20]  }
0xb6: {  	v6 =	vld [tilespmem:s21+$0xFFFFFF30]  }
0xb7: {  	v7 =	vld [tilespmem:s21+$0xFFFFFF40]  }
0xb8: {  	v8 =	vld [tilespmem:s21+$0xFFFFFF50]  }
0xb9: {  	v9 =	vld [tilespmem:s21+$0xFFFFFF80]  }
0xba: {  	v10 =	vld [tilespmem:s21+$0xFFFFFF90]  }
0xbb: {  	v11 =	vld [tilespmem:s21+$0xFFFFFFA0]  }
0xbc: {  	v12 =	vld [tilespmem:s21+$0xFFFFFFB0]  }
0xbd: {  	v13 =	vld [tilespmem:s21+$0xFFFFFFC0]  }
0xbe: {  	v14 =	vld [tilespmem:s21+$0xFFFFFFD0];
	s25 =	spop (v2sf)  }
0xbf: {  	[tilespmem:s25+$0xA800] =	vst.add.f32.msk $0xffff, v3  }
0xc0: {  	[tilespmem:s25+$0xA810] =	vst.add.f32.msk $0xffff, v4  }
0xc1: {  	[tilespmem:s25+$0xA820] =	vst.add.f32.msk $0xffff, v5  }
0xc2: {  	[tilespmem:s25+$0xA830] =	vst.add.f32.msk $0xffff, v6  }
0xc3: {  	[tilespmem:s25+$0xA840] =	vst.add.f32.msk $0xffff, v7  }
0xc4: {  	[tilespmem:s25+$0xA850] =	vst.add.f32.msk $0xffff, v8;
	s25 =	spop (v2sf)  }
0xc5: {  	[tilespmem:s25+$0xA800] =	vst.add.f32.msk $0xffff, v9  }
0xc6: {  	[tilespmem:s25+$0xA810] =	vst.add.f32.msk $0xffff, v10  }
0xc7: {  	(v2sf) =	vpush v2, $0x8;
	[tilespmem:s25+$0xA820] =	vst.add.f32.msk $0xffff, v11  }
0xc8: {  	[tilespmem:s25+$0xA830] =	vst.add.f32.msk $0xffff, v12  }
0xc9: {  	[tilespmem:s25+$0xA840] =	vst.add.f32.msk $0xffff, v13  }
0xca: {  	[tilespmem:s25+$0xA850] =	vst.add.f32.msk $0xffff, v14  }
0xcb: {  	v3 =	vld [tilespmem:s21+$0x0]  }
0xcc: {  	v4 =	vld [tilespmem:s21+$0x10]  }
0xcd: {  	(v2sf) =	vpush v2, $0x9;
	v5 =	vld [tilespmem:s21+$0x20]  }
0xce: {  	v6 =	vld [tilespmem:s21+$0x30]  }
0xcf: {  	v7 =	vld [tilespmem:s21+$0x40]  }
0xd0: {  	v8 =	vld [tilespmem:s21+$0x50]  }
0xd1: {  	v9 =	vld [tilespmem:s21+$0x80]  }
0xd2: {  	v10 =	vld [tilespmem:s21+$0x90]  }
0xd3: {  	v11 =	vld [tilespmem:s21+$0xA0]  }
0xd4: {  	v12 =	vld [tilespmem:s21+$0xB0]  }
0xd5: {  	v13 =	vld [tilespmem:s21+$0xC0]  }
0xd6: {  	v14 =	vld [tilespmem:s21+$0xD0];
	s25 =	spop (v2sf)  }
0xd7: {  	[tilespmem:s25+$0xA800] =	vst.add.f32.msk $0xffff, v3  }
0xd8: {  	[tilespmem:s25+$0xA810] =	vst.add.f32.msk $0xffff, v4  }
0xd9: {  	[tilespmem:s25+$0xA820] =	vst.add.f32.msk $0xffff, v5  }
0xda: {  	[tilespmem:s25+$0xA830] =	vst.add.f32.msk $0xffff, v6  }
0xdb: {  	[tilespmem:s25+$0xA840] =	vst.add.f32.msk $0xffff, v7  }
0xdc: {  	[tilespmem:s25+$0xA850] =	vst.add.f32.msk $0xffff, v8;
	s25 =	spop (v2sf)  }
0xdd: {  	[tilespmem:s25+$0xA800] =	vst.add.f32.msk $0xffff, v9  }
0xde: {  	[tilespmem:s25+$0xA810] =	vst.add.f32.msk $0xffff, v10  }
0xdf: {  	(v2sf) =	vpush v2, $0xA;
	[tilespmem:s25+$0xA820] =	vst.add.f32.msk $0xffff, v11  }
0xe0: {  	[tilespmem:s25+$0xA830] =	vst.add.f32.msk $0xffff, v12  }
0xe1: {  	[tilespmem:s25+$0xA840] =	vst.add.f32.msk $0xffff, v13  }
0xe2: {  	[tilespmem:s25+$0xA850] =	vst.add.f32.msk $0xffff, v14  }
0xe3: {  	v3 =	vld [tilespmem:s21+$0x100]  }
0xe4: {  	v4 =	vld [tilespmem:s21+$0x110]  }
0xe5: {  	(v2sf) =	vpush v2, $0xB;
	v5 =	vld [tilespmem:s21+$0x120]  }
0xe6: {  	v6 =	vld [tilespmem:s21+$0x130]  }
0xe7: {  	v7 =	vld [tilespmem:s21+$0x140]  }
0xe8: {  	v8 =	vld [tilespmem:s21+$0x150]  }
0xe9: {  	v9 =	vld [tilespmem:s21+$0x180]  }
0xea: {  	v10 =	vld [tilespmem:s21+$0x190]  }
0xeb: {  	v11 =	vld [tilespmem:s21+$0x1A0]  }
0xec: {  	v12 =	vld [tilespmem:s21+$0x1B0]  }
0xed: {  	v13 =	vld [tilespmem:s21+$0x1C0]  }
0xee: {  	v14 =	vld [tilespmem:s21+$0x1D0];
	s25 =	spop (v2sf)  }
0xef: {  	[tilespmem:s25+$0xA800] =	vst.add.f32.msk $0xffff, v3  }
0xf0: {  	[tilespmem:s25+$0xA810] =	vst.add.f32.msk $0xffff, v4  }
0xf1: {  	[tilespmem:s25+$0xA820] =	vst.add.f32.msk $0xffff, v5  }
0xf2: {  	[tilespmem:s25+$0xA830] =	vst.add.f32.msk $0xffff, v6  }
0xf3: {  	[tilespmem:s25+$0xA840] =	vst.add.f32.msk $0xffff, v7  }
0xf4: {  	[tilespmem:s25+$0xA850] =	vst.add.f32.msk $0xffff, v8;
	s25 =	spop (v2sf)  }
0xf5: {  	[tilespmem:s25+$0xA800] =	vst.add.f32.msk $0xffff, v9  }
0xf6: {  	[tilespmem:s25+$0xA810] =	vst.add.f32.msk $0xffff, v10  }
0xf7: {  	(v2sf) =	vpush v2, $0xC;
	[tilespmem:s25+$0xA820] =	vst.add.f32.msk $0xffff, v11  }
0xf8: {  	[tilespmem:s25+$0xA830] =	vst.add.f32.msk $0xffff, v12  }
0xf9: {  	[tilespmem:s25+$0xA840] =	vst.add.f32.msk $0xffff, v13  }
0xfa: {  	[tilespmem:s25+$0xA850] =	vst.add.f32.msk $0xffff, v14  }
0xfb: {  	v3 =	vld [tilespmem:s21+$0x200]  }
0xfc: {  	v4 =	vld [tilespmem:s21+$0x210]  }
0xfd: {  	(v2sf) =	vpush v2, $0xD;
	v5 =	vld [tilespmem:s21+$0x220]  }
0xfe: {  	v6 =	vld [tilespmem:s21+$0x230]  }
0xff: {  	v7 =	vld [tilespmem:s21+$0x240]  }
0x100: {  	v8 =	vld [tilespmem:s21+$0x250]  }
0x101: {  	v9 =	vld [tilespmem:s21+$0x280]  }
0x102: {  	v10 =	vld [tilespmem:s21+$0x290]  }
0x103: {  	v11 =	vld [tilespmem:s21+$0x2A0]  }
0x104: {  	v12 =	vld [tilespmem:s21+$0x2B0]  }
0x105: {  	v13 =	vld [tilespmem:s21+$0x2C0]  }
0x106: {  	v14 =	vld [tilespmem:s21+$0x2D0];
	s25 =	spop (v2sf)  }
0x107: {  	[tilespmem:s25+$0xA800] =	vst.add.f32.msk $0xffff, v3  }
0x108: {  	[tilespmem:s25+$0xA810] =	vst.add.f32.msk $0xffff, v4  }
0x109: {  	[tilespmem:s25+$0xA820] =	vst.add.f32.msk $0xffff, v5  }
0x10a: {  	[tilespmem:s25+$0xA830] =	vst.add.f32.msk $0xffff, v6  }
0x10b: {  	[tilespmem:s25+$0xA840] =	vst.add.f32.msk $0xffff, v7  }
0x10c: {  	[tilespmem:s25+$0xA850] =	vst.add.f32.msk $0xffff, v8;
	s25 =	spop (v2sf)  }
0x10d: {  	[tilespmem:s25+$0xA800] =	vst.add.f32.msk $0xffff, v9  }
0x10e: {  	[tilespmem:s25+$0xA810] =	vst.add.f32.msk $0xffff, v10  }
0x10f: {  	(v2sf) =	vpush v2, $0xE;
	[tilespmem:s25+$0xA820] =	vst.add.f32.msk $0xffff, v11  }
0x110: {  	[tilespmem:s25+$0xA830] =	vst.add.f32.msk $0xffff, v12  }
0x111: {  	[tilespmem:s25+$0xA840] =	vst.add.f32.msk $0xffff, v13  }
0x112: {  	[tilespmem:s25+$0xA850] =	vst.add.f32.msk $0xffff, v14  }
0x113: {  	v3 =	vld [tilespmem:s21+$0x300]  }
0x114: {  	v4 =	vld [tilespmem:s21+$0x310]  }
0x115: {  	(v2sf) =	vpush v2, $0xF;
	v5 =	vld [tilespmem:s21+$0x320]  }
0x116: {  	v2 =	vld [tilespmem:s21+$0x330]  }
0x117: {  	v6 =	vld [tilespmem:s21+$0x340]  }
0x118: {  	v7 =	vld [tilespmem:s21+$0x350]  }
0x119: {  	v8 =	vld [tilespmem:s21+$0x380]  }
0x11a: {  	v9 =	vld [tilespmem:s21+$0x390]  }
0x11b: {  	v10 =	vld [tilespmem:s21+$0x3A0]  }
0x11c: {  	v11 =	vld [tilespmem:s21+$0x3B0]  }
0x11d: {  	v12 =	vld [tilespmem:s21+$0x3C0]  }
0x11e: {  	v13 =	vld [tilespmem:s21+$0x3D0];
	s25 =	spop (v2sf)  }
0x11f: {  	[tilespmem:s25+$0xA800] =	vst.add.f32.msk $0xffff, v3  }
0x120: {  	[tilespmem:s25+$0xA810] =	vst.add.f32.msk $0xffff, v4  }
0x121: {  	[tilespmem:s25+$0xA820] =	vst.add.f32.msk $0xffff, v5  }
0x122: {  	[tilespmem:s25+$0xA830] =	vst.add.f32.msk $0xffff, v2  }
0x123: {  	[tilespmem:s25+$0xA840] =	vst.add.f32.msk $0xffff, v6  }
0x124: {  	[tilespmem:s25+$0xA850] =	vst.add.f32.msk $0xffff, v7;
	s25 =	spop (v2sf)  }
0x125: {  	p0 =	sne.s32 s20, $0x1C0;
	[tilespmem:s25+$0xA800] =	vst.add.f32.msk $0xffff, v8  }
.Ltmp2:
0x126: {  	[tilespmem:s25+$0xA810] =	vst.add.f32.msk $0xffff, v9;
	(pc) =	sbr.rel @p0 .LBB2_7-.Ltmp2, $4  }
0x127: {  	[tilespmem:s25+$0xA820] =	vst.add.f32.msk $0xffff, v10  }
0x128: {  	[tilespmem:s25+$0xA830] =	vst.add.f32.msk $0xffff, v11  }
0x129: {  	[tilespmem:s25+$0xA840] =	vst.add.f32.msk $0xffff, v12  }
0x12a: {  	s20 =	sadd.s32 $0x40, s20;
	s21 =	sadd.s32 $0x800, s21;
	[tilespmem:s25+$0xA850] =	vst.add.f32.msk $0xffff, v13  }
0x12b: {  	p0 =	seq.s32 s0, $0x5  }
0x12c: {  	s19 =	sshrl.u32 @!p0 s19, $0x3  }
0x12d: {  	s19 =	sadd.s32 @!p0 s3, s19  }
0x12e: {  	s20 =	simm.s32 @!p0 $0x0;
	s21 =	simm.s32 @!p0 $0x10880;
	s19 =	sadd.s32 @!p0 $0x1000, s19  }
0x12f: {  	v1 =	vmov s17;
	[tilespmem:s21], [sflag:$0x1] =	stream.linear.gather @!p0 [hbm4b:s19+s20], $0x4000, $0x38;
	[tilespmem:$0x18900] =	vst v63  }
0x130: {  	_ =	swait.ge [sflag:s29], $0x4000  }
0x131: {  	[sflag:s29] =	ssyncset.done $0x0  }
0x132: {  	s19 =	simm.s32 $0x0;
	s20 =	simm.s32 $0x14C80;
	[sflag:s29] =	ssyncadd.s32 $0xFFFFC000  }
.LBB2_9:
0x133: {  	s21 =	sshra.s32 s19, $0x2  }
0x134: {  	v2 =	vld.idx.msk [tilespmem:v1+s21+$0x0 ss:$0x1], $0xffff;
	_ =	sdelay $0x4  }
0x135: {  	v2 =	vmul.u32 $0x180, v2;
	_ =	sdelay $0x1  }
0x136: {  	v2 =	vshra.s32 v2, $0x2  }
0x137: {  	(v2sf) =	vpush v2, $0x0;
	_ =	sdelay $0x3  }
0x138: {  	v3 =	vld [tilespmem:s20+$0xFFFFFC00]  }
0x139: {  	v4 =	vld [tilespmem:s20+$0xFFFFFC10]  }
0x13a: {  	v5 =	vld [tilespmem:s20+$0xFFFFFC20];
	(v2sf) =	vpush v2, $0x1  }
0x13b: {  	v6 =	vld [tilespmem:s20+$0xFFFFFC30]  }
0x13c: {  	v7 =	vld [tilespmem:s20+$0xFFFFFC40]  }
0x13d: {  	v8 =	vld [tilespmem:s20+$0xFFFFFC50]  }
0x13e: {  	v9 =	vld [tilespmem:s20+$0xFFFFFC80]  }
0x13f: {  	v10 =	vld [tilespmem:s20+$0xFFFFFC90]  }
0x140: {  	v11 =	vld [tilespmem:s20+$0xFFFFFCA0]  }
0x141: {  	v12 =	vld [tilespmem:s20+$0xFFFFFCB0]  }
0x142: {  	v13 =	vld [tilespmem:s20+$0xFFFFFCC0]  }
0x143: {  	v14 =	vld [tilespmem:s20+$0xFFFFFCD0];
	s25 =	spop (v2sf)  }
0x144: {  	[tilespmem:s25+$0xA800] =	vst.add.f32.msk $0xffff, v3  }
0x145: {  	[tilespmem:s25+$0xA810] =	vst.add.f32.msk $0xffff, v4  }
0x146: {  	[tilespmem:s25+$0xA820] =	vst.add.f32.msk $0xffff, v5  }
0x147: {  	[tilespmem:s25+$0xA830] =	vst.add.f32.msk $0xffff, v6  }
0x148: {  	[tilespmem:s25+$0xA840] =	vst.add.f32.msk $0xffff, v7  }
0x149: {  	[tilespmem:s25+$0xA850] =	vst.add.f32.msk $0xffff, v8;
	s25 =	spop (v2sf)  }
0x14a: {  	[tilespmem:s25+$0xA800] =	vst.add.f32.msk $0xffff, v9  }
0x14b: {  	[tilespmem:s25+$0xA810] =	vst.add.f32.msk $0xffff, v10  }
0x14c: {  	(v2sf) =	vpush v2, $0x2;
	[tilespmem:s25+$0xA820] =	vst.add.f32.msk $0xffff, v11  }
0x14d: {  	[tilespmem:s25+$0xA830] =	vst.add.f32.msk $0xffff, v12  }
0x14e: {  	[tilespmem:s25+$0xA840] =	vst.add.f32.msk $0xffff, v13  }
0x14f: {  	[tilespmem:s25+$0xA850] =	vst.add.f32.msk $0xffff, v14  }
0x150: {  	v3 =	vld [tilespmem:s20+$0xFFFFFD00]  }
0x151: {  	v4 =	vld [tilespmem:s20+$0xFFFFFD10]  }
0x152: {  	(v2sf) =	vpush v2, $0x3;
	v5 =	vld [tilespmem:s20+$0xFFFFFD20]  }
0x153: {  	v6 =	vld [tilespmem:s20+$0xFFFFFD30]  }
0x154: {  	v7 =	vld [tilespmem:s20+$0xFFFFFD40]  }
0x155: {  	v8 =	vld [tilespmem:s20+$0xFFFFFD50]  }
0x156: {  	v9 =	vld [tilespmem:s20+$0xFFFFFD80]  }
0x157: {  	v10 =	vld [tilespmem:s20+$0xFFFFFD90]  }
0x158: {  	v11 =	vld [tilespmem:s20+$0xFFFFFDA0]  }
0x159: {  	v12 =	vld [tilespmem:s20+$0xFFFFFDB0]  }
0x15a: {  	v13 =	vld [tilespmem:s20+$0xFFFFFDC0]  }
0x15b: {  	v14 =	vld [tilespmem:s20+$0xFFFFFDD0];
	s25 =	spop (v2sf)  }
0x15c: {  	[tilespmem:s25+$0xA800] =	vst.add.f32.msk $0xffff, v3  }
0x15d: {  	[tilespmem:s25+$0xA810] =	vst.add.f32.msk $0xffff, v4  }
0x15e: {  	[tilespmem:s25+$0xA820] =	vst.add.f32.msk $0xffff, v5  }
0x15f: {  	[tilespmem:s25+$0xA830] =	vst.add.f32.msk $0xffff, v6  }
0x160: {  	[tilespmem:s25+$0xA840] =	vst.add.f32.msk $0xffff, v7  }
0x161: {  	[tilespmem:s25+$0xA850] =	vst.add.f32.msk $0xffff, v8;
	s25 =	spop (v2sf)  }
0x162: {  	[tilespmem:s25+$0xA800] =	vst.add.f32.msk $0xffff, v9  }
0x163: {  	[tilespmem:s25+$0xA810] =	vst.add.f32.msk $0xffff, v10  }
0x164: {  	(v2sf) =	vpush v2, $0x4;
	[tilespmem:s25+$0xA820] =	vst.add.f32.msk $0xffff, v11  }
0x165: {  	[tilespmem:s25+$0xA830] =	vst.add.f32.msk $0xffff, v12  }
0x166: {  	[tilespmem:s25+$0xA840] =	vst.add.f32.msk $0xffff, v13  }
0x167: {  	[tilespmem:s25+$0xA850] =	vst.add.f32.msk $0xffff, v14  }
0x168: {  	v3 =	vld [tilespmem:s20+$0xFFFFFE00]  }
0x169: {  	v4 =	vld [tilespmem:s20+$0xFFFFFE10]  }
0x16a: {  	(v2sf) =	vpush v2, $0x5;
	v5 =	vld [tilespmem:s20+$0xFFFFFE20]  }
0x16b: {  	v6 =	vld [tilespmem:s20+$0xFFFFFE30]  }
0x16c: {  	v7 =	vld [tilespmem:s20+$0xFFFFFE40]  }
0x16d: {  	v8 =	vld [tilespmem:s20+$0xFFFFFE50]  }
0x16e: {  	v9 =	vld [tilespmem:s20+$0xFFFFFE80]  }
0x16f: {  	v10 =	vld [tilespmem:s20+$0xFFFFFE90]  }
0x170: {  	v11 =	vld [tilespmem:s20+$0xFFFFFEA0]  }
0x171: {  	v12 =	vld [tilespmem:s20+$0xFFFFFEB0]  }
0x172: {  	v13 =	vld [tilespmem:s20+$0xFFFFFEC0]  }
0x173: {  	v14 =	vld [tilespmem:s20+$0xFFFFFED0];
	s25 =	spop (v2sf)  }
0x174: {  	[tilespmem:s25+$0xA800] =	vst.add.f32.msk $0xffff, v3  }
0x175: {  	[tilespmem:s25+$0xA810] =	vst.add.f32.msk $0xffff, v4  }
0x176: {  	[tilespmem:s25+$0xA820] =	vst.add.f32.msk $0xffff, v5  }
0x177: {  	[tilespmem:s25+$0xA830] =	vst.add.f32.msk $0xffff, v6  }
0x178: {  	[tilespmem:s25+$0xA840] =	vst.add.f32.msk $0xffff, v7  }
0x179: {  	[tilespmem:s25+$0xA850] =	vst.add.f32.msk $0xffff, v8;
	s25 =	spop (v2sf)  }
0x17a: {  	[tilespmem:s25+$0xA800] =	vst.add.f32.msk $0xffff, v9  }
0x17b: {  	[tilespmem:s25+$0xA810] =	vst.add.f32.msk $0xffff, v10  }
0x17c: {  	(v2sf) =	vpush v2, $0x6;
	[tilespmem:s25+$0xA820] =	vst.add.f32.msk $0xffff, v11  }
0x17d: {  	[tilespmem:s25+$0xA830] =	vst.add.f32.msk $0xffff, v12  }
0x17e: {  	[tilespmem:s25+$0xA840] =	vst.add.f32.msk $0xffff, v13  }
0x17f: {  	[tilespmem:s25+$0xA850] =	vst.add.f32.msk $0xffff, v14  }
0x180: {  	v3 =	vld [tilespmem:s20+$0xFFFFFF00]  }
0x181: {  	v4 =	vld [tilespmem:s20+$0xFFFFFF10]  }
0x182: {  	(v2sf) =	vpush v2, $0x7;
	v5 =	vld [tilespmem:s20+$0xFFFFFF20]  }
0x183: {  	v6 =	vld [tilespmem:s20+$0xFFFFFF30]  }
0x184: {  	v7 =	vld [tilespmem:s20+$0xFFFFFF40]  }
0x185: {  	v8 =	vld [tilespmem:s20+$0xFFFFFF50]  }
0x186: {  	v9 =	vld [tilespmem:s20+$0xFFFFFF80]  }
0x187: {  	v10 =	vld [tilespmem:s20+$0xFFFFFF90]  }
0x188: {  	v11 =	vld [tilespmem:s20+$0xFFFFFFA0]  }
0x189: {  	v12 =	vld [tilespmem:s20+$0xFFFFFFB0]  }
0x18a: {  	v13 =	vld [tilespmem:s20+$0xFFFFFFC0]  }
0x18b: {  	v14 =	vld [tilespmem:s20+$0xFFFFFFD0];
	s25 =	spop (v2sf)  }
0x18c: {  	[tilespmem:s25+$0xA800] =	vst.add.f32.msk $0xffff, v3  }
0x18d: {  	[tilespmem:s25+$0xA810] =	vst.add.f32.msk $0xffff, v4  }
0x18e: {  	[tilespmem:s25+$0xA820] =	vst.add.f32.msk $0xffff, v5  }
0x18f: {  	[tilespmem:s25+$0xA830] =	vst.add.f32.msk $0xffff, v6  }
0x190: {  	[tilespmem:s25+$0xA840] =	vst.add.f32.msk $0xffff, v7  }
0x191: {  	[tilespmem:s25+$0xA850] =	vst.add.f32.msk $0xffff, v8;
	s25 =	spop (v2sf)  }
0x192: {  	[tilespmem:s25+$0xA800] =	vst.add.f32.msk $0xffff, v9  }
0x193: {  	[tilespmem:s25+$0xA810] =	vst.add.f32.msk $0xffff, v10  }
0x194: {  	(v2sf) =	vpush v2, $0x8;
	[tilespmem:s25+$0xA820] =	vst.add.f32.msk $0xffff, v11  }
0x195: {  	[tilespmem:s25+$0xA830] =	vst.add.f32.msk $0xffff, v12  }
0x196: {  	[tilespmem:s25+$0xA840] =	vst.add.f32.msk $0xffff, v13  }
0x197: {  	[tilespmem:s25+$0xA850] =	vst.add.f32.msk $0xffff, v14  }
0x198: {  	v3 =	vld [tilespmem:s20+$0x0]  }
0x199: {  	v4 =	vld [tilespmem:s20+$0x10]  }
0x19a: {  	(v2sf) =	vpush v2, $0x9;
	v5 =	vld [tilespmem:s20+$0x20]  }
0x19b: {  	v6 =	vld [tilespmem:s20+$0x30]  }
0x19c: {  	v7 =	vld [tilespmem:s20+$0x40]  }
0x19d: {  	v8 =	vld [tilespmem:s20+$0x50]  }
0x19e: {  	v9 =	vld [tilespmem:s20+$0x80]  }
0x19f: {  	v10 =	vld [tilespmem:s20+$0x90]  }
0x1a0: {  	v11 =	vld [tilespmem:s20+$0xA0]  }
0x1a1: {  	v12 =	vld [tilespmem:s20+$0xB0]  }
0x1a2: {  	v13 =	vld [tilespmem:s20+$0xC0]  }
0x1a3: {  	v14 =	vld [tilespmem:s20+$0xD0];
	s25 =	spop (v2sf)  }
0x1a4: {  	[tilespmem:s25+$0xA800] =	vst.add.f32.msk $0xffff, v3  }
0x1a5: {  	[tilespmem:s25+$0xA810] =	vst.add.f32.msk $0xffff, v4  }
0x1a6: {  	[tilespmem:s25+$0xA820] =	vst.add.f32.msk $0xffff, v5  }
0x1a7: {  	[tilespmem:s25+$0xA830] =	vst.add.f32.msk $0xffff, v6  }
0x1a8: {  	[tilespmem:s25+$0xA840] =	vst.add.f32.msk $0xffff, v7  }
0x1a9: {  	[tilespmem:s25+$0xA850] =	vst.add.f32.msk $0xffff, v8;
	s25 =	spop (v2sf)  }
0x1aa: {  	[tilespmem:s25+$0xA800] =	vst.add.f32.msk $0xffff, v9  }
0x1ab: {  	[tilespmem:s25+$0xA810] =	vst.add.f32.msk $0xffff, v10  }
0x1ac: {  	(v2sf) =	vpush v2, $0xA;
	[tilespmem:s25+$0xA820] =	vst.add.f32.msk $0xffff, v11  }
0x1ad: {  	[tilespmem:s25+$0xA830] =	vst.add.f32.msk $0xffff, v12  }
0x1ae: {  	[tilespmem:s25+$0xA840] =	vst.add.f32.msk $0xffff, v13  }
0x1af: {  	[tilespmem:s25+$0xA850] =	vst.add.f32.msk $0xffff, v14  }
0x1b0: {  	v3 =	vld [tilespmem:s20+$0x100]  }
0x1b1: {  	v4 =	vld [tilespmem:s20+$0x110]  }
0x1b2: {  	(v2sf) =	vpush v2, $0xB;
	v5 =	vld [tilespmem:s20+$0x120]  }
0x1b3: {  	v6 =	vld [tilespmem:s20+$0x130]  }
0x1b4: {  	v7 =	vld [tilespmem:s20+$0x140]  }
0x1b5: {  	v8 =	vld [tilespmem:s20+$0x150]  }
0x1b6: {  	v9 =	vld [tilespmem:s20+$0x180]  }
0x1b7: {  	v10 =	vld [tilespmem:s20+$0x190]  }
0x1b8: {  	v11 =	vld [tilespmem:s20+$0x1A0]  }
0x1b9: {  	v12 =	vld [tilespmem:s20+$0x1B0]  }
0x1ba: {  	v13 =	vld [tilespmem:s20+$0x1C0]  }
0x1bb: {  	v14 =	vld [tilespmem:s20+$0x1D0];
	s25 =	spop (v2sf)  }
0x1bc: {  	[tilespmem:s25+$0xA800] =	vst.add.f32.msk $0xffff, v3  }
0x1bd: {  	[tilespmem:s25+$0xA810] =	vst.add.f32.msk $0xffff, v4  }
0x1be: {  	[tilespmem:s25+$0xA820] =	vst.add.f32.msk $0xffff, v5  }
0x1bf: {  	[tilespmem:s25+$0xA830] =	vst.add.f32.msk $0xffff, v6  }
0x1c0: {  	[tilespmem:s25+$0xA840] =	vst.add.f32.msk $0xffff, v7  }
0x1c1: {  	[tilespmem:s25+$0xA850] =	vst.add.f32.msk $0xffff, v8;
	s25 =	spop (v2sf)  }
0x1c2: {  	[tilespmem:s25+$0xA800] =	vst.add.f32.msk $0xffff, v9  }
0x1c3: {  	[tilespmem:s25+$0xA810] =	vst.add.f32.msk $0xffff, v10  }
0x1c4: {  	(v2sf) =	vpush v2, $0xC;
	[tilespmem:s25+$0xA820] =	vst.add.f32.msk $0xffff, v11  }
0x1c5: {  	[tilespmem:s25+$0xA830] =	vst.add.f32.msk $0xffff, v12  }
0x1c6: {  	[tilespmem:s25+$0xA840] =	vst.add.f32.msk $0xffff, v13  }
0x1c7: {  	[tilespmem:s25+$0xA850] =	vst.add.f32.msk $0xffff, v14  }
0x1c8: {  	v3 =	vld [tilespmem:s20+$0x200]  }
0x1c9: {  	v4 =	vld [tilespmem:s20+$0x210]  }
0x1ca: {  	(v2sf) =	vpush v2, $0xD;
	v5 =	vld [tilespmem:s20+$0x220]  }
0x1cb: {  	v6 =	vld [tilespmem:s20+$0x230]  }
0x1cc: {  	v7 =	vld [tilespmem:s20+$0x240]  }
0x1cd: {  	v8 =	vld [tilespmem:s20+$0x250]  }
0x1ce: {  	v9 =	vld [tilespmem:s20+$0x280]  }
0x1cf: {  	v10 =	vld [tilespmem:s20+$0x290]  }
0x1d0: {  	v11 =	vld [tilespmem:s20+$0x2A0]  }
0x1d1: {  	v12 =	vld [tilespmem:s20+$0x2B0]  }
0x1d2: {  	v13 =	vld [tilespmem:s20+$0x2C0]  }
0x1d3: {  	v14 =	vld [tilespmem:s20+$0x2D0];
	s25 =	spop (v2sf)  }
0x1d4: {  	[tilespmem:s25+$0xA800] =	vst.add.f32.msk $0xffff, v3  }
0x1d5: {  	[tilespmem:s25+$0xA810] =	vst.add.f32.msk $0xffff, v4  }
0x1d6: {  	[tilespmem:s25+$0xA820] =	vst.add.f32.msk $0xffff, v5  }
0x1d7: {  	[tilespmem:s25+$0xA830] =	vst.add.f32.msk $0xffff, v6  }
0x1d8: {  	[tilespmem:s25+$0xA840] =	vst.add.f32.msk $0xffff, v7  }
0x1d9: {  	[tilespmem:s25+$0xA850] =	vst.add.f32.msk $0xffff, v8;
	s25 =	spop (v2sf)  }
0x1da: {  	[tilespmem:s25+$0xA800] =	vst.add.f32.msk $0xffff, v9  }
0x1db: {  	[tilespmem:s25+$0xA810] =	vst.add.f32.msk $0xffff, v10  }
0x1dc: {  	(v2sf) =	vpush v2, $0xE;
	[tilespmem:s25+$0xA820] =	vst.add.f32.msk $0xffff, v11  }
0x1dd: {  	[tilespmem:s25+$0xA830] =	vst.add.f32.msk $0xffff, v12  }
0x1de: {  	[tilespmem:s25+$0xA840] =	vst.add.f32.msk $0xffff, v13  }
0x1df: {  	[tilespmem:s25+$0xA850] =	vst.add.f32.msk $0xffff, v14  }
0x1e0: {  	v3 =	vld [tilespmem:s20+$0x300]  }
0x1e1: {  	v4 =	vld [tilespmem:s20+$0x310]  }
0x1e2: {  	(v2sf) =	vpush v2, $0xF;
	v5 =	vld [tilespmem:s20+$0x320]  }
0x1e3: {  	v2 =	vld [tilespmem:s20+$0x330]  }
0x1e4: {  	v6 =	vld [tilespmem:s20+$0x340]  }
0x1e5: {  	v7 =	vld [tilespmem:s20+$0x350]  }
0x1e6: {  	v8 =	vld [tilespmem:s20+$0x380]  }
0x1e7: {  	v9 =	vld [tilespmem:s20+$0x390]  }
0x1e8: {  	v10 =	vld [tilespmem:s20+$0x3A0]  }
0x1e9: {  	v11 =	vld [tilespmem:s20+$0x3B0]  }
0x1ea: {  	v12 =	vld [tilespmem:s20+$0x3C0]  }
0x1eb: {  	v13 =	vld [tilespmem:s20+$0x3D0];
	s25 =	spop (v2sf)  }
0x1ec: {  	[tilespmem:s25+$0xA800] =	vst.add.f32.msk $0xffff, v3  }
0x1ed: {  	[tilespmem:s25+$0xA810] =	vst.add.f32.msk $0xffff, v4  }
0x1ee: {  	[tilespmem:s25+$0xA820] =	vst.add.f32.msk $0xffff, v5  }
0x1ef: {  	[tilespmem:s25+$0xA830] =	vst.add.f32.msk $0xffff, v2  }
0x1f0: {  	[tilespmem:s25+$0xA840] =	vst.add.f32.msk $0xffff, v6  }
0x1f1: {  	[tilespmem:s25+$0xA850] =	vst.add.f32.msk $0xffff, v7;
	s25 =	spop (v2sf)  }
0x1f2: {  	p0 =	sne.s32 s19, $0x1C0;
	[tilespmem:s25+$0xA800] =	vst.add.f32.msk $0xffff, v8  }
.Ltmp3:
0x1f3: {  	[tilespmem:s25+$0xA810] =	vst.add.f32.msk $0xffff, v9;
	(pc) =	sbr.rel @p0 .LBB2_9-.Ltmp3, $4  }
0x1f4: {  	[tilespmem:s25+$0xA820] =	vst.add.f32.msk $0xffff, v10  }
0x1f5: {  	[tilespmem:s25+$0xA830] =	vst.add.f32.msk $0xffff, v11  }
0x1f6: {  	[tilespmem:s25+$0xA840] =	vst.add.f32.msk $0xffff, v12  }
0x1f7: {  	s19 =	sadd.s32 $0x40, s19;
	s20 =	sadd.s32 $0x800, s20;
	[tilespmem:s25+$0xA850] =	vst.add.f32.msk $0xffff, v13  }
0x1f8: {  	s0 =	sadd.s32 $0x1, s0  }
0x1f9: {  	p0 =	sne.s32 s0, $0x6  }
.Ltmp4:
0x1fa: {  	_ = 	snop;
	(pc) =	sbr.rel @p0 .LBB2_6-.Ltmp4, $2  }
0x1fb: {  	_ =	sdelay $0x2  }
0x1fc: {  	s1 =	sadd.s32 $0x100, s1;
	s17 =	sadd.s32 $0x100, s17  }
0x1fd: {  	s1 =	simm.s32 $0x0  }
0x1fe: {  	v1 =	vld [tilespmem:s1+$0xA800]  }
0x1ff: {  	s0 =	simm.s32 $0x40;
	v2 =	vld [tilespmem:s1+$0x4800]  }
.LBB2_12:
0x200: {  	_ = 	snop  }
0x201: {  	p0 =	sne.s32 s0, $0x17FC0  }
.Ltmp5:
0x202: {  	_ = 	snop;
	(pc) =	sbr.rel @p0 .LBB2_12-.Ltmp5, $4  }
0x203: {  	_ = 	snop  }
0x204: {  	s1 =	sshra.s32 s0, $0x2;
	v3 =	vmul.f32 v2, v1  }
0x205: {  	v1 =	vld [tilespmem:s1+$0xA800]  }
0x206: {  	s0 =	sadd.s32 $0x40, s0;
	v2 =	vld [tilespmem:s1+$0x4800];
	v0 =	vadd.f32 v3, v0  }
0x207: {  	_ =	sdelay $0x3  }
0x208: {  	v1 =	vmul.f32 v2, v1;
	_ =	sdelay $0x1  }
0x209: {  	s31 =	sadd.s32 $0x1, s31;
	v0 =	vadd.f32 v1, v0  }
0x20a: {  	p0 =	sne.s32 s31, s16  }
.Ltmp6:
0x20b: {  	[tilespmem:$0x18880] =	vst v0;
	(pc) =	sbr.rel @p0 .LBB2_1-.Ltmp6, $4  }
0x20c: {  	[hbm4b:s15+s2] =	stream.linear.scatter [tilespmem:s30], [sflag:$0x3], $0x80, $0x38;
	[tilespmem:$0x18900] =	vst v63  }
0x20d: {  	_ =	swait.ge [sflag:s18], $0x80  }
0x20e: {  	[sflag:s18] =	ssyncset.done $0x0  }
0x20f: {  	[sflag:s18] =	ssyncadd.s32 $0xFFFFFF80  }
0x210: {  	_ =	sfence.sel $0x180000  }
0x211: {  	[bflag:$0x0] =	sbarrier.arrive $0xFFFF  }
0x212: {  	_ =	strace $0x90000047  }
0x213: {  	s0 =	stileid.u32;
	[bflag:$0x2] =	sbarrier.arrive $0xFFFF  }
0x214: {  	p0 =	sne.s32 s0, $0x0;
	s0 =	rddreg [dreg:$0x1]  }
0x215: {  	s0 =	sadd.s32 @!p0 $0x100000, s0  }
0x216: {  	[sflag:s0] =	ssyncadd.tile.s32 @!p0 $0x1;
	_ =	shalt  }
.Lfunc_end2:
_tile_overlayer_lowered:
.L_overlay_start_2:
0x217: {  	(tag) =	ssettag $0x2  }
0x218: {  	s0 =	rddreg [dreg:$0x0];
	s2 =	stileid.u32  }
0x219: {  	s1 =	rddreg [dreg:$0x1];
	p0 =	sne.s32 s2, $0x0  }
0x21a: {  	s3 =	rddreg [dreg:$0x2];
	[bflag:$0x3] =	sbarrier.arrive $0xFFFF;
	s2 =	simm.s32 @!p0 $0x1C03  }
0x21b: {  	[timem:s3], [sflag:s2] =	dma.local @!p0 [hbm:s0], s1  }
0x21c: {  	s0 =	simm.s32 @!p0 $0x3  }
0x21d: {  	_ =	swait.ge @!p0 [sflag:s0], s1  }
0x21e: {  	s1 =	ssub.s32 @!p0 $0x0, s1;
	[sflag:s0] =	ssyncset.done @!p0 $0x0  }
0x21f: {  	[sflag:s0] =	ssyncadd.s32 @!p0 s1  }
0x220: {  	[bflag:$0x3] =	sbarrier.arrive $0xFFFF  }
0x221: {  	_ =	shalt  }

</sc_bundles>
